<compile_context>
chip_gen: v7x
topology: tpu7x:2x2x1
jax: 0.10.2.dev20260603
libtpu: 0.0.44.dev20260713+nightly
codegen_flags: <defaults>
</compile_context>

<pallas_src>
import jax
import jax.numpy as jnp
from jax import lax
from jax.experimental import pallas as pl
from jax.experimental.pallas import tpu as pltpu
from jax.experimental.pallas import tpu_sc as plsc

_NUM_ARMS = 1000000
_D = 32
_B = 4096
_S = 50

_NW = 32
_T = 400
_G = 4
_TPG = _T // _G
_CHUNKS = _B * _S // _T
_CPW = _CHUNKS // _NW
_PAIRS = _CPW // 2


def _lane_bcast(vec, j):
    idx = jnp.full((16, 1), j, dtype=jnp.int32)
    dnums = lax.GatherDimensionNumbers(
        offset_dims=(), collapsed_slice_dims=(0,), start_index_map=(0,))
    return lax.gather(vec, idx, dnums, slice_sizes=(1,),
                      mode=lax.GatherScatterMode.PROMISE_IN_BOUNDS)


def _sc_body(state_hbm, action_hbm, reward_hbm, wo_hbm, bo_hbm,
             emb_hbm, wr_hbm, br_hbm, out_hbm,
             idx0, idx1, sv0, sv1, rv0, rv1, g0, g1,
             ob0, ob1, rw0, rw1,
             par_v, sem_in0, sem_in1, sem_g0, sem_g1, sem_o0, sem_o1):
    idx = (idx0, idx1)
    sv = (sv0, sv1)
    rv = (rv0, rv1)
    gb = (g0, g1)
    ob = (ob0, ob1)
    rw = (rw0, rw1)
    sem_in = (sem_in0, sem_in1)
    sem_g = (sem_g0, sem_g1)
    sem_o = (sem_o0, sem_o1)

    wid = lax.axis_index("s") * 2 + lax.axis_index("c")
    base = wid * _CPW

    pltpu.sync_copy(wo_hbm, par_v.at[0])
    pltpu.sync_copy(bo_hbm, par_v.at[1])
    pltpu.sync_copy(wr_hbm, par_v.at[2])
    pltpu.sync_copy(br_hbm, par_v.at[3])
    wo_lo = par_v[0, pl.ds(0, 16)]
    wo_hi = par_v[0, pl.ds(16, 16)]
    bo_lo = par_v[1, pl.ds(0, 16)]
    bo_hi = par_v[1, pl.ds(16, 16)]
    wr_lo = par_v[2, pl.ds(0, 16)]
    wr_hi = par_v[2, pl.ds(16, 16)]
    br_lo = par_v[3, pl.ds(0, 16)]
    br_hi = par_v[3, pl.ds(16, 16)]

    def fire_in(s, c):
        pltpu.async_copy(action_hbm.at[pl.ds(c * _G, _G)], idx[s], sem_in[s])
        pltpu.async_copy(state_hbm.at[pl.ds(c * _T, _T)], sv[s], sem_in[s])
        pltpu.async_copy(reward_hbm.at[pl.ds(c * _T, _T)], rv[s], sem_in[s])

    def wait_in(s):
        pltpu.make_async_copy(action_hbm.at[pl.ds(0, _G)], idx[s],
                              sem_in[s]).wait()
        pltpu.make_async_copy(state_hbm.at[pl.ds(0, _T)], sv[s],
                              sem_in[s]).wait()
        pltpu.make_async_copy(reward_hbm.at[pl.ds(0, _T)], rv[s],
                              sem_in[s]).wait()

    def fire_out(s, c):
        pltpu.async_copy(ob[s], out_hbm.at[pl.ds(c * _T, _T), 0], sem_o[s])
        pltpu.async_copy(gb[s], out_hbm.at[pl.ds(c * _T, _T), 1], sem_o[s])
        pltpu.async_copy(rw[s], out_hbm.at[pl.ds(c * _T, _T), 2], sem_o[s])

    def wait_out(s):
        pltpu.make_async_copy(ob[s], out_hbm.at[pl.ds(0, _T), 0],
                              sem_o[s]).wait()
        pltpu.make_async_copy(gb[s], out_hbm.at[pl.ds(0, _T), 1],
                              sem_o[s]).wait()
        pltpu.make_async_copy(rw[s], out_hbm.at[pl.ds(0, _T), 2],
                              sem_o[s]).wait()

    def compute(s):
        ob_s = ob[s]
        rw_s = rw[s]
        sv_s = sv[s]
        rv_s = rv[s]

        def group_body(tg, carry):
            sv16 = sv_s[pl.ds(tg * 16, 16)]
            rv16 = rv_s[pl.ds(tg * 16, 16)]
            for j in range(16):
                t = tg * 16 + j
                sb = _lane_bcast(sv16, j)
                rb = _lane_bcast(rv16, j)
                ob_s[t, pl.ds(0, 16)] = sb * wo_lo + bo_lo
                ob_s[t, pl.ds(16, 16)] = sb * wo_hi + bo_hi
                rw_s[t, pl.ds(0, 16)] = rb * wr_lo + br_lo
                rw_s[t, pl.ds(16, 16)] = rb * wr_hi + br_hi
            return carry

        lax.fori_loop(0, _T // 16, group_body, 0)

    fire_in(0, base)
    fire_in(1, base + 1)

    def pair_body(ip, carry):
        for s in (0, 1):
            c = base + 2 * ip + s

            @pl.when(ip >= 1)
            def _():
                wait_out(s)

            wait_in(s)
            descs = [
                pltpu.async_copy(emb_hbm.at[idx[s].at[g]],
                                 gb[s].at[pl.ds(g * _TPG, _TPG)], sem_g[s])
                for g in range(_G)
            ]
            compute(s)
            for d in descs:
                d.wait()

            @pl.when(ip < _PAIRS - 1)
            def _():
                fire_in(s, c + 2)

            fire_out(s, c)
        return carry

    lax.fori_loop(0, _PAIRS, pair_body, 0)
    wait_out(0)
    wait_out(1)


_RB = 2048
_RBLK = (_NUM_ARMS + 4 * _RB - 1) // (4 * _RB)
_ROWS = _RBLK * _RB


def _retile_body(x_ref, o_ref):
    for q in range(4):
        o_ref[:, pl.ds(_D * q, _D)] = jnp.transpose(
            x_ref[:, pl.ds(_RB * q, _RB)], (1, 0))


def _retile(emb_t):
    return pl.pallas_call(
        _retile_body,
        grid=(_RBLK,),
        in_specs=[pl.BlockSpec((32, 4 * _RB), lambda i: (0, i))],
        out_specs=pl.BlockSpec((_RB, 128), lambda i: (i, 0)),
        out_shape=jax.ShapeDtypeStruct((_ROWS, 128), jnp.float32),
        compiler_params=pltpu.CompilerParams(
            dimension_semantics=("parallel",)),
    )(emb_t)


@jax.jit
def _encode(state_f, action_r, reward_f, wo, bo, emb_pad, wr, br):
    mesh = plsc.VectorSubcoreMesh(core_axis_name="c", subcore_axis_name="s")
    call = pl.kernel(
        _sc_body,
        out_type=jax.ShapeDtypeStruct((_B * _S, 3, _D), jnp.float32),
        mesh=mesh,
        compiler_params=pltpu.CompilerParams(use_tc_tiling_on_sc=False),
        scratch_types=[
            pltpu.VMEM((_G, _TPG), jnp.int32),
            pltpu.VMEM((_G, _TPG), jnp.int32),
            pltpu.VMEM((_T,), jnp.float32),
            pltpu.VMEM((_T,), jnp.float32),
            pltpu.VMEM((_T,), jnp.float32),
            pltpu.VMEM((_T,), jnp.float32),
            pltpu.VMEM((_T, _D), jnp.float32),
            pltpu.VMEM((_T, _D), jnp.float32),
            pltpu.VMEM((_T, _D), jnp.float32),
            pltpu.VMEM((_T, _D), jnp.float32),
            pltpu.VMEM((_T, _D), jnp.float32),
            pltpu.VMEM((_T, _D), jnp.float32),
            pltpu.VMEM((4, _D), jnp.float32),
            pltpu.SemaphoreType.DMA,
            pltpu.SemaphoreType.DMA,
            pltpu.SemaphoreType.DMA,
            pltpu.SemaphoreType.DMA,
            pltpu.SemaphoreType.DMA,
            pltpu.SemaphoreType.DMA,
        ],
    )
    return call(state_f, action_r, reward_f, wo, bo, emb_pad, wr, br)


def kernel(state, action, reward, W_obs, b_obs, emb_table, W_rew, b_rew):
    state_f = state.reshape(_B * _S)
    reward_f = reward.reshape(_B * _S)
    a = action.reshape(_B * _S).astype(jnp.int32)
    idx32 = ((a >> 13) << 13) | ((a & 2047) << 2) | ((a >> 11) & 3)
    action_r = idx32.reshape(_B * _S // _TPG, _TPG)
    emb_pad = _retile(jnp.swapaxes(emb_table, 0, 1)).reshape(4 * _ROWS, _D)
    out = _encode(state_f, action_r, reward_f,
                  W_obs.reshape(_D), b_obs, emb_pad, W_rew.reshape(_D), b_rew)
    return out.reshape(_B, 3 * _S, _D)

# --- scband reference (transcript-rebuilt; emitter-appended) ---
"""Pipeline reference for scband-bandit-adencoder-19585050870244 (READ-ONLY COPY).

The authoritative reference and input builder live on the scoring server;
editing this copy changes nothing except your own understanding.
"""

import jax, jax.numpy as jnp
import numpy as np

NUM_ARMS = 1000000
EMBED_DIM = 32
B = 4096
S = 50


def setup_inputs(seed: int = 0) -> dict:
    key = jax.random.key(seed)
    ks = jax.random.split(key, 8)
    state = jax.random.normal(ks[0], (B, S, 1), dtype=jnp.float32)
    action = jax.random.randint(ks[1], (B, S), 0, NUM_ARMS)
    reward = jax.random.normal(ks[2], (B, S), dtype=jnp.float32)
    # Learned parameters
    W_obs = jax.random.normal(ks[3], (1, EMBED_DIM), dtype=jnp.float32) * 0.02
    b_obs = jnp.zeros((EMBED_DIM,), dtype=jnp.float32)
    emb_table = jax.random.normal(ks[4], (NUM_ARMS, EMBED_DIM), dtype=jnp.float32) * 0.02
    W_rew = jax.random.normal(ks[5], (1, EMBED_DIM), dtype=jnp.float32) * 0.02
    b_rew = jnp.zeros((EMBED_DIM,), dtype=jnp.float32)
    return {
        'state': state,
        'action': action,
        'reward': reward,
        'W_obs': W_obs,
        'b_obs': b_obs,
        'emb_table': emb_table,
        'W_rew': W_rew,
        'b_rew': b_rew,
    }


def reference(state, action, reward, W_obs, b_obs, emb_table, W_rew, b_rew):
    # observation_emb: Linear(1, embed_dim)
    obs_tokens = jnp.matmul(state, W_obs) + b_obs  # [B, S, D]
    # action_emb: Embed(num_arms, embed_dim) -> row gather
    act_tokens = jnp.take(emb_table, action, axis=0)  # [B, S, D]
    # reward_emb: MLP with no hidden layers == Linear(1, embed_dim), identity activation
    rew_tokens = jnp.matmul(reward[..., None], W_rew) + b_rew  # [B, S, D]
    batch_size, seq_len = state.shape[:2]
    output_sequence = jnp.concatenate(
        (obs_tokens[:, :, None, :], act_tokens[:, :, None, :], rew_tokens[:, :, None, :]),
        axis=2,
    ).reshape((batch_size, 3 * seq_len, EMBED_DIM))
    return output_sequence

if __name__ == "__main__":
    import jax
    _d = setup_inputs()
    print(jax.jit(kernel)(*tuple(_d.values())))

</pallas_src>

<mosaic_0001>
#map = affine_map<(d0, d1) -> (0)>
#map1 = affine_map<(d0, d1) -> (0, 0)>
#map2 = affine_map<(d0, d1) -> (0, 0, 0)>
module attributes {stable_mosaic.version = 14 : i64} {
  func.func @_sc_body(%arg0: i32, %arg1: i32, %arg2: memref<204800xf32, #tpu.memory_space<hbm>>, %arg3: memref<2048x100xi32, #tpu.memory_space<hbm>>, %arg4: memref<204800xf32, #tpu.memory_space<hbm>>, %arg5: memref<32xf32, #tpu.memory_space<hbm>>, %arg6: memref<32xf32, #tpu.memory_space<hbm>>, %arg7: memref<1007616x32xf32, #tpu.memory_space<hbm>>, %arg8: memref<32xf32, #tpu.memory_space<hbm>>, %arg9: memref<32xf32, #tpu.memory_space<hbm>>, %arg10: memref<204800x3x32xf32, #tpu.memory_space<hbm>>, %arg11: memref<4x100xi32, #tpu.memory_space<vmem>>, %arg12: memref<4x100xi32, #tpu.memory_space<vmem>>, %arg13: memref<400xf32, #tpu.memory_space<vmem>>, %arg14: memref<400xf32, #tpu.memory_space<vmem>>, %arg15: memref<400xf32, #tpu.memory_space<vmem>>, %arg16: memref<400xf32, #tpu.memory_space<vmem>>, %arg17: memref<400x32xf32, #tpu.memory_space<vmem>>, %arg18: memref<400x32xf32, #tpu.memory_space<vmem>>, %arg19: memref<400x32xf32, #tpu.memory_space<vmem>>, %arg20: memref<400x32xf32, #tpu.memory_space<vmem>>, %arg21: memref<400x32xf32, #tpu.memory_space<vmem>>, %arg22: memref<400x32xf32, #tpu.memory_space<vmem>>, %arg23: memref<4x32xf32, #tpu.memory_space<vmem>>, %arg24: memref<!tpu.dma_semaphore, #tpu.memory_space<semaphore_mem>>, %arg25: memref<!tpu.dma_semaphore, #tpu.memory_space<semaphore_mem>>, %arg26: memref<!tpu.dma_semaphore, #tpu.memory_space<semaphore_mem>>, %arg27: memref<!tpu.dma_semaphore, #tpu.memory_space<semaphore_mem>>, %arg28: memref<!tpu.dma_semaphore, #tpu.memory_space<semaphore_mem>>, %arg29: memref<!tpu.dma_semaphore, #tpu.memory_space<semaphore_mem>>) attributes {dimension_semantics = [#tpu.dimension_semantics<core_parallel>, #tpu.dimension_semantics<subcore_parallel>], iteration_bounds = array<i64: 2, 16>, scalar_prefetch = 0 : i64, scratch_operands = 19 : i64, tpu.core_type = #tpu.core_type<sc_vector_subcore>, window_params = [{transform_indices = #map}, {transform_indices = #map1}, {transform_indices = #map}, {transform_indices = #map}, {transform_indices = #map}, {transform_indices = #map1}, {transform_indices = #map}, {transform_indices = #map}, {transform_indices = #map2}]} {
    %mul3A = arith.constant 2 : i32
    %mul3A_0 = arith.muli %arg1, %mul3A : i32
    %add3A = arith.addi %mul3A_0, %arg0 : i32
    %mul3A_1 = arith.constant 16 : i32
    %mul3A_2 = arith.muli %add3A, %mul3A_1 : i32
    %run_scoped3A = arith.constant 0 : i32
    "tpu.region"() ({
      %run_scoped3A_132 = tpu.sem_alloc : memref<!tpu.dma_semaphore, #tpu.memory_space<semaphore_mem>>
      %dma_start3A_133 = arith.constant 0 : i32
      %dma_start3A_134 = tpu.memref_slice %arg23[%run_scoped3A, %dma_start3A_133] : memref<4x32xf32, #tpu.memory_space<vmem>> -> memref<1x32xf32, #tpu.memory_space<vmem>>
      %dma_start3A_135 = tpu.memref_squeeze %dma_start3A_134 : memref<1x32xf32, #tpu.memory_space<vmem>> -> memref<32xf32, #tpu.memory_space<vmem>>
      %dma_start3A_136 = arith.constant 0 : i32
      %dma_start3A_137 = tpu.memref_slice %arg23[%run_scoped3A, %dma_start3A_136] : memref<4x32xf32, #tpu.memory_space<vmem>> -> memref<1x32xf32, #tpu.memory_space<vmem>>
      %dma_start3A_138 = tpu.memref_squeeze %dma_start3A_137 : memref<1x32xf32, #tpu.memory_space<vmem>> -> memref<32xf32, #tpu.memory_space<vmem>>
      tpu.enqueue_dma source(%arg5 : memref<32xf32, #tpu.memory_space<hbm>>) target(%dma_start3A_138 : memref<32xf32, #tpu.memory_space<vmem>>) target_semaphore(%run_scoped3A_132 : memref<!tpu.dma_semaphore, #tpu.memory_space<semaphore_mem>>)
      %dma_wait3A_139 = arith.constant 0 : i32
      %dma_wait3A_140 = tpu.memref_slice %arg23[%run_scoped3A, %dma_wait3A_139] : memref<4x32xf32, #tpu.memory_space<vmem>> -> memref<1x32xf32, #tpu.memory_space<vmem>>
      %dma_wait3A_141 = tpu.memref_squeeze %dma_wait3A_140 : memref<1x32xf32, #tpu.memory_space<vmem>> -> memref<32xf32, #tpu.memory_space<vmem>>
      %dma_wait3A_142 = arith.constant 0 : i32
      %dma_wait3A_143 = tpu.memref_slice %arg23[%run_scoped3A, %dma_wait3A_142] : memref<4x32xf32, #tpu.memory_space<vmem>> -> memref<1x32xf32, #tpu.memory_space<vmem>>
      %dma_wait3A_144 = tpu.memref_squeeze %dma_wait3A_143 : memref<1x32xf32, #tpu.memory_space<vmem>> -> memref<32xf32, #tpu.memory_space<vmem>>
      tpu.wait_dma2 semaphore(%run_scoped3A_132 : memref<!tpu.dma_semaphore, #tpu.memory_space<semaphore_mem>>) src(%arg5 : memref<32xf32, #tpu.memory_space<hbm>>) dst(%dma_wait3A_144 : memref<32xf32, #tpu.memory_space<vmem>>)
      tpu.yield
    }) : () -> ()
    %run_scoped3A_3 = arith.constant 1 : i32
    "tpu.region"() ({
      %run_scoped3A_132 = tpu.sem_alloc : memref<!tpu.dma_semaphore, #tpu.memory_space<semaphore_mem>>
      %dma_start3A_133 = arith.constant 0 : i32
      %dma_start3A_134 = tpu.memref_slice %arg23[%run_scoped3A_3, %dma_start3A_133] : memref<4x32xf32, #tpu.memory_space<vmem>> -> memref<1x32xf32, #tpu.memory_space<vmem>>
      %dma_start3A_135 = tpu.memref_squeeze %dma_start3A_134 : memref<1x32xf32, #tpu.memory_space<vmem>> -> memref<32xf32, #tpu.memory_space<vmem>>
      %dma_start3A_136 = arith.constant 0 : i32
      %dma_start3A_137 = tpu.memref_slice %arg23[%run_scoped3A_3, %dma_start3A_136] : memref<4x32xf32, #tpu.memory_space<vmem>> -> memref<1x32xf32, #tpu.memory_space<vmem>>
      %dma_start3A_138 = tpu.memref_squeeze %dma_start3A_137 : memref<1x32xf32, #tpu.memory_space<vmem>> -> memref<32xf32, #tpu.memory_space<vmem>>
      tpu.enqueue_dma source(%arg6 : memref<32xf32, #tpu.memory_space<hbm>>) target(%dma_start3A_138 : memref<32xf32, #tpu.memory_space<vmem>>) target_semaphore(%run_scoped3A_132 : memref<!tpu.dma_semaphore, #tpu.memory_space<semaphore_mem>>)
      %dma_wait3A_139 = arith.constant 0 : i32
      %dma_wait3A_140 = tpu.memref_slice %arg23[%run_scoped3A_3, %dma_wait3A_139] : memref<4x32xf32, #tpu.memory_space<vmem>> -> memref<1x32xf32, #tpu.memory_space<vmem>>
      %dma_wait3A_141 = tpu.memref_squeeze %dma_wait3A_140 : memref<1x32xf32, #tpu.memory_space<vmem>> -> memref<32xf32, #tpu.memory_space<vmem>>
      %dma_wait3A_142 = arith.constant 0 : i32
      %dma_wait3A_143 = tpu.memref_slice %arg23[%run_scoped3A_3, %dma_wait3A_142] : memref<4x32xf32, #tpu.memory_space<vmem>> -> memref<1x32xf32, #tpu.memory_space<vmem>>
      %dma_wait3A_144 = tpu.memref_squeeze %dma_wait3A_143 : memref<1x32xf32, #tpu.memory_space<vmem>> -> memref<32xf32, #tpu.memory_space<vmem>>
      tpu.wait_dma2 semaphore(%run_scoped3A_132 : memref<!tpu.dma_semaphore, #tpu.memory_space<semaphore_mem>>) src(%arg6 : memref<32xf32, #tpu.memory_space<hbm>>) dst(%dma_wait3A_144 : memref<32xf32, #tpu.memory_space<vmem>>)
      tpu.yield
    }) : () -> ()
    %run_scoped3A_4 = arith.constant 2 : i32
    "tpu.region"() ({
      %run_scoped3A_132 = tpu.sem_alloc : memref<!tpu.dma_semaphore, #tpu.memory_space<semaphore_mem>>
      %dma_start3A_133 = arith.constant 0 : i32
      %dma_start3A_134 = tpu.memref_slice %arg23[%run_scoped3A_4, %dma_start3A_133] : memref<4x32xf32, #tpu.memory_space<vmem>> -> memref<1x32xf32, #tpu.memory_space<vmem>>
      %dma_start3A_135 = tpu.memref_squeeze %dma_start3A_134 : memref<1x32xf32, #tpu.memory_space<vmem>> -> memref<32xf32, #tpu.memory_space<vmem>>
      %dma_start3A_136 = arith.constant 0 : i32
      %dma_start3A_137 = tpu.memref_slice %arg23[%run_scoped3A_4, %dma_start3A_136] : memref<4x32xf32, #tpu.memory_space<vmem>> -> memref<1x32xf32, #tpu.memory_space<vmem>>
      %dma_start3A_138 = tpu.memref_squeeze %dma_start3A_137 : memref<1x32xf32, #tpu.memory_space<vmem>> -> memref<32xf32, #tpu.memory_space<vmem>>
      tpu.enqueue_dma source(%arg8 : memref<32xf32, #tpu.memory_space<hbm>>) target(%dma_start3A_138 : memref<32xf32, #tpu.memory_space<vmem>>) target_semaphore(%run_scoped3A_132 : memref<!tpu.dma_semaphore, #tpu.memory_space<semaphore_mem>>)
      %dma_wait3A_139 = arith.constant 0 : i32
      %dma_wait3A_140 = tpu.memref_slice %arg23[%run_scoped3A_4, %dma_wait3A_139] : memref<4x32xf32, #tpu.memory_space<vmem>> -> memref<1x32xf32, #tpu.memory_space<vmem>>
      %dma_wait3A_141 = tpu.memref_squeeze %dma_wait3A_140 : memref<1x32xf32, #tpu.memory_space<vmem>> -> memref<32xf32, #tpu.memory_space<vmem>>
      %dma_wait3A_142 = arith.constant 0 : i32
      %dma_wait3A_143 = tpu.memref_slice %arg23[%run_scoped3A_4, %dma_wait3A_142] : memref<4x32xf32, #tpu.memory_space<vmem>> -> memref<1x32xf32, #tpu.memory_space<vmem>>
      %dma_wait3A_144 = tpu.memref_squeeze %dma_wait3A_143 : memref<1x32xf32, #tpu.memory_space<vmem>> -> memref<32xf32, #tpu.memory_space<vmem>>
      tpu.wait_dma2 semaphore(%run_scoped3A_132 : memref<!tpu.dma_semaphore, #tpu.memory_space<semaphore_mem>>) src(%arg8 : memref<32xf32, #tpu.memory_space<hbm>>) dst(%dma_wait3A_144 : memref<32xf32, #tpu.memory_space<vmem>>)
      tpu.yield
    }) : () -> ()
    %run_scoped3A_5 = arith.constant 3 : i32
    "tpu.region"() ({
      %run_scoped3A_132 = tpu.sem_alloc : memref<!tpu.dma_semaphore, #tpu.memory_space<semaphore_mem>>
      %dma_start3A_133 = arith.constant 0 : i32
      %dma_start3A_134 = tpu.memref_slice %arg23[%run_scoped3A_5, %dma_start3A_133] : memref<4x32xf32, #tpu.memory_space<vmem>> -> memref<1x32xf32, #tpu.memory_space<vmem>>
      %dma_start3A_135 = tpu.memref_squeeze %dma_start3A_134 : memref<1x32xf32, #tpu.memory_space<vmem>> -> memref<32xf32, #tpu.memory_space<vmem>>
      %dma_start3A_136 = arith.constant 0 : i32
      %dma_start3A_137 = tpu.memref_slice %arg23[%run_scoped3A_5, %dma_start3A_136] : memref<4x32xf32, #tpu.memory_space<vmem>> -> memref<1x32xf32, #tpu.memory_space<vmem>>
      %dma_start3A_138 = tpu.memref_squeeze %dma_start3A_137 : memref<1x32xf32, #tpu.memory_space<vmem>> -> memref<32xf32, #tpu.memory_space<vmem>>
      tpu.enqueue_dma source(%arg9 : memref<32xf32, #tpu.memory_space<hbm>>) target(%dma_start3A_138 : memref<32xf32, #tpu.memory_space<vmem>>) target_semaphore(%run_scoped3A_132 : memref<!tpu.dma_semaphore, #tpu.memory_space<semaphore_mem>>)
      %dma_wait3A_139 = arith.constant 0 : i32
      %dma_wait3A_140 = tpu.memref_slice %arg23[%run_scoped3A_5, %dma_wait3A_139] : memref<4x32xf32, #tpu.memory_space<vmem>> -> memref<1x32xf32, #tpu.memory_space<vmem>>
      %dma_wait3A_141 = tpu.memref_squeeze %dma_wait3A_140 : memref<1x32xf32, #tpu.memory_space<vmem>> -> memref<32xf32, #tpu.memory_space<vmem>>
      %dma_wait3A_142 = arith.constant 0 : i32
      %dma_wait3A_143 = tpu.memref_slice %arg23[%run_scoped3A_5, %dma_wait3A_142] : memref<4x32xf32, #tpu.memory_space<vmem>> -> memref<1x32xf32, #tpu.memory_space<vmem>>
      %dma_wait3A_144 = tpu.memref_squeeze %dma_wait3A_143 : memref<1x32xf32, #tpu.memory_space<vmem>> -> memref<32xf32, #tpu.memory_space<vmem>>
      tpu.wait_dma2 semaphore(%run_scoped3A_132 : memref<!tpu.dma_semaphore, #tpu.memory_space<semaphore_mem>>) src(%arg9 : memref<32xf32, #tpu.memory_space<hbm>>) dst(%dma_wait3A_144 : memref<32xf32, #tpu.memory_space<vmem>>)
      tpu.yield
    }) : () -> ()
    %get3A = arith.constant 0 : i32
    %get3A_6 = arith.index_cast %get3A : i32 to index
    %get3A_7 = arith.constant 0 : index
    %get3A_8 = tpu.vector_load %arg23[%get3A_6, %get3A_7] {strides = array<i32>} : memref<4x32xf32, #tpu.memory_space<vmem>>, vector<1x16xf32>,
    %get3A_9 = vector.shape_cast %get3A_8 : vector<1x16xf32> to vector<16xf32>
    %get3A_10 = arith.constant 0 : i32
    %get3A_11 = arith.index_cast %get3A_10 : i32 to index
    %get3A_12 = arith.constant 16 : index
    %get3A_13 = tpu.vector_load %arg23[%get3A_11, %get3A_12] {strides = array<i32>} : memref<4x32xf32, #tpu.memory_space<vmem>>, vector<1x16xf32>,
    %get3A_14 = vector.shape_cast %get3A_13 : vector<1x16xf32> to vector<16xf32>
    %get3A_15 = arith.constant 1 : i32
    %get3A_16 = arith.index_cast %get3A_15 : i32 to index
    %get3A_17 = arith.constant 0 : index
    %get3A_18 = tpu.vector_load %arg23[%get3A_16, %get3A_17] {strides = array<i32>} : memref<4x32xf32, #tpu.memory_space<vmem>>, vector<1x16xf32>,
    %get3A_19 = vector.shape_cast %get3A_18 : vector<1x16xf32> to vector<16xf32>
    %get3A_20 = arith.constant 1 : i32
    %get3A_21 = arith.index_cast %get3A_20 : i32 to index
    %get3A_22 = arith.constant 16 : index
    %get3A_23 = tpu.vector_load %arg23[%get3A_21, %get3A_22] {strides = array<i32>} : memref<4x32xf32, #tpu.memory_space<vmem>>, vector<1x16xf32>,
    %get3A_24 = vector.shape_cast %get3A_23 : vector<1x16xf32> to vector<16xf32>
    %get3A_25 = arith.constant 2 : i32
    %get3A_26 = arith.index_cast %get3A_25 : i32 to index
    %get3A_27 = arith.constant 0 : index
    %get3A_28 = tpu.vector_load %arg23[%get3A_26, %get3A_27] {strides = array<i32>} : memref<4x32xf32, #tpu.memory_space<vmem>>, vector<1x16xf32>,
    %get3A_29 = vector.shape_cast %get3A_28 : vector<1x16xf32> to vector<16xf32>
    %get3A_30 = arith.constant 2 : i32
    %get3A_31 = arith.index_cast %get3A_30 : i32 to index
    %get3A_32 = arith.constant 16 : index
    %get3A_33 = tpu.vector_load %arg23[%get3A_31, %get3A_32] {strides = array<i32>} : memref<4x32xf32, #tpu.memory_space<vmem>>, vector<1x16xf32>,
    %get3A_34 = vector.shape_cast %get3A_33 : vector<1x16xf32> to vector<16xf32>
    %get3A_35 = arith.constant 3 : i32
    %get3A_36 = arith.index_cast %get3A_35 : i32 to index
    %get3A_37 = arith.constant 0 : index
    %get3A_38 = tpu.vector_load %arg23[%get3A_36, %get3A_37] {strides = array<i32>} : memref<4x32xf32, #tpu.memory_space<vmem>>, vector<1x16xf32>,
    %get3A_39 = vector.shape_cast %get3A_38 : vector<1x16xf32> to vector<16xf32>
    %get3A_40 = arith.constant 3 : i32
    %get3A_41 = arith.index_cast %get3A_40 : i32 to index
    %get3A_42 = arith.constant 16 : index
    %get3A_43 = tpu.vector_load %arg23[%get3A_41, %get3A_42] {strides = array<i32>} : memref<4x32xf32, #tpu.memory_space<vmem>>, vector<1x16xf32>,
    %get3A_44 = vector.shape_cast %get3A_43 : vector<1x16xf32> to vector<16xf32>
    %mul3A_45 = arith.constant 4 : i32
    %mul3A_46 = arith.muli %mul3A_2, %mul3A_45 : i32
    %dma_start3A = arith.constant 0 : i32
    %dma_start3A_47 = tpu.memref_slice %arg3[%mul3A_46, %dma_start3A] : memref<2048x100xi32, #tpu.memory_space<hbm>> -> memref<4x100xi32, #tpu.memory_space<hbm>>
    %dma_start3A_48 = arith.constant 0 : i32
    %dma_start3A_49 = tpu.memref_slice %arg3[%mul3A_46, %dma_start3A_48] : memref<2048x100xi32, #tpu.memory_space<hbm>> -> memref<4x100xi32, #tpu.memory_space<hbm>>
    tpu.enqueue_dma source(%dma_start3A_49 : memref<4x100xi32, #tpu.memory_space<hbm>>) target(%arg11 : memref<4x100xi32, #tpu.memory_space<vmem>>) target_semaphore(%arg24 : memref<!tpu.dma_semaphore, #tpu.memory_space<semaphore_mem>>)
    %mul3A_50 = arith.constant 400 : i32
    %mul3A_51 = arith.muli %mul3A_2, %mul3A_50 : i32
    %dma_start3A_52 = tpu.memref_slice %arg2[%mul3A_51] : memref<204800xf32, #tpu.memory_space<hbm>> -> memref<400xf32, #tpu.memory_space<hbm>>
    %dma_start3A_53 = tpu.memref_slice %arg2[%mul3A_51] : memref<204800xf32, #tpu.memory_space<hbm>> -> memref<400xf32, #tpu.memory_space<hbm>>
    tpu.enqueue_dma source(%dma_start3A_53 : memref<400xf32, #tpu.memory_space<hbm>>) target(%arg13 : memref<400xf32, #tpu.memory_space<vmem>>) target_semaphore(%arg24 : memref<!tpu.dma_semaphore, #tpu.memory_space<semaphore_mem>>)
    %mul3A_54 = arith.constant 400 : i32
    %mul3A_55 = arith.muli %mul3A_2, %mul3A_54 : i32
    %dma_start3A_56 = tpu.memref_slice %arg4[%mul3A_55] : memref<204800xf32, #tpu.memory_space<hbm>> -> memref<400xf32, #tpu.memory_space<hbm>>
    %dma_start3A_57 = tpu.memref_slice %arg4[%mul3A_55] : memref<204800xf32, #tpu.memory_space<hbm>> -> memref<400xf32, #tpu.memory_space<hbm>>
    tpu.enqueue_dma source(%dma_start3A_57 : memref<400xf32, #tpu.memory_space<hbm>>) target(%arg15 : memref<400xf32, #tpu.memory_space<vmem>>) target_semaphore(%arg24 : memref<!tpu.dma_semaphore, #tpu.memory_space<semaphore_mem>>)
    %add3A_58 = arith.constant 1 : i32
    %add3A_59 = arith.addi %mul3A_2, %add3A_58 : i32
    %mul3A_60 = arith.constant 4 : i32
    %mul3A_61 = arith.muli %add3A_59, %mul3A_60 : i32
    %dma_start3A_62 = arith.constant 0 : i32
    %dma_start3A_63 = tpu.memref_slice %arg3[%mul3A_61, %dma_start3A_62] : memref<2048x100xi32, #tpu.memory_space<hbm>> -> memref<4x100xi32, #tpu.memory_space<hbm>>
    %dma_start3A_64 = arith.constant 0 : i32
    %dma_start3A_65 = tpu.memref_slice %arg3[%mul3A_61, %dma_start3A_64] : memref<2048x100xi32, #tpu.memory_space<hbm>> -> memref<4x100xi32, #tpu.memory_space<hbm>>
    tpu.enqueue_dma source(%dma_start3A_65 : memref<4x100xi32, #tpu.memory_space<hbm>>) target(%arg12 : memref<4x100xi32, #tpu.memory_space<vmem>>) target_semaphore(%arg25 : memref<!tpu.dma_semaphore, #tpu.memory_space<semaphore_mem>>)
    %mul3A_66 = arith.constant 400 : i32
    %mul3A_67 = arith.muli %add3A_59, %mul3A_66 : i32
    %dma_start3A_68 = tpu.memref_slice %arg2[%mul3A_67] : memref<204800xf32, #tpu.memory_space<hbm>> -> memref<400xf32, #tpu.memory_space<hbm>>
    %dma_start3A_69 = tpu.memref_slice %arg2[%mul3A_67] : memref<204800xf32, #tpu.memory_space<hbm>> -> memref<400xf32, #tpu.memory_space<hbm>>
    tpu.enqueue_dma source(%dma_start3A_69 : memref<400xf32, #tpu.memory_space<hbm>>) target(%arg14 : memref<400xf32, #tpu.memory_space<vmem>>) target_semaphore(%arg25 : memref<!tpu.dma_semaphore, #tpu.memory_space<semaphore_mem>>)
    %mul3A_70 = arith.constant 400 : i32
    %mul3A_71 = arith.muli %add3A_59, %mul3A_70 : i32
    %dma_start3A_72 = tpu.memref_slice %arg4[%mul3A_71] : memref<204800xf32, #tpu.memory_space<hbm>> -> memref<400xf32, #tpu.memory_space<hbm>>
    %dma_start3A_73 = tpu.memref_slice %arg4[%mul3A_71] : memref<204800xf32, #tpu.memory_space<hbm>> -> memref<400xf32, #tpu.memory_space<hbm>>
    tpu.enqueue_dma source(%dma_start3A_73 : memref<400xf32, #tpu.memory_space<hbm>>) target(%arg16 : memref<400xf32, #tpu.memory_space<vmem>>) target_semaphore(%arg25 : memref<!tpu.dma_semaphore, #tpu.memory_space<semaphore_mem>>)
    %scan3A = arith.constant 0 : i32
    %scan3A_74 = arith.constant 0 : i32
    %scan3A_75 = arith.constant 8 : i32
    %scan3A_76 = arith.addi %scan3A_74, %scan3A_75 : i32
    %scan3A_77 = arith.constant 1 : i32
    scf.for %scan3A_132 = %scan3A_74 to %scan3A_76 step %scan3A_77  : i32 {
      %mul3A_133 = arith.constant 2 : i32
      %mul3A_134 = arith.muli %mul3A_133, %scan3A_132 : i32
      %add3A_135 = arith.addi %mul3A_2, %mul3A_134 : i32
      %add3A_136 = arith.constant 0 : i32
      %add3A_137 = arith.addi %add3A_135, %add3A_136 : i32
      %ge3A = arith.constant 1 : i32
      %ge3A_138 = arith.cmpi sge, %scan3A_132, %ge3A : i32
      %convert_element_type3A = arith.extui %ge3A_138 : i1 to i32
      %cond3A = arith.constant 0 : i32
      %cond3A_139 = arith.cmpi ne, %convert_element_type3A, %cond3A : i32
      scf.if %cond3A_139 {
        %dma_wait3A_413 = arith.constant 0 : i32
        %dma_wait3A_414 = arith.constant 0 : i32
        %dma_wait3A_415 = arith.constant 0 : i32
        %dma_wait3A_416 = tpu.memref_slice %arg10[%dma_wait3A_414, %dma_wait3A_413, %dma_wait3A_415] : memref<204800x3x32xf32, #tpu.memory_space<hbm>> -> memref<400x1x32xf32, #tpu.memory_space<hbm>>
        %dma_wait3A_417 = tpu.memref_squeeze %dma_wait3A_416 : memref<400x1x32xf32, #tpu.memory_space<hbm>> -> memref<400x32xf32, #tpu.memory_space<hbm>>
        %dma_wait3A_418 = arith.constant 0 : i32
        %dma_wait3A_419 = arith.constant 0 : i32
        %dma_wait3A_420 = tpu.memref_slice %arg10[%dma_wait3A_418, %dma_wait3A_413, %dma_wait3A_419] : memref<204800x3x32xf32, #tpu.memory_space<hbm>> -> memref<400x1x32xf32, #tpu.memory_space<hbm>>
        %dma_wait3A_421 = tpu.memref_squeeze %dma_wait3A_420 : memref<400x1x32xf32, #tpu.memory_space<hbm>> -> memref<400x32xf32, #tpu.memory_space<hbm>>
        tpu.wait_dma2 semaphore(%arg28 : memref<!tpu.dma_semaphore, #tpu.memory_space<semaphore_mem>>) src(%arg19 : memref<400x32xf32, #tpu.memory_space<vmem>>) dst(%dma_wait3A_421 : memref<400x32xf32, #tpu.memory_space<hbm>>)
        %dma_wait3A_422 = arith.constant 1 : i32
        %dma_wait3A_423 = arith.constant 0 : i32
        %dma_wait3A_424 = arith.constant 0 : i32
        %dma_wait3A_425 = tpu.memref_slice %arg10[%dma_wait3A_423, %dma_wait3A_422, %dma_wait3A_424] : memref<204800x3x32xf32, #tpu.memory_space<hbm>> -> memref<400x1x32xf32, #tpu.memory_space<hbm>>
        %dma_wait3A_426 = tpu.memref_squeeze %dma_wait3A_425 : memref<400x1x32xf32, #tpu.memory_space<hbm>> -> memref<400x32xf32, #tpu.memory_space<hbm>>
        %dma_wait3A_427 = arith.constant 0 : i32
        %dma_wait3A_428 = arith.constant 0 : i32
        %dma_wait3A_429 = tpu.memref_slice %arg10[%dma_wait3A_427, %dma_wait3A_422, %dma_wait3A_428] : memref<204800x3x32xf32, #tpu.memory_space<hbm>> -> memref<400x1x32xf32, #tpu.memory_space<hbm>>
        %dma_wait3A_430 = tpu.memref_squeeze %dma_wait3A_429 : memref<400x1x32xf32, #tpu.memory_space<hbm>> -> memref<400x32xf32, #tpu.memory_space<hbm>>
        tpu.wait_dma2 semaphore(%arg28 : memref<!tpu.dma_semaphore, #tpu.memory_space<semaphore_mem>>) src(%arg17 : memref<400x32xf32, #tpu.memory_space<vmem>>) dst(%dma_wait3A_430 : memref<400x32xf32, #tpu.memory_space<hbm>>)
        %dma_wait3A_431 = arith.constant 2 : i32
        %dma_wait3A_432 = arith.constant 0 : i32
        %dma_wait3A_433 = arith.constant 0 : i32
        %dma_wait3A_434 = tpu.memref_slice %arg10[%dma_wait3A_432, %dma_wait3A_431, %dma_wait3A_433] : memref<204800x3x32xf32, #tpu.memory_space<hbm>> -> memref<400x1x32xf32, #tpu.memory_space<hbm>>
        %dma_wait3A_435 = tpu.memref_squeeze %dma_wait3A_434 : memref<400x1x32xf32, #tpu.memory_space<hbm>> -> memref<400x32xf32, #tpu.memory_space<hbm>>
        %dma_wait3A_436 = arith.constant 0 : i32
        %dma_wait3A_437 = arith.constant 0 : i32
        %dma_wait3A_438 = tpu.memref_slice %arg10[%dma_wait3A_436, %dma_wait3A_431, %dma_wait3A_437] : memref<204800x3x32xf32, #tpu.memory_space<hbm>> -> memref<400x1x32xf32, #tpu.memory_space<hbm>>
        %dma_wait3A_439 = tpu.memref_squeeze %dma_wait3A_438 : memref<400x1x32xf32, #tpu.memory_space<hbm>> -> memref<400x32xf32, #tpu.memory_space<hbm>>
        tpu.wait_dma2 semaphore(%arg28 : memref<!tpu.dma_semaphore, #tpu.memory_space<semaphore_mem>>) src(%arg21 : memref<400x32xf32, #tpu.memory_space<vmem>>) dst(%dma_wait3A_439 : memref<400x32xf32, #tpu.memory_space<hbm>>)
      } else {
      }
      %dma_wait3A_140 = arith.constant 0 : i32
      %dma_wait3A_141 = arith.constant 0 : i32
      %dma_wait3A_142 = tpu.memref_slice %arg3[%dma_wait3A_140, %dma_wait3A_141] : memref<2048x100xi32, #tpu.memory_space<hbm>> -> memref<4x100xi32, #tpu.memory_space<hbm>>
      %dma_wait3A_143 = arith.constant 0 : i32
      %dma_wait3A_144 = arith.constant 0 : i32
      %dma_wait3A_145 = tpu.memref_slice %arg3[%dma_wait3A_143, %dma_wait3A_144] : memref<2048x100xi32, #tpu.memory_space<hbm>> -> memref<4x100xi32, #tpu.memory_space<hbm>>
      tpu.wait_dma2 semaphore(%arg24 : memref<!tpu.dma_semaphore, #tpu.memory_space<semaphore_mem>>) src(%dma_wait3A_145 : memref<4x100xi32, #tpu.memory_space<hbm>>) dst(%arg11 : memref<4x100xi32, #tpu.memory_space<vmem>>)
      %dma_wait3A_146 = arith.constant 0 : i32
      %dma_wait3A_147 = tpu.memref_slice %arg2[%dma_wait3A_146] : memref<204800xf32, #tpu.memory_space<hbm>> -> memref<400xf32, #tpu.memory_space<hbm>>
      %dma_wait3A_148 = arith.constant 0 : i32
      %dma_wait3A_149 = tpu.memref_slice %arg2[%dma_wait3A_148] : memref<204800xf32, #tpu.memory_space<hbm>> -> memref<400xf32, #tpu.memory_space<hbm>>
      tpu.wait_dma2 semaphore(%arg24 : memref<!tpu.dma_semaphore, #tpu.memory_space<semaphore_mem>>) src(%dma_wait3A_149 : memref<400xf32, #tpu.memory_space<hbm>>) dst(%arg13 : memref<400xf32, #tpu.memory_space<vmem>>)
      %dma_wait3A_150 = arith.constant 0 : i32
      %dma_wait3A_151 = tpu.memref_slice %arg4[%dma_wait3A_150] : memref<204800xf32, #tpu.memory_space<hbm>> -> memref<400xf32, #tpu.memory_space<hbm>>
      %dma_wait3A_152 = arith.constant 0 : i32
      %dma_wait3A_153 = tpu.memref_slice %arg4[%dma_wait3A_152] : memref<204800xf32, #tpu.memory_space<hbm>> -> memref<400xf32, #tpu.memory_space<hbm>>
      tpu.wait_dma2 semaphore(%arg24 : memref<!tpu.dma_semaphore, #tpu.memory_space<semaphore_mem>>) src(%dma_wait3A_153 : memref<400xf32, #tpu.memory_space<hbm>>) dst(%arg15 : memref<400xf32, #tpu.memory_space<vmem>>)
      %dma_start3A_154 = arith.constant 0 : i32
      %dma_start3A_155 = arith.constant 0 : i32
      %dma_start3A_156 = arith.constant 0 : i32
      %dma_start3A_157 = tpu.memref_slice %arg17[%dma_start3A_155, %dma_start3A_156] : memref<400x32xf32, #tpu.memory_space<vmem>> -> memref<100x32xf32, #tpu.memory_space<vmem>>
      %dma_start3A_158 = arith.constant 0 : i32
      %dma_start3A_159 = tpu.memref_slice %arg11[%dma_start3A_154, %dma_start3A_158] : memref<4x100xi32, #tpu.memory_space<vmem>> -> memref<1x100xi32, #tpu.memory_space<vmem>>
      %dma_start3A_160 = tpu.memref_squeeze %dma_start3A_159 : memref<1x100xi32, #tpu.memory_space<vmem>> -> memref<100xi32, #tpu.memory_space<vmem>>
      %dma_start3A_161 = arith.constant 0 : i32
      %dma_start3A_162 = arith.constant 0 : i32
      %dma_start3A_163 = tpu.memref_slice %arg7[%dma_start3A_161, %dma_start3A_162] : memref<1007616x32xf32, #tpu.memory_space<hbm>> -> memref<1007616x32xf32, #tpu.memory_space<hbm>>
      tpu.enqueue_indirect_dma source(%dma_start3A_163 : memref<1007616x32xf32, #tpu.memory_space<hbm>>) target(%dma_start3A_157 : memref<100x32xf32, #tpu.memory_space<vmem>>) offsets(%dma_start3A_160 : memref<100xi32, #tpu.memory_space<vmem>>) semaphore(%arg26 : memref<!tpu.dma_semaphore, #tpu.memory_space<semaphore_mem>>)
      %dma_start3A_164 = arith.constant 1 : i32
      %dma_start3A_165 = arith.constant 100 : i32
      %dma_start3A_166 = arith.constant 0 : i32
      %dma_start3A_167 = tpu.memref_slice %arg17[%dma_start3A_165, %dma_start3A_166] : memref<400x32xf32, #tpu.memory_space<vmem>> -> memref<100x32xf32, #tpu.memory_space<vmem>>
      %dma_start3A_168 = arith.constant 0 : i32
      %dma_start3A_169 = tpu.memref_slice %arg11[%dma_start3A_164, %dma_start3A_168] : memref<4x100xi32, #tpu.memory_space<vmem>> -> memref<1x100xi32, #tpu.memory_space<vmem>>
      %dma_start3A_170 = tpu.memref_squeeze %dma_start3A_169 : memref<1x100xi32, #tpu.memory_space<vmem>> -> memref<100xi32, #tpu.memory_space<vmem>>
      %dma_start3A_171 = arith.constant 0 : i32
      %dma_start3A_172 = arith.constant 0 : i32
      %dma_start3A_173 = tpu.memref_slice %arg7[%dma_start3A_171, %dma_start3A_172] : memref<1007616x32xf32, #tpu.memory_space<hbm>> -> memref<1007616x32xf32, #tpu.memory_space<hbm>>
      tpu.enqueue_indirect_dma source(%dma_start3A_173 : memref<1007616x32xf32, #tpu.memory_space<hbm>>) target(%dma_start3A_167 : memref<100x32xf32, #tpu.memory_space<vmem>>) offsets(%dma_start3A_170 : memref<100xi32, #tpu.memory_space<vmem>>) semaphore(%arg26 : memref<!tpu.dma_semaphore, #tpu.memory_space<semaphore_mem>>)
      %dma_start3A_174 = arith.constant 2 : i32
      %dma_start3A_175 = arith.constant 200 : i32
      %dma_start3A_176 = arith.constant 0 : i32
      %dma_start3A_177 = tpu.memref_slice %arg17[%dma_start3A_175, %dma_start3A_176] : memref<400x32xf32, #tpu.memory_space<vmem>> -> memref<100x32xf32, #tpu.memory_space<vmem>>
      %dma_start3A_178 = arith.constant 0 : i32
      %dma_start3A_179 = tpu.memref_slice %arg11[%dma_start3A_174, %dma_start3A_178] : memref<4x100xi32, #tpu.memory_space<vmem>> -> memref<1x100xi32, #tpu.memory_space<vmem>>
      %dma_start3A_180 = tpu.memref_squeeze %dma_start3A_179 : memref<1x100xi32, #tpu.memory_space<vmem>> -> memref<100xi32, #tpu.memory_space<vmem>>
      %dma_start3A_181 = arith.constant 0 : i32
      %dma_start3A_182 = arith.constant 0 : i32
      %dma_start3A_183 = tpu.memref_slice %arg7[%dma_start3A_181, %dma_start3A_182] : memref<1007616x32xf32, #tpu.memory_space<hbm>> -> memref<1007616x32xf32, #tpu.memory_space<hbm>>
      tpu.enqueue_indirect_dma source(%dma_start3A_183 : memref<1007616x32xf32, #tpu.memory_space<hbm>>) target(%dma_start3A_177 : memref<100x32xf32, #tpu.memory_space<vmem>>) offsets(%dma_start3A_180 : memref<100xi32, #tpu.memory_space<vmem>>) semaphore(%arg26 : memref<!tpu.dma_semaphore, #tpu.memory_space<semaphore_mem>>)
      %dma_start3A_184 = arith.constant 3 : i32
      %dma_start3A_185 = arith.constant 300 : i32
      %dma_start3A_186 = arith.constant 0 : i32
      %dma_start3A_187 = tpu.memref_slice %arg17[%dma_start3A_185, %dma_start3A_186] : memref<400x32xf32, #tpu.memory_space<vmem>> -> memref<100x32xf32, #tpu.memory_space<vmem>>
      %dma_start3A_188 = arith.constant 0 : i32
      %dma_start3A_189 = tpu.memref_slice %arg11[%dma_start3A_184, %dma_start3A_188] : memref<4x100xi32, #tpu.memory_space<vmem>> -> memref<1x100xi32, #tpu.memory_space<vmem>>
      %dma_start3A_190 = tpu.memref_squeeze %dma_start3A_189 : memref<1x100xi32, #tpu.memory_space<vmem>> -> memref<100xi32, #tpu.memory_space<vmem>>
      %dma_start3A_191 = arith.constant 0 : i32
      %dma_start3A_192 = arith.constant 0 : i32
      %dma_start3A_193 = tpu.memref_slice %arg7[%dma_start3A_191, %dma_start3A_192] : memref<1007616x32xf32, #tpu.memory_space<hbm>> -> memref<1007616x32xf32, #tpu.memory_space<hbm>>
      tpu.enqueue_indirect_dma source(%dma_start3A_193 : memref<1007616x32xf32, #tpu.memory_space<hbm>>) target(%dma_start3A_187 : memref<100x32xf32, #tpu.memory_space<vmem>>) offsets(%dma_start3A_190 : memref<100xi32, #tpu.memory_space<vmem>>) semaphore(%arg26 : memref<!tpu.dma_semaphore, #tpu.memory_space<semaphore_mem>>)
      %scan3A_194 = arith.constant 0 : i32
      %scan3A_195 = arith.constant 0 : i32
      %scan3A_196 = arith.constant 25 : i32
      %scan3A_197 = arith.addi %scan3A_195, %scan3A_196 : i32
      %scan3A_198 = arith.constant 1 : i32
      scf.for %scan3A_413 = %scan3A_195 to %scan3A_197 step %scan3A_198  : i32 {
        %mul3A_414 = arith.constant 16 : i32
        %mul3A_415 = arith.muli %scan3A_413, %mul3A_414 : i32
        %get3A_416 = arith.index_cast %mul3A_415 : i32 to index
        %get3A_417 = tpu.vector_load %arg13[%get3A_416] {strides = array<i32>} : memref<400xf32, #tpu.memory_space<vmem>>, vector<16xf32>,
        %get3A_418 = vector.shape_cast %get3A_417 : vector<16xf32> to vector<16xf32>
        %mul3A_419 = arith.constant 16 : i32
        %mul3A_420 = arith.muli %scan3A_413, %mul3A_419 : i32
        %get3A_421 = arith.index_cast %mul3A_420 : i32 to index
        %get3A_422 = tpu.vector_load %arg15[%get3A_421] {strides = array<i32>} : memref<400xf32, #tpu.memory_space<vmem>>, vector<16xf32>,
        %get3A_423 = vector.shape_cast %get3A_422 : vector<16xf32> to vector<16xf32>
        %mul3A_424 = arith.constant 16 : i32
        %mul3A_425 = arith.muli %scan3A_413, %mul3A_424 : i32
        %add3A_426 = arith.constant 0 : i32
        %add3A_427 = arith.addi %mul3A_425, %add3A_426 : i32
        %broadcast_in_dim3A = arith.constant 0 : i32
        %broadcast_in_dim3A_428 = vector.broadcast %broadcast_in_dim3A : i32 to vector<16x1xi32>
        %gather3A = vector.shape_cast %broadcast_in_dim3A_428 : vector<16x1xi32> to vector<16xi32>
        %gather3A_429 = tpu.dynamic_gather %get3A_418[%gather3A] in [0] : vector<16xf32>, vector<16xi32> -> vector<16xf32>
        %broadcast_in_dim3A_430 = arith.constant 0 : i32
        %broadcast_in_dim3A_431 = vector.broadcast %broadcast_in_dim3A_430 : i32 to vector<16x1xi32>
        %gather3A_432 = vector.shape_cast %broadcast_in_dim3A_431 : vector<16x1xi32> to vector<16xi32>
        %gather3A_433 = tpu.dynamic_gather %get3A_423[%gather3A_432] in [0] : vector<16xf32>, vector<16xi32> -> vector<16xf32>
        %mul3A_434 = arith.mulf %gather3A_429, %get3A_9 : vector<16xf32>
        %add3A_435 = arith.addf %mul3A_434, %get3A_19 : vector<16xf32>
        %swap3A = arith.index_cast %add3A_427 : i32 to index
        %swap3A_436 = arith.constant 0 : index
        %swap3A_437 = tpu.vector_load %arg19[%swap3A, %swap3A_436] {strides = array<i32>} : memref<400x32xf32, #tpu.memory_space<vmem>>, vector<1x16xf32>,
        %swap3A_438 = vector.shape_cast %swap3A_437 : vector<1x16xf32> to vector<16xf32>
        %swap3A_439 = vector.shape_cast %add3A_435 : vector<16xf32> to vector<1x16xf32>
        tpu.vector_store %arg19[%swap3A, %swap3A_436], %swap3A_439 {strides = array<i32>} : memref<400x32xf32, #tpu.memory_space<vmem>>, vector<1x16xf32>,
        %mul3A_440 = arith.mulf %gather3A_429, %get3A_14 : vector<16xf32>
        %add3A_441 = arith.addf %mul3A_440, %get3A_24 : vector<16xf32>
        %swap3A_442 = arith.index_cast %add3A_427 : i32 to index
        %swap3A_443 = arith.constant 16 : index
        %swap3A_444 = tpu.vector_load %arg19[%swap3A_442, %swap3A_443] {strides = array<i32>} : memref<400x32xf32, #tpu.memory_space<vmem>>, vector<1x16xf32>,
        %swap3A_445 = vector.shape_cast %swap3A_444 : vector<1x16xf32> to vector<16xf32>
        %swap3A_446 = vector.shape_cast %add3A_441 : vector<16xf32> to vector<1x16xf32>
        tpu.vector_store %arg19[%swap3A_442, %swap3A_443], %swap3A_446 {strides = array<i32>} : memref<400x32xf32, #tpu.memory_space<vmem>>, vector<1x16xf32>,
        %mul3A_447 = arith.mulf %gather3A_433, %get3A_29 : vector<16xf32>
        %add3A_448 = arith.addf %mul3A_447, %get3A_39 : vector<16xf32>
        %swap3A_449 = arith.index_cast %add3A_427 : i32 to index
        %swap3A_450 = arith.constant 0 : index
        %swap3A_451 = tpu.vector_load %arg21[%swap3A_449, %swap3A_450] {strides = array<i32>} : memref<400x32xf32, #tpu.memory_space<vmem>>, vector<1x16xf32>,
        %swap3A_452 = vector.shape_cast %swap3A_451 : vector<1x16xf32> to vector<16xf32>
        %swap3A_453 = vector.shape_cast %add3A_448 : vector<16xf32> to vector<1x16xf32>
        tpu.vector_store %arg21[%swap3A_449, %swap3A_450], %swap3A_453 {strides = array<i32>} : memref<400x32xf32, #tpu.memory_space<vmem>>, vector<1x16xf32>,
        %mul3A_454 = arith.mulf %gather3A_433, %get3A_34 : vector<16xf32>
        %add3A_455 = arith.addf %mul3A_454, %get3A_44 : vector<16xf32>
        %swap3A_456 = arith.index_cast %add3A_427 : i32 to index
        %swap3A_457 = arith.constant 16 : index
        %swap3A_458 = tpu.vector_load %arg21[%swap3A_456, %swap3A_457] {strides = array<i32>} : memref<400x32xf32, #tpu.memory_space<vmem>>, vector<1x16xf32>,
        %swap3A_459 = vector.shape_cast %swap3A_458 : vector<1x16xf32> to vector<16xf32>
        %swap3A_460 = vector.shape_cast %add3A_455 : vector<16xf32> to vector<1x16xf32>
        tpu.vector_store %arg21[%swap3A_456, %swap3A_457], %swap3A_460 {strides = array<i32>} : memref<400x32xf32, #tpu.memory_space<vmem>>, vector<1x16xf32>,
        %mul3A_461 = arith.constant 16 : i32
        %mul3A_462 = arith.muli %scan3A_413, %mul3A_461 : i32
        %add3A_463 = arith.constant 1 : i32
        %add3A_464 = arith.addi %mul3A_462, %add3A_463 : i32
        %broadcast_in_dim3A_465 = arith.constant 1 : i32
        %broadcast_in_dim3A_466 = vector.broadcast %broadcast_in_dim3A_465 : i32 to vector<16x1xi32>
        %gather3A_467 = vector.shape_cast %broadcast_in_dim3A_466 : vector<16x1xi32> to vector<16xi32>
        %gather3A_468 = tpu.dynamic_gather %get3A_418[%gather3A_467] in [0] : vector<16xf32>, vector<16xi32> -> vector<16xf32>
        %broadcast_in_dim3A_469 = arith.constant 1 : i32
        %broadcast_in_dim3A_470 = vector.broadcast %broadcast_in_dim3A_469 : i32 to vector<16x1xi32>
        %gather3A_471 = vector.shape_cast %broadcast_in_dim3A_470 : vector<16x1xi32> to vector<16xi32>
        %gather3A_472 = tpu.dynamic_gather %get3A_423[%gather3A_471] in [0] : vector<16xf32>, vector<16xi32> -> vector<16xf32>
        %mul3A_473 = arith.mulf %gather3A_468, %get3A_9 : vector<16xf32>
        %add3A_474 = arith.addf %mul3A_473, %get3A_19 : vector<16xf32>
        %swap3A_475 = arith.index_cast %add3A_464 : i32 to index
        %swap3A_476 = arith.constant 0 : index
        %swap3A_477 = tpu.vector_load %arg19[%swap3A_475, %swap3A_476] {strides = array<i32>} : memref<400x32xf32, #tpu.memory_space<vmem>>, vector<1x16xf32>,
        %swap3A_478 = vector.shape_cast %swap3A_477 : vector<1x16xf32> to vector<16xf32>
        %swap3A_479 = vector.shape_cast %add3A_474 : vector<16xf32> to vector<1x16xf32>
        tpu.vector_store %arg19[%swap3A_475, %swap3A_476], %swap3A_479 {strides = array<i32>} : memref<400x32xf32, #tpu.memory_space<vmem>>, vector<1x16xf32>,
        %mul3A_480 = arith.mulf %gather3A_468, %get3A_14 : vector<16xf32>
        %add3A_481 = arith.addf %mul3A_480, %get3A_24 : vector<16xf32>
        %swap3A_482 = arith.index_cast %add3A_464 : i32 to index
        %swap3A_483 = arith.constant 16 : index
        %swap3A_484 = tpu.vector_load %arg19[%swap3A_482, %swap3A_483] {strides = array<i32>} : memref<400x32xf32, #tpu.memory_space<vmem>>, vector<1x16xf32>,
        %swap3A_485 = vector.shape_cast %swap3A_484 : vector<1x16xf32> to vector<16xf32>
        %swap3A_486 = vector.shape_cast %add3A_481 : vector<16xf32> to vector<1x16xf32>
        tpu.vector_store %arg19[%swap3A_482, %swap3A_483], %swap3A_486 {strides = array<i32>} : memref<400x32xf32, #tpu.memory_space<vmem>>, vector<1x16xf32>,
        %mul3A_487 = arith.mulf %gather3A_472, %get3A_29 : vector<16xf32>
        %add3A_488 = arith.addf %mul3A_487, %get3A_39 : vector<16xf32>
        %swap3A_489 = arith.index_cast %add3A_464 : i32 to index
        %swap3A_490 = arith.constant 0 : index
        %swap3A_491 = tpu.vector_load %arg21[%swap3A_489, %swap3A_490] {strides = array<i32>} : memref<400x32xf32, #tpu.memory_space<vmem>>, vector<1x16xf32>,
        %swap3A_492 = vector.shape_cast %swap3A_491 : vector<1x16xf32> to vector<16xf32>
        %swap3A_493 = vector.shape_cast %add3A_488 : vector<16xf32> to vector<1x16xf32>
        tpu.vector_store %arg21[%swap3A_489, %swap3A_490], %swap3A_493 {strides = array<i32>} : memref<400x32xf32, #tpu.memory_space<vmem>>, vector<1x16xf32>,
        %mul3A_494 = arith.mulf %gather3A_472, %get3A_34 : vector<16xf32>
        %add3A_495 = arith.addf %mul3A_494, %get3A_44 : vector<16xf32>
        %swap3A_496 = arith.index_cast %add3A_464 : i32 to index
        %swap3A_497 = arith.constant 16 : index
        %swap3A_498 = tpu.vector_load %arg21[%swap3A_496, %swap3A_497] {strides = array<i32>} : memref<400x32xf32, #tpu.memory_space<vmem>>, vector<1x16xf32>,
        %swap3A_499 = vector.shape_cast %swap3A_498 : vector<1x16xf32> to vector<16xf32>
        %swap3A_500 = vector.shape_cast %add3A_495 : vector<16xf32> to vector<1x16xf32>
        tpu.vector_store %arg21[%swap3A_496, %swap3A_497], %swap3A_500 {strides = array<i32>} : memref<400x32xf32, #tpu.memory_space<vmem>>, vector<1x16xf32>,
        %mul3A_501 = arith.constant 16 : i32
        %mul3A_502 = arith.muli %scan3A_413, %mul3A_501 : i32
        %add3A_503 = arith.constant 2 : i32
        %add3A_504 = arith.addi %mul3A_502, %add3A_503 : i32
        %broadcast_in_dim3A_505 = arith.constant 2 : i32
        %broadcast_in_dim3A_506 = vector.broadcast %broadcast_in_dim3A_505 : i32 to vector<16x1xi32>
        %gather3A_507 = vector.shape_cast %broadcast_in_dim3A_506 : vector<16x1xi32> to vector<16xi32>
        %gather3A_508 = tpu.dynamic_gather %get3A_418[%gather3A_507] in [0] : vector<16xf32>, vector<16xi32> -> vector<16xf32>
        %broadcast_in_dim3A_509 = arith.constant 2 : i32
        %broadcast_in_dim3A_510 = vector.broadcast %broadcast_in_dim3A_509 : i32 to vector<16x1xi32>
        %gather3A_511 = vector.shape_cast %broadcast_in_dim3A_510 : vector<16x1xi32> to vector<16xi32>
        %gather3A_512 = tpu.dynamic_gather %get3A_423[%gather3A_511] in [0] : vector<16xf32>, vector<16xi32> -> vector<16xf32>
        %mul3A_513 = arith.mulf %gather3A_508, %get3A_9 : vector<16xf32>
        %add3A_514 = arith.addf %mul3A_513, %get3A_19 : vector<16xf32>
        %swap3A_515 = arith.index_cast %add3A_504 : i32 to index
        %swap3A_516 = arith.constant 0 : index
        %swap3A_517 = tpu.vector_load %arg19[%swap3A_515, %swap3A_516] {strides = array<i32>} : memref<400x32xf32, #tpu.memory_space<vmem>>, vector<1x16xf32>,
        %swap3A_518 = vector.shape_cast %swap3A_517 : vector<1x16xf32> to vector<16xf32>
        %swap3A_519 = vector.shape_cast %add3A_514 : vector<16xf32> to vector<1x16xf32>
        tpu.vector_store %arg19[%swap3A_515, %swap3A_516], %swap3A_519 {strides = array<i32>} : memref<400x32xf32, #tpu.memory_space<vmem>>, vector<1x16xf32>,
        %mul3A_520 = arith.mulf %gather3A_508, %get3A_14 : vector<16xf32>
        %add3A_521 = arith.addf %mul3A_520, %get3A_24 : vector<16xf32>
        %swap3A_522 = arith.index_cast %add3A_504 : i32 to index
        %swap3A_523 = arith.constant 16 : index
        %swap3A_524 = tpu.vector_load %arg19[%swap3A_522, %swap3A_523] {strides = array<i32>} : memref<400x32xf32, #tpu.memory_space<vmem>>, vector<1x16xf32>,
        %swap3A_525 = vector.shape_cast %swap3A_524 : vector<1x16xf32> to vector<16xf32>
        %swap3A_526 = vector.shape_cast %add3A_521 : vector<16xf32> to vector<1x16xf32>
        tpu.vector_store %arg19[%swap3A_522, %swap3A_523], %swap3A_526 {strides = array<i32>} : memref<400x32xf32, #tpu.memory_space<vmem>>, vector<1x16xf32>,
        %mul3A_527 = arith.mulf %gather3A_512, %get3A_29 : vector<16xf32>
        %add3A_528 = arith.addf %mul3A_527, %get3A_39 : vector<16xf32>
        %swap3A_529 = arith.index_cast %add3A_504 : i32 to index
        %swap3A_530 = arith.constant 0 : index
        %swap3A_531 = tpu.vector_load %arg21[%swap3A_529, %swap3A_530] {strides = array<i32>} : memref<400x32xf32, #tpu.memory_space<vmem>>, vector<1x16xf32>,
        %swap3A_532 = vector.shape_cast %swap3A_531 : vector<1x16xf32> to vector<16xf32>
        %swap3A_533 = vector.shape_cast %add3A_528 : vector<16xf32> to vector<1x16xf32>
        tpu.vector_store %arg21[%swap3A_529, %swap3A_530], %swap3A_533 {strides = array<i32>} : memref<400x32xf32, #tpu.memory_space<vmem>>, vector<1x16xf32>,
        %mul3A_534 = arith.mulf %gather3A_512, %get3A_34 : vector<16xf32>
        %add3A_535 = arith.addf %mul3A_534, %get3A_44 : vector<16xf32>
        %swap3A_536 = arith.index_cast %add3A_504 : i32 to index
        %swap3A_537 = arith.constant 16 : index
        %swap3A_538 = tpu.vector_load %arg21[%swap3A_536, %swap3A_537] {strides = array<i32>} : memref<400x32xf32, #tpu.memory_space<vmem>>, vector<1x16xf32>,
        %swap3A_539 = vector.shape_cast %swap3A_538 : vector<1x16xf32> to vector<16xf32>
        %swap3A_540 = vector.shape_cast %add3A_535 : vector<16xf32> to vector<1x16xf32>
        tpu.vector_store %arg21[%swap3A_536, %swap3A_537], %swap3A_540 {strides = array<i32>} : memref<400x32xf32, #tpu.memory_space<vmem>>, vector<1x16xf32>,
        %mul3A_541 = arith.constant 16 : i32
        %mul3A_542 = arith.muli %scan3A_413, %mul3A_541 : i32
        %add3A_543 = arith.constant 3 : i32
        %add3A_544 = arith.addi %mul3A_542, %add3A_543 : i32
        %broadcast_in_dim3A_545 = arith.constant 3 : i32
        %broadcast_in_dim3A_546 = vector.broadcast %broadcast_in_dim3A_545 : i32 to vector<16x1xi32>
        %gather3A_547 = vector.shape_cast %broadcast_in_dim3A_546 : vector<16x1xi32> to vector<16xi32>
        %gather3A_548 = tpu.dynamic_gather %get3A_418[%gather3A_547] in [0] : vector<16xf32>, vector<16xi32> -> vector<16xf32>
        %broadcast_in_dim3A_549 = arith.constant 3 : i32
        %broadcast_in_dim3A_550 = vector.broadcast %broadcast_in_dim3A_549 : i32 to vector<16x1xi32>
        %gather3A_551 = vector.shape_cast %broadcast_in_dim3A_550 : vector<16x1xi32> to vector<16xi32>
        %gather3A_552 = tpu.dynamic_gather %get3A_423[%gather3A_551] in [0] : vector<16xf32>, vector<16xi32> -> vector<16xf32>
        %mul3A_553 = arith.mulf %gather3A_548, %get3A_9 : vector<16xf32>
        %add3A_554 = arith.addf %mul3A_553, %get3A_19 : vector<16xf32>
        %swap3A_555 = arith.index_cast %add3A_544 : i32 to index
        %swap3A_556 = arith.constant 0 : index
        %swap3A_557 = tpu.vector_load %arg19[%swap3A_555, %swap3A_556] {strides = array<i32>} : memref<400x32xf32, #tpu.memory_space<vmem>>, vector<1x16xf32>,
        %swap3A_558 = vector.shape_cast %swap3A_557 : vector<1x16xf32> to vector<16xf32>
        %swap3A_559 = vector.shape_cast %add3A_554 : vector<16xf32> to vector<1x16xf32>
        tpu.vector_store %arg19[%swap3A_555, %swap3A_556], %swap3A_559 {strides = array<i32>} : memref<400x32xf32, #tpu.memory_space<vmem>>, vector<1x16xf32>,
        %mul3A_560 = arith.mulf %gather3A_548, %get3A_14 : vector<16xf32>
        %add3A_561 = arith.addf %mul3A_560, %get3A_24 : vector<16xf32>
        %swap3A_562 = arith.index_cast %add3A_544 : i32 to index
        %swap3A_563 = arith.constant 16 : index
        %swap3A_564 = tpu.vector_load %arg19[%swap3A_562, %swap3A_563] {strides = array<i32>} : memref<400x32xf32, #tpu.memory_space<vmem>>, vector<1x16xf32>,
        %swap3A_565 = vector.shape_cast %swap3A_564 : vector<1x16xf32> to vector<16xf32>
        %swap3A_566 = vector.shape_cast %add3A_561 : vector<16xf32> to vector<1x16xf32>
        tpu.vector_store %arg19[%swap3A_562, %swap3A_563], %swap3A_566 {strides = array<i32>} : memref<400x32xf32, #tpu.memory_space<vmem>>, vector<1x16xf32>,
        %mul3A_567 = arith.mulf %gather3A_552, %get3A_29 : vector<16xf32>
        %add3A_568 = arith.addf %mul3A_567, %get3A_39 : vector<16xf32>
        %swap3A_569 = arith.index_cast %add3A_544 : i32 to index
        %swap3A_570 = arith.constant 0 : index
        %swap3A_571 = tpu.vector_load %arg21[%swap3A_569, %swap3A_570] {strides = array<i32>} : memref<400x32xf32, #tpu.memory_space<vmem>>, vector<1x16xf32>,
        %swap3A_572 = vector.shape_cast %swap3A_571 : vector<1x16xf32> to vector<16xf32>
        %swap3A_573 = vector.shape_cast %add3A_568 : vector<16xf32> to vector<1x16xf32>
        tpu.vector_store %arg21[%swap3A_569, %swap3A_570], %swap3A_573 {strides = array<i32>} : memref<400x32xf32, #tpu.memory_space<vmem>>, vector<1x16xf32>,
        %mul3A_574 = arith.mulf %gather3A_552, %get3A_34 : vector<16xf32>
        %add3A_575 = arith.addf %mul3A_574, %get3A_44 : vector<16xf32>
        %swap3A_576 = arith.index_cast %add3A_544 : i32 to index
        %swap3A_577 = arith.constant 16 : index
        %swap3A_578 = tpu.vector_load %arg21[%swap3A_576, %swap3A_577] {strides = array<i32>} : memref<400x32xf32, #tpu.memory_space<vmem>>, vector<1x16xf32>,
        %swap3A_579 = vector.shape_cast %swap3A_578 : vector<1x16xf32> to vector<16xf32>
        %swap3A_580 = vector.shape_cast %add3A_575 : vector<16xf32> to vector<1x16xf32>
        tpu.vector_store %arg21[%swap3A_576, %swap3A_577], %swap3A_580 {strides = array<i32>} : memref<400x32xf32, #tpu.memory_space<vmem>>, vector<1x16xf32>,
        %mul3A_581 = arith.constant 16 : i32
        %mul3A_582 = arith.muli %scan3A_413, %mul3A_581 : i32
        %add3A_583 = arith.constant 4 : i32
        %add3A_584 = arith.addi %mul3A_582, %add3A_583 : i32
        %broadcast_in_dim3A_585 = arith.constant 4 : i32
        %broadcast_in_dim3A_586 = vector.broadcast %broadcast_in_dim3A_585 : i32 to vector<16x1xi32>
        %gather3A_587 = vector.shape_cast %broadcast_in_dim3A_586 : vector<16x1xi32> to vector<16xi32>
        %gather3A_588 = tpu.dynamic_gather %get3A_418[%gather3A_587] in [0] : vector<16xf32>, vector<16xi32> -> vector<16xf32>
        %broadcast_in_dim3A_589 = arith.constant 4 : i32
        %broadcast_in_dim3A_590 = vector.broadcast %broadcast_in_dim3A_589 : i32 to vector<16x1xi32>
        %gather3A_591 = vector.shape_cast %broadcast_in_dim3A_590 : vector<16x1xi32> to vector<16xi32>
        %gather3A_592 = tpu.dynamic_gather %get3A_423[%gather3A_591] in [0] : vector<16xf32>, vector<16xi32> -> vector<16xf32>
        %mul3A_593 = arith.mulf %gather3A_588, %get3A_9 : vector<16xf32>
        %add3A_594 = arith.addf %mul3A_593, %get3A_19 : vector<16xf32>
        %swap3A_595 = arith.index_cast %add3A_584 : i32 to index
        %swap3A_596 = arith.constant 0 : index
        %swap3A_597 = tpu.vector_load %arg19[%swap3A_595, %swap3A_596] {strides = array<i32>} : memref<400x32xf32, #tpu.memory_space<vmem>>, vector<1x16xf32>,
        %swap3A_598 = vector.shape_cast %swap3A_597 : vector<1x16xf32> to vector<16xf32>
        %swap3A_599 = vector.shape_cast %add3A_594 : vector<16xf32> to vector<1x16xf32>
        tpu.vector_store %arg19[%swap3A_595, %swap3A_596], %swap3A_599 {strides = array<i32>} : memref<400x32xf32, #tpu.memory_space<vmem>>, vector<1x16xf32>,
        %mul3A_600 = arith.mulf %gather3A_588, %get3A_14 : vector<16xf32>
        %add3A_601 = arith.addf %mul3A_600, %get3A_24 : vector<16xf32>
        %swap3A_602 = arith.index_cast %add3A_584 : i32 to index
        %swap3A_603 = arith.constant 16 : index
        %swap3A_604 = tpu.vector_load %arg19[%swap3A_602, %swap3A_603] {strides = array<i32>} : memref<400x32xf32, #tpu.memory_space<vmem>>, vector<1x16xf32>,
        %swap3A_605 = vector.shape_cast %swap3A_604 : vector<1x16xf32> to vector<16xf32>
        %swap3A_606 = vector.shape_cast %add3A_601 : vector<16xf32> to vector<1x16xf32>
        tpu.vector_store %arg19[%swap3A_602, %swap3A_603], %swap3A_606 {strides = array<i32>} : memref<400x32xf32, #tpu.memory_space<vmem>>, vector<1x16xf32>,
        %mul3A_607 = arith.mulf %gather3A_592, %get3A_29 : vector<16xf32>
        %add3A_608 = arith.addf %mul3A_607, %get3A_39 : vector<16xf32>
        %swap3A_609 = arith.index_cast %add3A_584 : i32 to index
        %swap3A_610 = arith.constant 0 : index
        %swap3A_611 = tpu.vector_load %arg21[%swap3A_609, %swap3A_610] {strides = array<i32>} : memref<400x32xf32, #tpu.memory_space<vmem>>, vector<1x16xf32>,
        %swap3A_612 = vector.shape_cast %swap3A_611 : vector<1x16xf32> to vector<16xf32>
        %swap3A_613 = vector.shape_cast %add3A_608 : vector<16xf32> to vector<1x16xf32>
        tpu.vector_store %arg21[%swap3A_609, %swap3A_610], %swap3A_613 {strides = array<i32>} : memref<400x32xf32, #tpu.memory_space<vmem>>, vector<1x16xf32>,
        %mul3A_614 = arith.mulf %gather3A_592, %get3A_34 : vector<16xf32>
        %add3A_615 = arith.addf %mul3A_614, %get3A_44 : vector<16xf32>
        %swap3A_616 = arith.index_cast %add3A_584 : i32 to index
        %swap3A_617 = arith.constant 16 : index
        %swap3A_618 = tpu.vector_load %arg21[%swap3A_616, %swap3A_617] {strides = array<i32>} : memref<400x32xf32, #tpu.memory_space<vmem>>, vector<1x16xf32>,
        %swap3A_619 = vector.shape_cast %swap3A_618 : vector<1x16xf32> to vector<16xf32>
        %swap3A_620 = vector.shape_cast %add3A_615 : vector<16xf32> to vector<1x16xf32>
        tpu.vector_store %arg21[%swap3A_616, %swap3A_617], %swap3A_620 {strides = array<i32>} : memref<400x32xf32, #tpu.memory_space<vmem>>, vector<1x16xf32>,
        %mul3A_621 = arith.constant 16 : i32
        %mul3A_622 = arith.muli %scan3A_413, %mul3A_621 : i32
        %add3A_623 = arith.constant 5 : i32
        %add3A_624 = arith.addi %mul3A_622, %add3A_623 : i32
        %broadcast_in_dim3A_625 = arith.constant 5 : i32
        %broadcast_in_dim3A_626 = vector.broadcast %broadcast_in_dim3A_625 : i32 to vector<16x1xi32>
        %gather3A_627 = vector.shape_cast %broadcast_in_dim3A_626 : vector<16x1xi32> to vector<16xi32>
        %gather3A_628 = tpu.dynamic_gather %get3A_418[%gather3A_627] in [0] : vector<16xf32>, vector<16xi32> -> vector<16xf32>
        %broadcast_in_dim3A_629 = arith.constant 5 : i32
        %broadcast_in_dim3A_630 = vector.broadcast %broadcast_in_dim3A_629 : i32 to vector<16x1xi32>
        %gather3A_631 = vector.shape_cast %broadcast_in_dim3A_630 : vector<16x1xi32> to vector<16xi32>
        %gather3A_632 = tpu.dynamic_gather %get3A_423[%gather3A_631] in [0] : vector<16xf32>, vector<16xi32> -> vector<16xf32>
        %mul3A_633 = arith.mulf %gather3A_628, %get3A_9 : vector<16xf32>
        %add3A_634 = arith.addf %mul3A_633, %get3A_19 : vector<16xf32>
        %swap3A_635 = arith.index_cast %add3A_624 : i32 to index
        %swap3A_636 = arith.constant 0 : index
        %swap3A_637 = tpu.vector_load %arg19[%swap3A_635, %swap3A_636] {strides = array<i32>} : memref<400x32xf32, #tpu.memory_space<vmem>>, vector<1x16xf32>,
        %swap3A_638 = vector.shape_cast %swap3A_637 : vector<1x16xf32> to vector<16xf32>
        %swap3A_639 = vector.shape_cast %add3A_634 : vector<16xf32> to vector<1x16xf32>
        tpu.vector_store %arg19[%swap3A_635, %swap3A_636], %swap3A_639 {strides = array<i32>} : memref<400x32xf32, #tpu.memory_space<vmem>>, vector<1x16xf32>,
        %mul3A_640 = arith.mulf %gather3A_628, %get3A_14 : vector<16xf32>
        %add3A_641 = arith.addf %mul3A_640, %get3A_24 : vector<16xf32>
        %swap3A_642 = arith.index_cast %add3A_624 : i32 to index
        %swap3A_643 = arith.constant 16 : index
        %swap3A_644 = tpu.vector_load %arg19[%swap3A_642, %swap3A_643] {strides = array<i32>} : memref<400x32xf32, #tpu.memory_space<vmem>>, vector<1x16xf32>,
        %swap3A_645 = vector.shape_cast %swap3A_644 : vector<1x16xf32> to vector<16xf32>
        %swap3A_646 = vector.shape_cast %add3A_641 : vector<16xf32> to vector<1x16xf32>
        tpu.vector_store %arg19[%swap3A_642, %swap3A_643], %swap3A_646 {strides = array<i32>} : memref<400x32xf32, #tpu.memory_space<vmem>>, vector<1x16xf32>,
        %mul3A_647 = arith.mulf %gather3A_632, %get3A_29 : vector<16xf32>
        %add3A_648 = arith.addf %mul3A_647, %get3A_39 : vector<16xf32>
        %swap3A_649 = arith.index_cast %add3A_624 : i32 to index
        %swap3A_650 = arith.constant 0 : index
        %swap3A_651 = tpu.vector_load %arg21[%swap3A_649, %swap3A_650] {strides = array<i32>} : memref<400x32xf32, #tpu.memory_space<vmem>>, vector<1x16xf32>,
        %swap3A_652 = vector.shape_cast %swap3A_651 : vector<1x16xf32> to vector<16xf32>
        %swap3A_653 = vector.shape_cast %add3A_648 : vector<16xf32> to vector<1x16xf32>
        tpu.vector_store %arg21[%swap3A_649, %swap3A_650], %swap3A_653 {strides = array<i32>} : memref<400x32xf32, #tpu.memory_space<vmem>>, vector<1x16xf32>,
        %mul3A_654 = arith.mulf %gather3A_632, %get3A_34 : vector<16xf32>
        %add3A_655 = arith.addf %mul3A_654, %get3A_44 : vector<16xf32>
        %swap3A_656 = arith.index_cast %add3A_624 : i32 to index
        %swap3A_657 = arith.constant 16 : index
        %swap3A_658 = tpu.vector_load %arg21[%swap3A_656, %swap3A_657] {strides = array<i32>} : memref<400x32xf32, #tpu.memory_space<vmem>>, vector<1x16xf32>,
        %swap3A_659 = vector.shape_cast %swap3A_658 : vector<1x16xf32> to vector<16xf32>
        %swap3A_660 = vector.shape_cast %add3A_655 : vector<16xf32> to vector<1x16xf32>
        tpu.vector_store %arg21[%swap3A_656, %swap3A_657], %swap3A_660 {strides = array<i32>} : memref<400x32xf32, #tpu.memory_space<vmem>>, vector<1x16xf32>,
        %mul3A_661 = arith.constant 16 : i32
        %mul3A_662 = arith.muli %scan3A_413, %mul3A_661 : i32
        %add3A_663 = arith.constant 6 : i32
        %add3A_664 = arith.addi %mul3A_662, %add3A_663 : i32
        %broadcast_in_dim3A_665 = arith.constant 6 : i32
        %broadcast_in_dim3A_666 = vector.broadcast %broadcast_in_dim3A_665 : i32 to vector<16x1xi32>
        %gather3A_667 = vector.shape_cast %broadcast_in_dim3A_666 : vector<16x1xi32> to vector<16xi32>
        %gather3A_668 = tpu.dynamic_gather %get3A_418[%gather3A_667] in [0] : vector<16xf32>, vector<16xi32> -> vector<16xf32>
        %broadcast_in_dim3A_669 = arith.constant 6 : i32
        %broadcast_in_dim3A_670 = vector.broadcast %broadcast_in_dim3A_669 : i32 to vector<16x1xi32>
        %gather3A_671 = vector.shape_cast %broadcast_in_dim3A_670 : vector<16x1xi32> to vector<16xi32>
        %gather3A_672 = tpu.dynamic_gather %get3A_423[%gather3A_671] in [0] : vector<16xf32>, vector<16xi32> -> vector<16xf32>
        %mul3A_673 = arith.mulf %gather3A_668, %get3A_9 : vector<16xf32>
        %add3A_674 = arith.addf %mul3A_673, %get3A_19 : vector<16xf32>
        %swap3A_675 = arith.index_cast %add3A_664 : i32 to index
        %swap3A_676 = arith.constant 0 : index
        %swap3A_677 = tpu.vector_load %arg19[%swap3A_675, %swap3A_676] {strides = array<i32>} : memref<400x32xf32, #tpu.memory_space<vmem>>, vector<1x16xf32>,
        %swap3A_678 = vector.shape_cast %swap3A_677 : vector<1x16xf32> to vector<16xf32>
        %swap3A_679 = vector.shape_cast %add3A_674 : vector<16xf32> to vector<1x16xf32>
        tpu.vector_store %arg19[%swap3A_675, %swap3A_676], %swap3A_679 {strides = array<i32>} : memref<400x32xf32, #tpu.memory_space<vmem>>, vector<1x16xf32>,
        %mul3A_680 = arith.mulf %gather3A_668, %get3A_14 : vector<16xf32>
        %add3A_681 = arith.addf %mul3A_680, %get3A_24 : vector<16xf32>
        %swap3A_682 = arith.index_cast %add3A_664 : i32 to index
        %swap3A_683 = arith.constant 16 : index
        %swap3A_684 = tpu.vector_load %arg19[%swap3A_682, %swap3A_683] {strides = array<i32>} : memref<400x32xf32, #tpu.memory_space<vmem>>, vector<1x16xf32>,
        %swap3A_685 = vector.shape_cast %swap3A_684 : vector<1x16xf32> to vector<16xf32>
        %swap3A_686 = vector.shape_cast %add3A_681 : vector<16xf32> to vector<1x16xf32>
        tpu.vector_store %arg19[%swap3A_682, %swap3A_683], %swap3A_686 {strides = array<i32>} : memref<400x32xf32, #tpu.memory_space<vmem>>, vector<1x16xf32>,
        %mul3A_687 = arith.mulf %gather3A_672, %get3A_29 : vector<16xf32>
        %add3A_688 = arith.addf %mul3A_687, %get3A_39 : vector<16xf32>
        %swap3A_689 = arith.index_cast %add3A_664 : i32 to index
        %swap3A_690 = arith.constant 0 : index
        %swap3A_691 = tpu.vector_load %arg21[%swap3A_689, %swap3A_690] {strides = array<i32>} : memref<400x32xf32, #tpu.memory_space<vmem>>, vector<1x16xf32>,
        %swap3A_692 = vector.shape_cast %swap3A_691 : vector<1x16xf32> to vector<16xf32>
        %swap3A_693 = vector.shape_cast %add3A_688 : vector<16xf32> to vector<1x16xf32>
        tpu.vector_store %arg21[%swap3A_689, %swap3A_690], %swap3A_693 {strides = array<i32>} : memref<400x32xf32, #tpu.memory_space<vmem>>, vector<1x16xf32>,
        %mul3A_694 = arith.mulf %gather3A_672, %get3A_34 : vector<16xf32>
        %add3A_695 = arith.addf %mul3A_694, %get3A_44 : vector<16xf32>
        %swap3A_696 = arith.index_cast %add3A_664 : i32 to index
        %swap3A_697 = arith.constant 16 : index
        %swap3A_698 = tpu.vector_load %arg21[%swap3A_696, %swap3A_697] {strides = array<i32>} : memref<400x32xf32, #tpu.memory_space<vmem>>, vector<1x16xf32>,
        %swap3A_699 = vector.shape_cast %swap3A_698 : vector<1x16xf32> to vector<16xf32>
        %swap3A_700 = vector.shape_cast %add3A_695 : vector<16xf32> to vector<1x16xf32>
        tpu.vector_store %arg21[%swap3A_696, %swap3A_697], %swap3A_700 {strides = array<i32>} : memref<400x32xf32, #tpu.memory_space<vmem>>, vector<1x16xf32>,
        %mul3A_701 = arith.constant 16 : i32
        %mul3A_702 = arith.muli %scan3A_413, %mul3A_701 : i32
        %add3A_703 = arith.constant 7 : i32
        %add3A_704 = arith.addi %mul3A_702, %add3A_703 : i32
        %broadcast_in_dim3A_705 = arith.constant 7 : i32
        %broadcast_in_dim3A_706 = vector.broadcast %broadcast_in_dim3A_705 : i32 to vector<16x1xi32>
        %gather3A_707 = vector.shape_cast %broadcast_in_dim3A_706 : vector<16x1xi32> to vector<16xi32>
        %gather3A_708 = tpu.dynamic_gather %get3A_418[%gather3A_707] in [0] : vector<16xf32>, vector<16xi32> -> vector<16xf32>
        %broadcast_in_dim3A_709 = arith.constant 7 : i32
        %broadcast_in_dim3A_710 = vector.broadcast %broadcast_in_dim3A_709 : i32 to vector<16x1xi32>
        %gather3A_711 = vector.shape_cast %broadcast_in_dim3A_710 : vector<16x1xi32> to vector<16xi32>
        %gather3A_712 = tpu.dynamic_gather %get3A_423[%gather3A_711] in [0] : vector<16xf32>, vector<16xi32> -> vector<16xf32>
        %mul3A_713 = arith.mulf %gather3A_708, %get3A_9 : vector<16xf32>
        %add3A_714 = arith.addf %mul3A_713, %get3A_19 : vector<16xf32>
        %swap3A_715 = arith.index_cast %add3A_704 : i32 to index
        %swap3A_716 = arith.constant 0 : index
        %swap3A_717 = tpu.vector_load %arg19[%swap3A_715, %swap3A_716] {strides = array<i32>} : memref<400x32xf32, #tpu.memory_space<vmem>>, vector<1x16xf32>,
        %swap3A_718 = vector.shape_cast %swap3A_717 : vector<1x16xf32> to vector<16xf32>
        %swap3A_719 = vector.shape_cast %add3A_714 : vector<16xf32> to vector<1x16xf32>
        tpu.vector_store %arg19[%swap3A_715, %swap3A_716], %swap3A_719 {strides = array<i32>} : memref<400x32xf32, #tpu.memory_space<vmem>>, vector<1x16xf32>,
        %mul3A_720 = arith.mulf %gather3A_708, %get3A_14 : vector<16xf32>
        %add3A_721 = arith.addf %mul3A_720, %get3A_24 : vector<16xf32>
        %swap3A_722 = arith.index_cast %add3A_704 : i32 to index
        %swap3A_723 = arith.constant 16 : index
        %swap3A_724 = tpu.vector_load %arg19[%swap3A_722, %swap3A_723] {strides = array<i32>} : memref<400x32xf32, #tpu.memory_space<vmem>>, vector<1x16xf32>,
        %swap3A_725 = vector.shape_cast %swap3A_724 : vector<1x16xf32> to vector<16xf32>
        %swap3A_726 = vector.shape_cast %add3A_721 : vector<16xf32> to vector<1x16xf32>
        tpu.vector_store %arg19[%swap3A_722, %swap3A_723], %swap3A_726 {strides = array<i32>} : memref<400x32xf32, #tpu.memory_space<vmem>>, vector<1x16xf32>,
        %mul3A_727 = arith.mulf %gather3A_712, %get3A_29 : vector<16xf32>
        %add3A_728 = arith.addf %mul3A_727, %get3A_39 : vector<16xf32>
        %swap3A_729 = arith.index_cast %add3A_704 : i32 to index
        %swap3A_730 = arith.constant 0 : index
        %swap3A_731 = tpu.vector_load %arg21[%swap3A_729, %swap3A_730] {strides = array<i32>} : memref<400x32xf32, #tpu.memory_space<vmem>>, vector<1x16xf32>,
        %swap3A_732 = vector.shape_cast %swap3A_731 : vector<1x16xf32> to vector<16xf32>
        %swap3A_733 = vector.shape_cast %add3A_728 : vector<16xf32> to vector<1x16xf32>
        tpu.vector_store %arg21[%swap3A_729, %swap3A_730], %swap3A_733 {strides = array<i32>} : memref<400x32xf32, #tpu.memory_space<vmem>>, vector<1x16xf32>,
        %mul3A_734 = arith.mulf %gather3A_712, %get3A_34 : vector<16xf32>
        %add3A_735 = arith.addf %mul3A_734, %get3A_44 : vector<16xf32>
        %swap3A_736 = arith.index_cast %add3A_704 : i32 to index
        %swap3A_737 = arith.constant 16 : index
        %swap3A_738 = tpu.vector_load %arg21[%swap3A_736, %swap3A_737] {strides = array<i32>} : memref<400x32xf32, #tpu.memory_space<vmem>>, vector<1x16xf32>,
        %swap3A_739 = vector.shape_cast %swap3A_738 : vector<1x16xf32> to vector<16xf32>
        %swap3A_740 = vector.shape_cast %add3A_735 : vector<16xf32> to vector<1x16xf32>
        tpu.vector_store %arg21[%swap3A_736, %swap3A_737], %swap3A_740 {strides = array<i32>} : memref<400x32xf32, #tpu.memory_space<vmem>>, vector<1x16xf32>,
        %mul3A_741 = arith.constant 16 : i32
        %mul3A_742 = arith.muli %scan3A_413, %mul3A_741 : i32
        %add3A_743 = arith.constant 8 : i32
        %add3A_744 = arith.addi %mul3A_742, %add3A_743 : i32
        %broadcast_in_dim3A_745 = arith.constant 8 : i32
        %broadcast_in_dim3A_746 = vector.broadcast %broadcast_in_dim3A_745 : i32 to vector<16x1xi32>
        %gather3A_747 = vector.shape_cast %broadcast_in_dim3A_746 : vector<16x1xi32> to vector<16xi32>
        %gather3A_748 = tpu.dynamic_gather %get3A_418[%gather3A_747] in [0] : vector<16xf32>, vector<16xi32> -> vector<16xf32>
        %broadcast_in_dim3A_749 = arith.constant 8 : i32
        %broadcast_in_dim3A_750 = vector.broadcast %broadcast_in_dim3A_749 : i32 to vector<16x1xi32>
        %gather3A_751 = vector.shape_cast %broadcast_in_dim3A_750 : vector<16x1xi32> to vector<16xi32>
        %gather3A_752 = tpu.dynamic_gather %get3A_423[%gather3A_751] in [0] : vector<16xf32>, vector<16xi32> -> vector<16xf32>
        %mul3A_753 = arith.mulf %gather3A_748, %get3A_9 : vector<16xf32>
        %add3A_754 = arith.addf %mul3A_753, %get3A_19 : vector<16xf32>
        %swap3A_755 = arith.index_cast %add3A_744 : i32 to index
        %swap3A_756 = arith.constant 0 : index
        %swap3A_757 = tpu.vector_load %arg19[%swap3A_755, %swap3A_756] {strides = array<i32>} : memref<400x32xf32, #tpu.memory_space<vmem>>, vector<1x16xf32>,
        %swap3A_758 = vector.shape_cast %swap3A_757 : vector<1x16xf32> to vector<16xf32>
        %swap3A_759 = vector.shape_cast %add3A_754 : vector<16xf32> to vector<1x16xf32>
        tpu.vector_store %arg19[%swap3A_755, %swap3A_756], %swap3A_759 {strides = array<i32>} : memref<400x32xf32, #tpu.memory_space<vmem>>, vector<1x16xf32>,
        %mul3A_760 = arith.mulf %gather3A_748, %get3A_14 : vector<16xf32>
        %add3A_761 = arith.addf %mul3A_760, %get3A_24 : vector<16xf32>
        %swap3A_762 = arith.index_cast %add3A_744 : i32 to index
        %swap3A_763 = arith.constant 16 : index
        %swap3A_764 = tpu.vector_load %arg19[%swap3A_762, %swap3A_763] {strides = array<i32>} : memref<400x32xf32, #tpu.memory_space<vmem>>, vector<1x16xf32>,
        %swap3A_765 = vector.shape_cast %swap3A_764 : vector<1x16xf32> to vector<16xf32>
        %swap3A_766 = vector.shape_cast %add3A_761 : vector<16xf32> to vector<1x16xf32>
        tpu.vector_store %arg19[%swap3A_762, %swap3A_763], %swap3A_766 {strides = array<i32>} : memref<400x32xf32, #tpu.memory_space<vmem>>, vector<1x16xf32>,
        %mul3A_767 = arith.mulf %gather3A_752, %get3A_29 : vector<16xf32>
        %add3A_768 = arith.addf %mul3A_767, %get3A_39 : vector<16xf32>
        %swap3A_769 = arith.index_cast %add3A_744 : i32 to index
        %swap3A_770 = arith.constant 0 : index
        %swap3A_771 = tpu.vector_load %arg21[%swap3A_769, %swap3A_770] {strides = array<i32>} : memref<400x32xf32, #tpu.memory_space<vmem>>, vector<1x16xf32>,
        %swap3A_772 = vector.shape_cast %swap3A_771 : vector<1x16xf32> to vector<16xf32>
        %swap3A_773 = vector.shape_cast %add3A_768 : vector<16xf32> to vector<1x16xf32>
        tpu.vector_store %arg21[%swap3A_769, %swap3A_770], %swap3A_773 {strides = array<i32>} : memref<400x32xf32, #tpu.memory_space<vmem>>, vector<1x16xf32>,
        %mul3A_774 = arith.mulf %gather3A_752, %get3A_34 : vector<16xf32>
        %add3A_775 = arith.addf %mul3A_774, %get3A_44 : vector<16xf32>
        %swap3A_776 = arith.index_cast %add3A_744 : i32 to index
        %swap3A_777 = arith.constant 16 : index
        %swap3A_778 = tpu.vector_load %arg21[%swap3A_776, %swap3A_777] {strides = array<i32>} : memref<400x32xf32, #tpu.memory_space<vmem>>, vector<1x16xf32>,
        %swap3A_779 = vector.shape_cast %swap3A_778 : vector<1x16xf32> to vector<16xf32>
        %swap3A_780 = vector.shape_cast %add3A_775 : vector<16xf32> to vector<1x16xf32>
        tpu.vector_store %arg21[%swap3A_776, %swap3A_777], %swap3A_780 {strides = array<i32>} : memref<400x32xf32, #tpu.memory_space<vmem>>, vector<1x16xf32>,
        %mul3A_781 = arith.constant 16 : i32
        %mul3A_782 = arith.muli %scan3A_413, %mul3A_781 : i32
        %add3A_783 = arith.constant 9 : i32
        %add3A_784 = arith.addi %mul3A_782, %add3A_783 : i32
        %broadcast_in_dim3A_785 = arith.constant 9 : i32
        %broadcast_in_dim3A_786 = vector.broadcast %broadcast_in_dim3A_785 : i32 to vector<16x1xi32>
        %gather3A_787 = vector.shape_cast %broadcast_in_dim3A_786 : vector<16x1xi32> to vector<16xi32>
        %gather3A_788 = tpu.dynamic_gather %get3A_418[%gather3A_787] in [0] : vector<16xf32>, vector<16xi32> -> vector<16xf32>
        %broadcast_in_dim3A_789 = arith.constant 9 : i32
        %broadcast_in_dim3A_790 = vector.broadcast %broadcast_in_dim3A_789 : i32 to vector<16x1xi32>
        %gather3A_791 = vector.shape_cast %broadcast_in_dim3A_790 : vector<16x1xi32> to vector<16xi32>
        %gather3A_792 = tpu.dynamic_gather %get3A_423[%gather3A_791] in [0] : vector<16xf32>, vector<16xi32> -> vector<16xf32>
        %mul3A_793 = arith.mulf %gather3A_788, %get3A_9 : vector<16xf32>
        %add3A_794 = arith.addf %mul3A_793, %get3A_19 : vector<16xf32>
        %swap3A_795 = arith.index_cast %add3A_784 : i32 to index
        %swap3A_796 = arith.constant 0 : index
        %swap3A_797 = tpu.vector_load %arg19[%swap3A_795, %swap3A_796] {strides = array<i32>} : memref<400x32xf32, #tpu.memory_space<vmem>>, vector<1x16xf32>,
        %swap3A_798 = vector.shape_cast %swap3A_797 : vector<1x16xf32> to vector<16xf32>
        %swap3A_799 = vector.shape_cast %add3A_794 : vector<16xf32> to vector<1x16xf32>
        tpu.vector_store %arg19[%swap3A_795, %swap3A_796], %swap3A_799 {strides = array<i32>} : memref<400x32xf32, #tpu.memory_space<vmem>>, vector<1x16xf32>,
        %mul3A_800 = arith.mulf %gather3A_788, %get3A_14 : vector<16xf32>
        %add3A_801 = arith.addf %mul3A_800, %get3A_24 : vector<16xf32>
        %swap3A_802 = arith.index_cast %add3A_784 : i32 to index
        %swap3A_803 = arith.constant 16 : index
        %swap3A_804 = tpu.vector_load %arg19[%swap3A_802, %swap3A_803] {strides = array<i32>} : memref<400x32xf32, #tpu.memory_space<vmem>>, vector<1x16xf32>,
        %swap3A_805 = vector.shape_cast %swap3A_804 : vector<1x16xf32> to vector<16xf32>
        %swap3A_806 = vector.shape_cast %add3A_801 : vector<16xf32> to vector<1x16xf32>
        tpu.vector_store %arg19[%swap3A_802, %swap3A_803], %swap3A_806 {strides = array<i32>} : memref<400x32xf32, #tpu.memory_space<vmem>>, vector<1x16xf32>,
        %mul3A_807 = arith.mulf %gather3A_792, %get3A_29 : vector<16xf32>
        %add3A_808 = arith.addf %mul3A_807, %get3A_39 : vector<16xf32>
        %swap3A_809 = arith.index_cast %add3A_784 : i32 to index
        %swap3A_810 = arith.constant 0 : index
        %swap3A_811 = tpu.vector_load %arg21[%swap3A_809, %swap3A_810] {strides = array<i32>} : memref<400x32xf32, #tpu.memory_space<vmem>>, vector<1x16xf32>,
        %swap3A_812 = vector.shape_cast %swap3A_811 : vector<1x16xf32> to vector<16xf32>
        %swap3A_813 = vector.shape_cast %add3A_808 : vector<16xf32> to vector<1x16xf32>
        tpu.vector_store %arg21[%swap3A_809, %swap3A_810], %swap3A_813 {strides = array<i32>} : memref<400x32xf32, #tpu.memory_space<vmem>>, vector<1x16xf32>,
        %mul3A_814 = arith.mulf %gather3A_792, %get3A_34 : vector<16xf32>
        %add3A_815 = arith.addf %mul3A_814, %get3A_44 : vector<16xf32>
        %swap3A_816 = arith.index_cast %add3A_784 : i32 to index
        %swap3A_817 = arith.constant 16 : index
        %swap3A_818 = tpu.vector_load %arg21[%swap3A_816, %swap3A_817] {strides = array<i32>} : memref<400x32xf32, #tpu.memory_space<vmem>>, vector<1x16xf32>,
        %swap3A_819 = vector.shape_cast %swap3A_818 : vector<1x16xf32> to vector<16xf32>
        %swap3A_820 = vector.shape_cast %add3A_815 : vector<16xf32> to vector<1x16xf32>
        tpu.vector_store %arg21[%swap3A_816, %swap3A_817], %swap3A_820 {strides = array<i32>} : memref<400x32xf32, #tpu.memory_space<vmem>>, vector<1x16xf32>,
        %mul3A_821 = arith.constant 16 : i32
        %mul3A_822 = arith.muli %scan3A_413, %mul3A_821 : i32
        %add3A_823 = arith.constant 10 : i32
        %add3A_824 = arith.addi %mul3A_822, %add3A_823 : i32
        %broadcast_in_dim3A_825 = arith.constant 10 : i32
        %broadcast_in_dim3A_826 = vector.broadcast %broadcast_in_dim3A_825 : i32 to vector<16x1xi32>
        %gather3A_827 = vector.shape_cast %broadcast_in_dim3A_826 : vector<16x1xi32> to vector<16xi32>
        %gather3A_828 = tpu.dynamic_gather %get3A_418[%gather3A_827] in [0] : vector<16xf32>, vector<16xi32> -> vector<16xf32>
        %broadcast_in_dim3A_829 = arith.constant 10 : i32
        %broadcast_in_dim3A_830 = vector.broadcast %broadcast_in_dim3A_829 : i32 to vector<16x1xi32>
        %gather3A_831 = vector.shape_cast %broadcast_in_dim3A_830 : vector<16x1xi32> to vector<16xi32>
        %gather3A_832 = tpu.dynamic_gather %get3A_423[%gather3A_831] in [0] : vector<16xf32>, vector<16xi32> -> vector<16xf32>
        %mul3A_833 = arith.mulf %gather3A_828, %get3A_9 : vector<16xf32>
        %add3A_834 = arith.addf %mul3A_833, %get3A_19 : vector<16xf32>
        %swap3A_835 = arith.index_cast %add3A_824 : i32 to index
        %swap3A_836 = arith.constant 0 : index
        %swap3A_837 = tpu.vector_load %arg19[%swap3A_835, %swap3A_836] {strides = array<i32>} : memref<400x32xf32, #tpu.memory_space<vmem>>, vector<1x16xf32>,
        %swap3A_838 = vector.shape_cast %swap3A_837 : vector<1x16xf32> to vector<16xf32>
        %swap3A_839 = vector.shape_cast %add3A_834 : vector<16xf32> to vector<1x16xf32>
        tpu.vector_store %arg19[%swap3A_835, %swap3A_836], %swap3A_839 {strides = array<i32>} : memref<400x32xf32, #tpu.memory_space<vmem>>, vector<1x16xf32>,
        %mul3A_840 = arith.mulf %gather3A_828, %get3A_14 : vector<16xf32>
        %add3A_841 = arith.addf %mul3A_840, %get3A_24 : vector<16xf32>
        %swap3A_842 = arith.index_cast %add3A_824 : i32 to index
        %swap3A_843 = arith.constant 16 : index
        %swap3A_844 = tpu.vector_load %arg19[%swap3A_842, %swap3A_843] {strides = array<i32>} : memref<400x32xf32, #tpu.memory_space<vmem>>, vector<1x16xf32>,
        %swap3A_845 = vector.shape_cast %swap3A_844 : vector<1x16xf32> to vector<16xf32>
        %swap3A_846 = vector.shape_cast %add3A_841 : vector<16xf32> to vector<1x16xf32>
        tpu.vector_store %arg19[%swap3A_842, %swap3A_843], %swap3A_846 {strides = array<i32>} : memref<400x32xf32, #tpu.memory_space<vmem>>, vector<1x16xf32>,
        %mul3A_847 = arith.mulf %gather3A_832, %get3A_29 : vector<16xf32>
        %add3A_848 = arith.addf %mul3A_847, %get3A_39 : vector<16xf32>
        %swap3A_849 = arith.index_cast %add3A_824 : i32 to index
        %swap3A_850 = arith.constant 0 : index
        %swap3A_851 = tpu.vector_load %arg21[%swap3A_849, %swap3A_850] {strides = array<i32>} : memref<400x32xf32, #tpu.memory_space<vmem>>, vector<1x16xf32>,
        %swap3A_852 = vector.shape_cast %swap3A_851 : vector<1x16xf32> to vector<16xf32>
        %swap3A_853 = vector.shape_cast %add3A_848 : vector<16xf32> to vector<1x16xf32>
        tpu.vector_store %arg21[%swap3A_849, %swap3A_850], %swap3A_853 {strides = array<i32>} : memref<400x32xf32, #tpu.memory_space<vmem>>, vector<1x16xf32>,
        %mul3A_854 = arith.mulf %gather3A_832, %get3A_34 : vector<16xf32>
        %add3A_855 = arith.addf %mul3A_854, %get3A_44 : vector<16xf32>
        %swap3A_856 = arith.index_cast %add3A_824 : i32 to index
        %swap3A_857 = arith.constant 16 : index
        %swap3A_858 = tpu.vector_load %arg21[%swap3A_856, %swap3A_857] {strides = array<i32>} : memref<400x32xf32, #tpu.memory_space<vmem>>, vector<1x16xf32>,
        %swap3A_859 = vector.shape_cast %swap3A_858 : vector<1x16xf32> to vector<16xf32>
        %swap3A_860 = vector.shape_cast %add3A_855 : vector<16xf32> to vector<1x16xf32>
        tpu.vector_store %arg21[%swap3A_856, %swap3A_857], %swap3A_860 {strides = array<i32>} : memref<400x32xf32, #tpu.memory_space<vmem>>, vector<1x16xf32>,
        %mul3A_861 = arith.constant 16 : i32
        %mul3A_862 = arith.muli %scan3A_413, %mul3A_861 : i32
        %add3A_863 = arith.constant 11 : i32
        %add3A_864 = arith.addi %mul3A_862, %add3A_863 : i32
        %broadcast_in_dim3A_865 = arith.constant 11 : i32
        %broadcast_in_dim3A_866 = vector.broadcast %broadcast_in_dim3A_865 : i32 to vector<16x1xi32>
        %gather3A_867 = vector.shape_cast %broadcast_in_dim3A_866 : vector<16x1xi32> to vector<16xi32>
        %gather3A_868 = tpu.dynamic_gather %get3A_418[%gather3A_867] in [0] : vector<16xf32>, vector<16xi32> -> vector<16xf32>
        %broadcast_in_dim3A_869 = arith.constant 11 : i32
        %broadcast_in_dim3A_870 = vector.broadcast %broadcast_in_dim3A_869 : i32 to vector<16x1xi32>
        %gather3A_871 = vector.shape_cast %broadcast_in_dim3A_870 : vector<16x1xi32> to vector<16xi32>
        %gather3A_872 = tpu.dynamic_gather %get3A_423[%gather3A_871] in [0] : vector<16xf32>, vector<16xi32> -> vector<16xf32>
        %mul3A_873 = arith.mulf %gather3A_868, %get3A_9 : vector<16xf32>
        %add3A_874 = arith.addf %mul3A_873, %get3A_19 : vector<16xf32>
        %swap3A_875 = arith.index_cast %add3A_864 : i32 to index
        %swap3A_876 = arith.constant 0 : index
        %swap3A_877 = tpu.vector_load %arg19[%swap3A_875, %swap3A_876] {strides = array<i32>} : memref<400x32xf32, #tpu.memory_space<vmem>>, vector<1x16xf32>,
        %swap3A_878 = vector.shape_cast %swap3A_877 : vector<1x16xf32> to vector<16xf32>
        %swap3A_879 = vector.shape_cast %add3A_874 : vector<16xf32> to vector<1x16xf32>
        tpu.vector_store %arg19[%swap3A_875, %swap3A_876], %swap3A_879 {strides = array<i32>} : memref<400x32xf32, #tpu.memory_space<vmem>>, vector<1x16xf32>,
        %mul3A_880 = arith.mulf %gather3A_868, %get3A_14 : vector<16xf32>
        %add3A_881 = arith.addf %mul3A_880, %get3A_24 : vector<16xf32>
        %swap3A_882 = arith.index_cast %add3A_864 : i32 to index
        %swap3A_883 = arith.constant 16 : index
        %swap3A_884 = tpu.vector_load %arg19[%swap3A_882, %swap3A_883] {strides = array<i32>} : memref<400x32xf32, #tpu.memory_space<vmem>>, vector<1x16xf32>,
        %swap3A_885 = vector.shape_cast %swap3A_884 : vector<1x16xf32> to vector<16xf32>
        %swap3A_886 = vector.shape_cast %add3A_881 : vector<16xf32> to vector<1x16xf32>
        tpu.vector_store %arg19[%swap3A_882, %swap3A_883], %swap3A_886 {strides = array<i32>} : memref<400x32xf32, #tpu.memory_space<vmem>>, vector<1x16xf32>,
        %mul3A_887 = arith.mulf %gather3A_872, %get3A_29 : vector<16xf32>
        %add3A_888 = arith.addf %mul3A_887, %get3A_39 : vector<16xf32>
        %swap3A_889 = arith.index_cast %add3A_864 : i32 to index
        %swap3A_890 = arith.constant 0 : index
        %swap3A_891 = tpu.vector_load %arg21[%swap3A_889, %swap3A_890] {strides = array<i32>} : memref<400x32xf32, #tpu.memory_space<vmem>>, vector<1x16xf32>,
        %swap3A_892 = vector.shape_cast %swap3A_891 : vector<1x16xf32> to vector<16xf32>
        %swap3A_893 = vector.shape_cast %add3A_888 : vector<16xf32> to vector<1x16xf32>
        tpu.vector_store %arg21[%swap3A_889, %swap3A_890], %swap3A_893 {strides = array<i32>} : memref<400x32xf32, #tpu.memory_space<vmem>>, vector<1x16xf32>,
        %mul3A_894 = arith.mulf %gather3A_872, %get3A_34 : vector<16xf32>
        %add3A_895 = arith.addf %mul3A_894, %get3A_44 : vector<16xf32>
        %swap3A_896 = arith.index_cast %add3A_864 : i32 to index
        %swap3A_897 = arith.constant 16 : index
        %swap3A_898 = tpu.vector_load %arg21[%swap3A_896, %swap3A_897] {strides = array<i32>} : memref<400x32xf32, #tpu.memory_space<vmem>>, vector<1x16xf32>,
        %swap3A_899 = vector.shape_cast %swap3A_898 : vector<1x16xf32> to vector<16xf32>
        %swap3A_900 = vector.shape_cast %add3A_895 : vector<16xf32> to vector<1x16xf32>
        tpu.vector_store %arg21[%swap3A_896, %swap3A_897], %swap3A_900 {strides = array<i32>} : memref<400x32xf32, #tpu.memory_space<vmem>>, vector<1x16xf32>,
        %mul3A_901 = arith.constant 16 : i32
        %mul3A_902 = arith.muli %scan3A_413, %mul3A_901 : i32
        %add3A_903 = arith.constant 12 : i32
        %add3A_904 = arith.addi %mul3A_902, %add3A_903 : i32
        %broadcast_in_dim3A_905 = arith.constant 12 : i32
        %broadcast_in_dim3A_906 = vector.broadcast %broadcast_in_dim3A_905 : i32 to vector<16x1xi32>
        %gather3A_907 = vector.shape_cast %broadcast_in_dim3A_906 : vector<16x1xi32> to vector<16xi32>
        %gather3A_908 = tpu.dynamic_gather %get3A_418[%gather3A_907] in [0] : vector<16xf32>, vector<16xi32> -> vector<16xf32>
        %broadcast_in_dim3A_909 = arith.constant 12 : i32
        %broadcast_in_dim3A_910 = vector.broadcast %broadcast_in_dim3A_909 : i32 to vector<16x1xi32>
        %gather3A_911 = vector.shape_cast %broadcast_in_dim3A_910 : vector<16x1xi32> to vector<16xi32>
        %gather3A_912 = tpu.dynamic_gather %get3A_423[%gather3A_911] in [0] : vector<16xf32>, vector<16xi32> -> vector<16xf32>
        %mul3A_913 = arith.mulf %gather3A_908, %get3A_9 : vector<16xf32>
        %add3A_914 = arith.addf %mul3A_913, %get3A_19 : vector<16xf32>
        %swap3A_915 = arith.index_cast %add3A_904 : i32 to index
        %swap3A_916 = arith.constant 0 : index
        %swap3A_917 = tpu.vector_load %arg19[%swap3A_915, %swap3A_916] {strides = array<i32>} : memref<400x32xf32, #tpu.memory_space<vmem>>, vector<1x16xf32>,
        %swap3A_918 = vector.shape_cast %swap3A_917 : vector<1x16xf32> to vector<16xf32>
        %swap3A_919 = vector.shape_cast %add3A_914 : vector<16xf32> to vector<1x16xf32>
        tpu.vector_store %arg19[%swap3A_915, %swap3A_916], %swap3A_919 {strides = array<i32>} : memref<400x32xf32, #tpu.memory_space<vmem>>, vector<1x16xf32>,
        %mul3A_920 = arith.mulf %gather3A_908, %get3A_14 : vector<16xf32>
        %add3A_921 = arith.addf %mul3A_920, %get3A_24 : vector<16xf32>
        %swap3A_922 = arith.index_cast %add3A_904 : i32 to index
        %swap3A_923 = arith.constant 16 : index
        %swap3A_924 = tpu.vector_load %arg19[%swap3A_922, %swap3A_923] {strides = array<i32>} : memref<400x32xf32, #tpu.memory_space<vmem>>, vector<1x16xf32>,
        %swap3A_925 = vector.shape_cast %swap3A_924 : vector<1x16xf32> to vector<16xf32>
        %swap3A_926 = vector.shape_cast %add3A_921 : vector<16xf32> to vector<1x16xf32>
        tpu.vector_store %arg19[%swap3A_922, %swap3A_923], %swap3A_926 {strides = array<i32>} : memref<400x32xf32, #tpu.memory_space<vmem>>, vector<1x16xf32>,
        %mul3A_927 = arith.mulf %gather3A_912, %get3A_29 : vector<16xf32>
        %add3A_928 = arith.addf %mul3A_927, %get3A_39 : vector<16xf32>
        %swap3A_929 = arith.index_cast %add3A_904 : i32 to index
        %swap3A_930 = arith.constant 0 : index
        %swap3A_931 = tpu.vector_load %arg21[%swap3A_929, %swap3A_930] {strides = array<i32>} : memref<400x32xf32, #tpu.memory_space<vmem>>, vector<1x16xf32>,
        %swap3A_932 = vector.shape_cast %swap3A_931 : vector<1x16xf32> to vector<16xf32>
        %swap3A_933 = vector.shape_cast %add3A_928 : vector<16xf32> to vector<1x16xf32>
        tpu.vector_store %arg21[%swap3A_929, %swap3A_930], %swap3A_933 {strides = array<i32>} : memref<400x32xf32, #tpu.memory_space<vmem>>, vector<1x16xf32>,
        %mul3A_934 = arith.mulf %gather3A_912, %get3A_34 : vector<16xf32>
        %add3A_935 = arith.addf %mul3A_934, %get3A_44 : vector<16xf32>
        %swap3A_936 = arith.index_cast %add3A_904 : i32 to index
        %swap3A_937 = arith.constant 16 : index
        %swap3A_938 = tpu.vector_load %arg21[%swap3A_936, %swap3A_937] {strides = array<i32>} : memref<400x32xf32, #tpu.memory_space<vmem>>, vector<1x16xf32>,
        %swap3A_939 = vector.shape_cast %swap3A_938 : vector<1x16xf32> to vector<16xf32>
        %swap3A_940 = vector.shape_cast %add3A_935 : vector<16xf32> to vector<1x16xf32>
        tpu.vector_store %arg21[%swap3A_936, %swap3A_937], %swap3A_940 {strides = array<i32>} : memref<400x32xf32, #tpu.memory_space<vmem>>, vector<1x16xf32>,
        %mul3A_941 = arith.constant 16 : i32
        %mul3A_942 = arith.muli %scan3A_413, %mul3A_941 : i32
        %add3A_943 = arith.constant 13 : i32
        %add3A_944 = arith.addi %mul3A_942, %add3A_943 : i32
        %broadcast_in_dim3A_945 = arith.constant 13 : i32
        %broadcast_in_dim3A_946 = vector.broadcast %broadcast_in_dim3A_945 : i32 to vector<16x1xi32>
        %gather3A_947 = vector.shape_cast %broadcast_in_dim3A_946 : vector<16x1xi32> to vector<16xi32>
        %gather3A_948 = tpu.dynamic_gather %get3A_418[%gather3A_947] in [0] : vector<16xf32>, vector<16xi32> -> vector<16xf32>
        %broadcast_in_dim3A_949 = arith.constant 13 : i32
        %broadcast_in_dim3A_950 = vector.broadcast %broadcast_in_dim3A_949 : i32 to vector<16x1xi32>
        %gather3A_951 = vector.shape_cast %broadcast_in_dim3A_950 : vector<16x1xi32> to vector<16xi32>
        %gather3A_952 = tpu.dynamic_gather %get3A_423[%gather3A_951] in [0] : vector<16xf32>, vector<16xi32> -> vector<16xf32>
        %mul3A_953 = arith.mulf %gather3A_948, %get3A_9 : vector<16xf32>
        %add3A_954 = arith.addf %mul3A_953, %get3A_19 : vector<16xf32>
        %swap3A_955 = arith.index_cast %add3A_944 : i32 to index
        %swap3A_956 = arith.constant 0 : index
        %swap3A_957 = tpu.vector_load %arg19[%swap3A_955, %swap3A_956] {strides = array<i32>} : memref<400x32xf32, #tpu.memory_space<vmem>>, vector<1x16xf32>,
        %swap3A_958 = vector.shape_cast %swap3A_957 : vector<1x16xf32> to vector<16xf32>
        %swap3A_959 = vector.shape_cast %add3A_954 : vector<16xf32> to vector<1x16xf32>
        tpu.vector_store %arg19[%swap3A_955, %swap3A_956], %swap3A_959 {strides = array<i32>} : memref<400x32xf32, #tpu.memory_space<vmem>>, vector<1x16xf32>,
        %mul3A_960 = arith.mulf %gather3A_948, %get3A_14 : vector<16xf32>
        %add3A_961 = arith.addf %mul3A_960, %get3A_24 : vector<16xf32>
        %swap3A_962 = arith.index_cast %add3A_944 : i32 to index
        %swap3A_963 = arith.constant 16 : index
        %swap3A_964 = tpu.vector_load %arg19[%swap3A_962, %swap3A_963] {strides = array<i32>} : memref<400x32xf32, #tpu.memory_space<vmem>>, vector<1x16xf32>,
        %swap3A_965 = vector.shape_cast %swap3A_964 : vector<1x16xf32> to vector<16xf32>
        %swap3A_966 = vector.shape_cast %add3A_961 : vector<16xf32> to vector<1x16xf32>
        tpu.vector_store %arg19[%swap3A_962, %swap3A_963], %swap3A_966 {strides = array<i32>} : memref<400x32xf32, #tpu.memory_space<vmem>>, vector<1x16xf32>,
        %mul3A_967 = arith.mulf %gather3A_952, %get3A_29 : vector<16xf32>
        %add3A_968 = arith.addf %mul3A_967, %get3A_39 : vector<16xf32>
        %swap3A_969 = arith.index_cast %add3A_944 : i32 to index
        %swap3A_970 = arith.constant 0 : index
        %swap3A_971 = tpu.vector_load %arg21[%swap3A_969, %swap3A_970] {strides = array<i32>} : memref<400x32xf32, #tpu.memory_space<vmem>>, vector<1x16xf32>,
        %swap3A_972 = vector.shape_cast %swap3A_971 : vector<1x16xf32> to vector<16xf32>
        %swap3A_973 = vector.shape_cast %add3A_968 : vector<16xf32> to vector<1x16xf32>
        tpu.vector_store %arg21[%swap3A_969, %swap3A_970], %swap3A_973 {strides = array<i32>} : memref<400x32xf32, #tpu.memory_space<vmem>>, vector<1x16xf32>,
        %mul3A_974 = arith.mulf %gather3A_952, %get3A_34 : vector<16xf32>
        %add3A_975 = arith.addf %mul3A_974, %get3A_44 : vector<16xf32>
        %swap3A_976 = arith.index_cast %add3A_944 : i32 to index
        %swap3A_977 = arith.constant 16 : index
        %swap3A_978 = tpu.vector_load %arg21[%swap3A_976, %swap3A_977] {strides = array<i32>} : memref<400x32xf32, #tpu.memory_space<vmem>>, vector<1x16xf32>,
        %swap3A_979 = vector.shape_cast %swap3A_978 : vector<1x16xf32> to vector<16xf32>
        %swap3A_980 = vector.shape_cast %add3A_975 : vector<16xf32> to vector<1x16xf32>
        tpu.vector_store %arg21[%swap3A_976, %swap3A_977], %swap3A_980 {strides = array<i32>} : memref<400x32xf32, #tpu.memory_space<vmem>>, vector<1x16xf32>,
        %mul3A_981 = arith.constant 16 : i32
        %mul3A_982 = arith.muli %scan3A_413, %mul3A_981 : i32
        %add3A_983 = arith.constant 14 : i32
        %add3A_984 = arith.addi %mul3A_982, %add3A_983 : i32
        %broadcast_in_dim3A_985 = arith.constant 14 : i32
        %broadcast_in_dim3A_986 = vector.broadcast %broadcast_in_dim3A_985 : i32 to vector<16x1xi32>
        %gather3A_987 = vector.shape_cast %broadcast_in_dim3A_986 : vector<16x1xi32> to vector<16xi32>
        %gather3A_988 = tpu.dynamic_gather %get3A_418[%gather3A_987] in [0] : vector<16xf32>, vector<16xi32> -> vector<16xf32>
        %broadcast_in_dim3A_989 = arith.constant 14 : i32
        %broadcast_in_dim3A_990 = vector.broadcast %broadcast_in_dim3A_989 : i32 to vector<16x1xi32>
        %gather3A_991 = vector.shape_cast %broadcast_in_dim3A_990 : vector<16x1xi32> to vector<16xi32>
        %gather3A_992 = tpu.dynamic_gather %get3A_423[%gather3A_991] in [0] : vector<16xf32>, vector<16xi32> -> vector<16xf32>
        %mul3A_993 = arith.mulf %gather3A_988, %get3A_9 : vector<16xf32>
        %add3A_994 = arith.addf %mul3A_993, %get3A_19 : vector<16xf32>
        %swap3A_995 = arith.index_cast %add3A_984 : i32 to index
        %swap3A_996 = arith.constant 0 : index
        %swap3A_997 = tpu.vector_load %arg19[%swap3A_995, %swap3A_996] {strides = array<i32>} : memref<400x32xf32, #tpu.memory_space<vmem>>, vector<1x16xf32>,
        %swap3A_998 = vector.shape_cast %swap3A_997 : vector<1x16xf32> to vector<16xf32>
        %swap3A_999 = vector.shape_cast %add3A_994 : vector<16xf32> to vector<1x16xf32>
        tpu.vector_store %arg19[%swap3A_995, %swap3A_996], %swap3A_999 {strides = array<i32>} : memref<400x32xf32, #tpu.memory_space<vmem>>, vector<1x16xf32>,
        %mul3A_1000 = arith.mulf %gather3A_988, %get3A_14 : vector<16xf32>
        %add3A_1001 = arith.addf %mul3A_1000, %get3A_24 : vector<16xf32>
        %swap3A_1002 = arith.index_cast %add3A_984 : i32 to index
        %swap3A_1003 = arith.constant 16 : index
        %swap3A_1004 = tpu.vector_load %arg19[%swap3A_1002, %swap3A_1003] {strides = array<i32>} : memref<400x32xf32, #tpu.memory_space<vmem>>, vector<1x16xf32>,
        %swap3A_1005 = vector.shape_cast %swap3A_1004 : vector<1x16xf32> to vector<16xf32>
        %swap3A_1006 = vector.shape_cast %add3A_1001 : vector<16xf32> to vector<1x16xf32>
        tpu.vector_store %arg19[%swap3A_1002, %swap3A_1003], %swap3A_1006 {strides = array<i32>} : memref<400x32xf32, #tpu.memory_space<vmem>>, vector<1x16xf32>,
        %mul3A_1007 = arith.mulf %gather3A_992, %get3A_29 : vector<16xf32>
        %add3A_1008 = arith.addf %mul3A_1007, %get3A_39 : vector<16xf32>
        %swap3A_1009 = arith.index_cast %add3A_984 : i32 to index
        %swap3A_1010 = arith.constant 0 : index
        %swap3A_1011 = tpu.vector_load %arg21[%swap3A_1009, %swap3A_1010] {strides = array<i32>} : memref<400x32xf32, #tpu.memory_space<vmem>>, vector<1x16xf32>,
        %swap3A_1012 = vector.shape_cast %swap3A_1011 : vector<1x16xf32> to vector<16xf32>
        %swap3A_1013 = vector.shape_cast %add3A_1008 : vector<16xf32> to vector<1x16xf32>
        tpu.vector_store %arg21[%swap3A_1009, %swap3A_1010], %swap3A_1013 {strides = array<i32>} : memref<400x32xf32, #tpu.memory_space<vmem>>, vector<1x16xf32>,
        %mul3A_1014 = arith.mulf %gather3A_992, %get3A_34 : vector<16xf32>
        %add3A_1015 = arith.addf %mul3A_1014, %get3A_44 : vector<16xf32>
        %swap3A_1016 = arith.index_cast %add3A_984 : i32 to index
        %swap3A_1017 = arith.constant 16 : index
        %swap3A_1018 = tpu.vector_load %arg21[%swap3A_1016, %swap3A_1017] {strides = array<i32>} : memref<400x32xf32, #tpu.memory_space<vmem>>, vector<1x16xf32>,
        %swap3A_1019 = vector.shape_cast %swap3A_1018 : vector<1x16xf32> to vector<16xf32>
        %swap3A_1020 = vector.shape_cast %add3A_1015 : vector<16xf32> to vector<1x16xf32>
        tpu.vector_store %arg21[%swap3A_1016, %swap3A_1017], %swap3A_1020 {strides = array<i32>} : memref<400x32xf32, #tpu.memory_space<vmem>>, vector<1x16xf32>,
        %mul3A_1021 = arith.constant 16 : i32
        %mul3A_1022 = arith.muli %scan3A_413, %mul3A_1021 : i32
        %add3A_1023 = arith.constant 15 : i32
        %add3A_1024 = arith.addi %mul3A_1022, %add3A_1023 : i32
        %broadcast_in_dim3A_1025 = arith.constant 15 : i32
        %broadcast_in_dim3A_1026 = vector.broadcast %broadcast_in_dim3A_1025 : i32 to vector<16x1xi32>
        %gather3A_1027 = vector.shape_cast %broadcast_in_dim3A_1026 : vector<16x1xi32> to vector<16xi32>
        %gather3A_1028 = tpu.dynamic_gather %get3A_418[%gather3A_1027] in [0] : vector<16xf32>, vector<16xi32> -> vector<16xf32>
        %broadcast_in_dim3A_1029 = arith.constant 15 : i32
        %broadcast_in_dim3A_1030 = vector.broadcast %broadcast_in_dim3A_1029 : i32 to vector<16x1xi32>
        %gather3A_1031 = vector.shape_cast %broadcast_in_dim3A_1030 : vector<16x1xi32> to vector<16xi32>
        %gather3A_1032 = tpu.dynamic_gather %get3A_423[%gather3A_1031] in [0] : vector<16xf32>, vector<16xi32> -> vector<16xf32>
        %mul3A_1033 = arith.mulf %gather3A_1028, %get3A_9 : vector<16xf32>
        %add3A_1034 = arith.addf %mul3A_1033, %get3A_19 : vector<16xf32>
        %swap3A_1035 = arith.index_cast %add3A_1024 : i32 to index
        %swap3A_1036 = arith.constant 0 : index
        %swap3A_1037 = tpu.vector_load %arg19[%swap3A_1035, %swap3A_1036] {strides = array<i32>} : memref<400x32xf32, #tpu.memory_space<vmem>>, vector<1x16xf32>,
        %swap3A_1038 = vector.shape_cast %swap3A_1037 : vector<1x16xf32> to vector<16xf32>
        %swap3A_1039 = vector.shape_cast %add3A_1034 : vector<16xf32> to vector<1x16xf32>
        tpu.vector_store %arg19[%swap3A_1035, %swap3A_1036], %swap3A_1039 {strides = array<i32>} : memref<400x32xf32, #tpu.memory_space<vmem>>, vector<1x16xf32>,
        %mul3A_1040 = arith.mulf %gather3A_1028, %get3A_14 : vector<16xf32>
        %add3A_1041 = arith.addf %mul3A_1040, %get3A_24 : vector<16xf32>
        %swap3A_1042 = arith.index_cast %add3A_1024 : i32 to index
        %swap3A_1043 = arith.constant 16 : index
        %swap3A_1044 = tpu.vector_load %arg19[%swap3A_1042, %swap3A_1043] {strides = array<i32>} : memref<400x32xf32, #tpu.memory_space<vmem>>, vector<1x16xf32>,
        %swap3A_1045 = vector.shape_cast %swap3A_1044 : vector<1x16xf32> to vector<16xf32>
        %swap3A_1046 = vector.shape_cast %add3A_1041 : vector<16xf32> to vector<1x16xf32>
        tpu.vector_store %arg19[%swap3A_1042, %swap3A_1043], %swap3A_1046 {strides = array<i32>} : memref<400x32xf32, #tpu.memory_space<vmem>>, vector<1x16xf32>,
        %mul3A_1047 = arith.mulf %gather3A_1032, %get3A_29 : vector<16xf32>
        %add3A_1048 = arith.addf %mul3A_1047, %get3A_39 : vector<16xf32>
        %swap3A_1049 = arith.index_cast %add3A_1024 : i32 to index
        %swap3A_1050 = arith.constant 0 : index
        %swap3A_1051 = tpu.vector_load %arg21[%swap3A_1049, %swap3A_1050] {strides = array<i32>} : memref<400x32xf32, #tpu.memory_space<vmem>>, vector<1x16xf32>,
        %swap3A_1052 = vector.shape_cast %swap3A_1051 : vector<1x16xf32> to vector<16xf32>
        %swap3A_1053 = vector.shape_cast %add3A_1048 : vector<16xf32> to vector<1x16xf32>
        tpu.vector_store %arg21[%swap3A_1049, %swap3A_1050], %swap3A_1053 {strides = array<i32>} : memref<400x32xf32, #tpu.memory_space<vmem>>, vector<1x16xf32>,
        %mul3A_1054 = arith.mulf %gather3A_1032, %get3A_34 : vector<16xf32>
        %add3A_1055 = arith.addf %mul3A_1054, %get3A_44 : vector<16xf32>
        %swap3A_1056 = arith.index_cast %add3A_1024 : i32 to index
        %swap3A_1057 = arith.constant 16 : index
        %swap3A_1058 = tpu.vector_load %arg21[%swap3A_1056, %swap3A_1057] {strides = array<i32>} : memref<400x32xf32, #tpu.memory_space<vmem>>, vector<1x16xf32>,
        %swap3A_1059 = vector.shape_cast %swap3A_1058 : vector<1x16xf32> to vector<16xf32>
        %swap3A_1060 = vector.shape_cast %add3A_1055 : vector<16xf32> to vector<1x16xf32>
        tpu.vector_store %arg21[%swap3A_1056, %swap3A_1057], %swap3A_1060 {strides = array<i32>} : memref<400x32xf32, #tpu.memory_space<vmem>>, vector<1x16xf32>,
      }
      %scan3A_199 = arith.constant 25 : i32
      %dma_wait3A_200 = arith.constant 0 : i32
      %dma_wait3A_201 = arith.constant 0 : i32
      %dma_wait3A_202 = arith.constant 0 : i32
      %dma_wait3A_203 = tpu.memref_slice %arg17[%dma_wait3A_201, %dma_wait3A_202] : memref<400x32xf32, #tpu.memory_space<vmem>> -> memref<100x32xf32, #tpu.memory_space<vmem>>
      %dma_wait3A_204 = arith.constant 0 : i32
      %dma_wait3A_205 = tpu.memref_slice %arg11[%dma_wait3A_200, %dma_wait3A_204] : memref<4x100xi32, #tpu.memory_space<vmem>> -> memref<1x100xi32, #tpu.memory_space<vmem>>
      %dma_wait3A_206 = tpu.memref_squeeze %dma_wait3A_205 : memref<1x100xi32, #tpu.memory_space<vmem>> -> memref<100xi32, #tpu.memory_space<vmem>>
      %dma_wait3A_207 = arith.constant 0 : i32
      %dma_wait3A_208 = arith.constant 0 : i32
      %dma_wait3A_209 = tpu.memref_slice %arg7[%dma_wait3A_207, %dma_wait3A_208] : memref<1007616x32xf32, #tpu.memory_space<hbm>> -> memref<1007616x32xf32, #tpu.memory_space<hbm>>
      tpu.wait_indirect_dma semaphore(%arg26 : memref<!tpu.dma_semaphore, #tpu.memory_space<semaphore_mem>>) src(%dma_wait3A_209 : memref<1007616x32xf32, #tpu.memory_space<hbm>>) dst(%dma_wait3A_203 : memref<100x32xf32, #tpu.memory_space<vmem>>)
      %dma_wait3A_210 = arith.constant 1 : i32
      %dma_wait3A_211 = arith.constant 100 : i32
      %dma_wait3A_212 = arith.constant 0 : i32
      %dma_wait3A_213 = tpu.memref_slice %arg17[%dma_wait3A_211, %dma_wait3A_212] : memref<400x32xf32, #tpu.memory_space<vmem>> -> memref<100x32xf32, #tpu.memory_space<vmem>>
      %dma_wait3A_214 = arith.constant 0 : i32
      %dma_wait3A_215 = tpu.memref_slice %arg11[%dma_wait3A_210, %dma_wait3A_214] : memref<4x100xi32, #tpu.memory_space<vmem>> -> memref<1x100xi32, #tpu.memory_space<vmem>>
      %dma_wait3A_216 = tpu.memref_squeeze %dma_wait3A_215 : memref<1x100xi32, #tpu.memory_space<vmem>> -> memref<100xi32, #tpu.memory_space<vmem>>
      %dma_wait3A_217 = arith.constant 0 : i32
      %dma_wait3A_218 = arith.constant 0 : i32
      %dma_wait3A_219 = tpu.memref_slice %arg7[%dma_wait3A_217, %dma_wait3A_218] : memref<1007616x32xf32, #tpu.memory_space<hbm>> -> memref<1007616x32xf32, #tpu.memory_space<hbm>>
      tpu.wait_indirect_dma semaphore(%arg26 : memref<!tpu.dma_semaphore, #tpu.memory_space<semaphore_mem>>) src(%dma_wait3A_219 : memref<1007616x32xf32, #tpu.memory_space<hbm>>) dst(%dma_wait3A_213 : memref<100x32xf32, #tpu.memory_space<vmem>>)
      %dma_wait3A_220 = arith.constant 2 : i32
      %dma_wait3A_221 = arith.constant 200 : i32
      %dma_wait3A_222 = arith.constant 0 : i32
      %dma_wait3A_223 = tpu.memref_slice %arg17[%dma_wait3A_221, %dma_wait3A_222] : memref<400x32xf32, #tpu.memory_space<vmem>> -> memref<100x32xf32, #tpu.memory_space<vmem>>
      %dma_wait3A_224 = arith.constant 0 : i32
      %dma_wait3A_225 = tpu.memref_slice %arg11[%dma_wait3A_220, %dma_wait3A_224] : memref<4x100xi32, #tpu.memory_space<vmem>> -> memref<1x100xi32, #tpu.memory_space<vmem>>
      %dma_wait3A_226 = tpu.memref_squeeze %dma_wait3A_225 : memref<1x100xi32, #tpu.memory_space<vmem>> -> memref<100xi32, #tpu.memory_space<vmem>>
      %dma_wait3A_227 = arith.constant 0 : i32
      %dma_wait3A_228 = arith.constant 0 : i32
      %dma_wait3A_229 = tpu.memref_slice %arg7[%dma_wait3A_227, %dma_wait3A_228] : memref<1007616x32xf32, #tpu.memory_space<hbm>> -> memref<1007616x32xf32, #tpu.memory_space<hbm>>
      tpu.wait_indirect_dma semaphore(%arg26 : memref<!tpu.dma_semaphore, #tpu.memory_space<semaphore_mem>>) src(%dma_wait3A_229 : memref<1007616x32xf32, #tpu.memory_space<hbm>>) dst(%dma_wait3A_223 : memref<100x32xf32, #tpu.memory_space<vmem>>)
      %dma_wait3A_230 = arith.constant 3 : i32
      %dma_wait3A_231 = arith.constant 300 : i32
      %dma_wait3A_232 = arith.constant 0 : i32
      %dma_wait3A_233 = tpu.memref_slice %arg17[%dma_wait3A_231, %dma_wait3A_232] : memref<400x32xf32, #tpu.memory_space<vmem>> -> memref<100x32xf32, #tpu.memory_space<vmem>>
      %dma_wait3A_234 = arith.constant 0 : i32
      %dma_wait3A_235 = tpu.memref_slice %arg11[%dma_wait3A_230, %dma_wait3A_234] : memref<4x100xi32, #tpu.memory_space<vmem>> -> memref<1x100xi32, #tpu.memory_space<vmem>>
      %dma_wait3A_236 = tpu.memref_squeeze %dma_wait3A_235 : memref<1x100xi32, #tpu.memory_space<vmem>> -> memref<100xi32, #tpu.memory_space<vmem>>
      %dma_wait3A_237 = arith.constant 0 : i32
      %dma_wait3A_238 = arith.constant 0 : i32
      %dma_wait3A_239 = tpu.memref_slice %arg7[%dma_wait3A_237, %dma_wait3A_238] : memref<1007616x32xf32, #tpu.memory_space<hbm>> -> memref<1007616x32xf32, #tpu.memory_space<hbm>>
      tpu.wait_indirect_dma semaphore(%arg26 : memref<!tpu.dma_semaphore, #tpu.memory_space<semaphore_mem>>) src(%dma_wait3A_239 : memref<1007616x32xf32, #tpu.memory_space<hbm>>) dst(%dma_wait3A_233 : memref<100x32xf32, #tpu.memory_space<vmem>>)
      %lt3A = arith.constant 7 : i32
      %lt3A_240 = arith.cmpi slt, %scan3A_132, %lt3A : i32
      %convert_element_type3A_241 = arith.extui %lt3A_240 : i1 to i32
      %cond3A_242 = arith.constant 0 : i32
      %cond3A_243 = arith.cmpi ne, %convert_element_type3A_241, %cond3A_242 : i32
      scf.if %cond3A_243 {
        %add3A_413 = arith.constant 2 : i32
        %add3A_414 = arith.addi %add3A_137, %add3A_413 : i32
        %mul3A_415 = arith.constant 4 : i32
        %mul3A_416 = arith.muli %add3A_414, %mul3A_415 : i32
        %dma_start3A_417 = arith.constant 0 : i32
        %dma_start3A_418 = tpu.memref_slice %arg3[%mul3A_416, %dma_start3A_417] : memref<2048x100xi32, #tpu.memory_space<hbm>> -> memref<4x100xi32, #tpu.memory_space<hbm>>
        %dma_start3A_419 = arith.constant 0 : i32
        %dma_start3A_420 = tpu.memref_slice %arg3[%mul3A_416, %dma_start3A_419] : memref<2048x100xi32, #tpu.memory_space<hbm>> -> memref<4x100xi32, #tpu.memory_space<hbm>>
        tpu.enqueue_dma source(%dma_start3A_420 : memref<4x100xi32, #tpu.memory_space<hbm>>) target(%arg11 : memref<4x100xi32, #tpu.memory_space<vmem>>) target_semaphore(%arg24 : memref<!tpu.dma_semaphore, #tpu.memory_space<semaphore_mem>>)
        %mul3A_421 = arith.constant 400 : i32
        %mul3A_422 = arith.muli %add3A_414, %mul3A_421 : i32
        %dma_start3A_423 = tpu.memref_slice %arg2[%mul3A_422] : memref<204800xf32, #tpu.memory_space<hbm>> -> memref<400xf32, #tpu.memory_space<hbm>>
        %dma_start3A_424 = tpu.memref_slice %arg2[%mul3A_422] : memref<204800xf32, #tpu.memory_space<hbm>> -> memref<400xf32, #tpu.memory_space<hbm>>
        tpu.enqueue_dma source(%dma_start3A_424 : memref<400xf32, #tpu.memory_space<hbm>>) target(%arg13 : memref<400xf32, #tpu.memory_space<vmem>>) target_semaphore(%arg24 : memref<!tpu.dma_semaphore, #tpu.memory_space<semaphore_mem>>)
        %mul3A_425 = arith.constant 400 : i32
        %mul3A_426 = arith.muli %add3A_414, %mul3A_425 : i32
        %dma_start3A_427 = tpu.memref_slice %arg4[%mul3A_426] : memref<204800xf32, #tpu.memory_space<hbm>> -> memref<400xf32, #tpu.memory_space<hbm>>
        %dma_start3A_428 = tpu.memref_slice %arg4[%mul3A_426] : memref<204800xf32, #tpu.memory_space<hbm>> -> memref<400xf32, #tpu.memory_space<hbm>>
        tpu.enqueue_dma source(%dma_start3A_428 : memref<400xf32, #tpu.memory_space<hbm>>) target(%arg15 : memref<400xf32, #tpu.memory_space<vmem>>) target_semaphore(%arg24 : memref<!tpu.dma_semaphore, #tpu.memory_space<semaphore_mem>>)
      } else {
      }
      %mul3A_244 = arith.constant 400 : i32
      %mul3A_245 = arith.muli %add3A_137, %mul3A_244 : i32
      %dma_start3A_246 = arith.constant 0 : i32
      %dma_start3A_247 = arith.constant 0 : i32
      %dma_start3A_248 = tpu.memref_slice %arg10[%mul3A_245, %dma_start3A_246, %dma_start3A_247] : memref<204800x3x32xf32, #tpu.memory_space<hbm>> -> memref<400x1x32xf32, #tpu.memory_space<hbm>>
      %dma_start3A_249 = tpu.memref_squeeze %dma_start3A_248 : memref<400x1x32xf32, #tpu.memory_space<hbm>> -> memref<400x32xf32, #tpu.memory_space<hbm>>
      %dma_start3A_250 = arith.constant 0 : i32
      %dma_start3A_251 = tpu.memref_slice %arg10[%mul3A_245, %dma_start3A_246, %dma_start3A_250] : memref<204800x3x32xf32, #tpu.memory_space<hbm>> -> memref<400x1x32xf32, #tpu.memory_space<hbm>>
      %dma_start3A_252 = tpu.memref_squeeze %dma_start3A_251 : memref<400x1x32xf32, #tpu.memory_space<hbm>> -> memref<400x32xf32, #tpu.memory_space<hbm>>
      tpu.enqueue_dma source(%arg19 : memref<400x32xf32, #tpu.memory_space<vmem>>) target(%dma_start3A_252 : memref<400x32xf32, #tpu.memory_space<hbm>>) target_semaphore(%arg28 : memref<!tpu.dma_semaphore, #tpu.memory_space<semaphore_mem>>)
      %mul3A_253 = arith.constant 400 : i32
      %mul3A_254 = arith.muli %add3A_137, %mul3A_253 : i32
      %dma_start3A_255 = arith.constant 1 : i32
      %dma_start3A_256 = arith.constant 0 : i32
      %dma_start3A_257 = tpu.memref_slice %arg10[%mul3A_254, %dma_start3A_255, %dma_start3A_256] : memref<204800x3x32xf32, #tpu.memory_space<hbm>> -> memref<400x1x32xf32, #tpu.memory_space<hbm>>
      %dma_start3A_258 = tpu.memref_squeeze %dma_start3A_257 : memref<400x1x32xf32, #tpu.memory_space<hbm>> -> memref<400x32xf32, #tpu.memory_space<hbm>>
      %dma_start3A_259 = arith.constant 0 : i32
      %dma_start3A_260 = tpu.memref_slice %arg10[%mul3A_254, %dma_start3A_255, %dma_start3A_259] : memref<204800x3x32xf32, #tpu.memory_space<hbm>> -> memref<400x1x32xf32, #tpu.memory_space<hbm>>
      %dma_start3A_261 = tpu.memref_squeeze %dma_start3A_260 : memref<400x1x32xf32, #tpu.memory_space<hbm>> -> memref<400x32xf32, #tpu.memory_space<hbm>>
      tpu.enqueue_dma source(%arg17 : memref<400x32xf32, #tpu.memory_space<vmem>>) target(%dma_start3A_261 : memref<400x32xf32, #tpu.memory_space<hbm>>) target_semaphore(%arg28 : memref<!tpu.dma_semaphore, #tpu.memory_space<semaphore_mem>>)
      %mul3A_262 = arith.constant 400 : i32
      %mul3A_263 = arith.muli %add3A_137, %mul3A_262 : i32
      %dma_start3A_264 = arith.constant 2 : i32
      %dma_start3A_265 = arith.constant 0 : i32
      %dma_start3A_266 = tpu.memref_slice %arg10[%mul3A_263, %dma_start3A_264, %dma_start3A_265] : memref<204800x3x32xf32, #tpu.memory_space<hbm>> -> memref<400x1x32xf32, #tpu.memory_space<hbm>>
      %dma_start3A_267 = tpu.memref_squeeze %dma_start3A_266 : memref<400x1x32xf32, #tpu.memory_space<hbm>> -> memref<400x32xf32, #tpu.memory_space<hbm>>
      %dma_start3A_268 = arith.constant 0 : i32
      %dma_start3A_269 = tpu.memref_slice %arg10[%mul3A_263, %dma_start3A_264, %dma_start3A_268] : memref<204800x3x32xf32, #tpu.memory_space<hbm>> -> memref<400x1x32xf32, #tpu.memory_space<hbm>>
      %dma_start3A_270 = tpu.memref_squeeze %dma_start3A_269 : memref<400x1x32xf32, #tpu.memory_space<hbm>> -> memref<400x32xf32, #tpu.memory_space<hbm>>
      tpu.enqueue_dma source(%arg21 : memref<400x32xf32, #tpu.memory_space<vmem>>) target(%dma_start3A_270 : memref<400x32xf32, #tpu.memory_space<hbm>>) target_semaphore(%arg28 : memref<!tpu.dma_semaphore, #tpu.memory_space<semaphore_mem>>)
      %mul3A_271 = arith.constant 2 : i32
      %mul3A_272 = arith.muli %mul3A_271, %scan3A_132 : i32
      %add3A_273 = arith.addi %mul3A_2, %mul3A_272 : i32
      %add3A_274 = arith.constant 1 : i32
      %add3A_275 = arith.addi %add3A_273, %add3A_274 : i32
      %ge3A_276 = arith.constant 1 : i32
      %ge3A_277 = arith.cmpi sge, %scan3A_132, %ge3A_276 : i32
      %convert_element_type3A_278 = arith.extui %ge3A_277 : i1 to i32
      %cond3A_279 = arith.constant 0 : i32
      %cond3A_280 = arith.cmpi ne, %convert_element_type3A_278, %cond3A_279 : i32
      scf.if %cond3A_280 {
        %dma_wait3A_413 = arith.constant 0 : i32
        %dma_wait3A_414 = arith.constant 0 : i32
        %dma_wait3A_415 = arith.constant 0 : i32
        %dma_wait3A_416 = tpu.memref_slice %arg10[%dma_wait3A_414, %dma_wait3A_413, %dma_wait3A_415] : memref<204800x3x32xf32, #tpu.memory_space<hbm>> -> memref<400x1x32xf32, #tpu.memory_space<hbm>>
        %dma_wait3A_417 = tpu.memref_squeeze %dma_wait3A_416 : memref<400x1x32xf32, #tpu.memory_space<hbm>> -> memref<400x32xf32, #tpu.memory_space<hbm>>
        %dma_wait3A_418 = arith.constant 0 : i32
        %dma_wait3A_419 = arith.constant 0 : i32
        %dma_wait3A_420 = tpu.memref_slice %arg10[%dma_wait3A_418, %dma_wait3A_413, %dma_wait3A_419] : memref<204800x3x32xf32, #tpu.memory_space<hbm>> -> memref<400x1x32xf32, #tpu.memory_space<hbm>>
        %dma_wait3A_421 = tpu.memref_squeeze %dma_wait3A_420 : memref<400x1x32xf32, #tpu.memory_space<hbm>> -> memref<400x32xf32, #tpu.memory_space<hbm>>
        tpu.wait_dma2 semaphore(%arg29 : memref<!tpu.dma_semaphore, #tpu.memory_space<semaphore_mem>>) src(%arg20 : memref<400x32xf32, #tpu.memory_space<vmem>>) dst(%dma_wait3A_421 : memref<400x32xf32, #tpu.memory_space<hbm>>)
        %dma_wait3A_422 = arith.constant 1 : i32
        %dma_wait3A_423 = arith.constant 0 : i32
        %dma_wait3A_424 = arith.constant 0 : i32
        %dma_wait3A_425 = tpu.memref_slice %arg10[%dma_wait3A_423, %dma_wait3A_422, %dma_wait3A_424] : memref<204800x3x32xf32, #tpu.memory_space<hbm>> -> memref<400x1x32xf32, #tpu.memory_space<hbm>>
        %dma_wait3A_426 = tpu.memref_squeeze %dma_wait3A_425 : memref<400x1x32xf32, #tpu.memory_space<hbm>> -> memref<400x32xf32, #tpu.memory_space<hbm>>
        %dma_wait3A_427 = arith.constant 0 : i32
        %dma_wait3A_428 = arith.constant 0 : i32
        %dma_wait3A_429 = tpu.memref_slice %arg10[%dma_wait3A_427, %dma_wait3A_422, %dma_wait3A_428] : memref<204800x3x32xf32, #tpu.memory_space<hbm>> -> memref<400x1x32xf32, #tpu.memory_space<hbm>>
        %dma_wait3A_430 = tpu.memref_squeeze %dma_wait3A_429 : memref<400x1x32xf32, #tpu.memory_space<hbm>> -> memref<400x32xf32, #tpu.memory_space<hbm>>
        tpu.wait_dma2 semaphore(%arg29 : memref<!tpu.dma_semaphore, #tpu.memory_space<semaphore_mem>>) src(%arg18 : memref<400x32xf32, #tpu.memory_space<vmem>>) dst(%dma_wait3A_430 : memref<400x32xf32, #tpu.memory_space<hbm>>)
        %dma_wait3A_431 = arith.constant 2 : i32
        %dma_wait3A_432 = arith.constant 0 : i32
        %dma_wait3A_433 = arith.constant 0 : i32
        %dma_wait3A_434 = tpu.memref_slice %arg10[%dma_wait3A_432, %dma_wait3A_431, %dma_wait3A_433] : memref<204800x3x32xf32, #tpu.memory_space<hbm>> -> memref<400x1x32xf32, #tpu.memory_space<hbm>>
        %dma_wait3A_435 = tpu.memref_squeeze %dma_wait3A_434 : memref<400x1x32xf32, #tpu.memory_space<hbm>> -> memref<400x32xf32, #tpu.memory_space<hbm>>
        %dma_wait3A_436 = arith.constant 0 : i32
        %dma_wait3A_437 = arith.constant 0 : i32
        %dma_wait3A_438 = tpu.memref_slice %arg10[%dma_wait3A_436, %dma_wait3A_431, %dma_wait3A_437] : memref<204800x3x32xf32, #tpu.memory_space<hbm>> -> memref<400x1x32xf32, #tpu.memory_space<hbm>>
        %dma_wait3A_439 = tpu.memref_squeeze %dma_wait3A_438 : memref<400x1x32xf32, #tpu.memory_space<hbm>> -> memref<400x32xf32, #tpu.memory_space<hbm>>
        tpu.wait_dma2 semaphore(%arg29 : memref<!tpu.dma_semaphore, #tpu.memory_space<semaphore_mem>>) src(%arg22 : memref<400x32xf32, #tpu.memory_space<vmem>>) dst(%dma_wait3A_439 : memref<400x32xf32, #tpu.memory_space<hbm>>)
      } else {
      }
      %dma_wait3A_281 = arith.constant 0 : i32
      %dma_wait3A_282 = arith.constant 0 : i32
      %dma_wait3A_283 = tpu.memref_slice %arg3[%dma_wait3A_281, %dma_wait3A_282] : memref<2048x100xi32, #tpu.memory_space<hbm>> -> memref<4x100xi32, #tpu.memory_space<hbm>>
      %dma_wait3A_284 = arith.constant 0 : i32
      %dma_wait3A_285 = arith.constant 0 : i32
      %dma_wait3A_286 = tpu.memref_slice %arg3[%dma_wait3A_284, %dma_wait3A_285] : memref<2048x100xi32, #tpu.memory_space<hbm>> -> memref<4x100xi32, #tpu.memory_space<hbm>>
      tpu.wait_dma2 semaphore(%arg25 : memref<!tpu.dma_semaphore, #tpu.memory_space<semaphore_mem>>) src(%dma_wait3A_286 : memref<4x100xi32, #tpu.memory_space<hbm>>) dst(%arg12 : memref<4x100xi32, #tpu.memory_space<vmem>>)
      %dma_wait3A_287 = arith.constant 0 : i32
      %dma_wait3A_288 = tpu.memref_slice %arg2[%dma_wait3A_287] : memref<204800xf32, #tpu.memory_space<hbm>> -> memref<400xf32, #tpu.memory_space<hbm>>
      %dma_wait3A_289 = arith.constant 0 : i32
      %dma_wait3A_290 = tpu.memref_slice %arg2[%dma_wait3A_289] : memref<204800xf32, #tpu.memory_space<hbm>> -> memref<400xf32, #tpu.memory_space<hbm>>
      tpu.wait_dma2 semaphore(%arg25 : memref<!tpu.dma_semaphore, #tpu.memory_space<semaphore_mem>>) src(%dma_wait3A_290 : memref<400xf32, #tpu.memory_space<hbm>>) dst(%arg14 : memref<400xf32, #tpu.memory_space<vmem>>)
      %dma_wait3A_291 = arith.constant 0 : i32
      %dma_wait3A_292 = tpu.memref_slice %arg4[%dma_wait3A_291] : memref<204800xf32, #tpu.memory_space<hbm>> -> memref<400xf32, #tpu.memory_space<hbm>>
      %dma_wait3A_293 = arith.constant 0 : i32
      %dma_wait3A_294 = tpu.memref_slice %arg4[%dma_wait3A_293] : memref<204800xf32, #tpu.memory_space<hbm>> -> memref<400xf32, #tpu.memory_space<hbm>>
      tpu.wait_dma2 semaphore(%arg25 : memref<!tpu.dma_semaphore, #tpu.memory_space<semaphore_mem>>) src(%dma_wait3A_294 : memref<400xf32, #tpu.memory_space<hbm>>) dst(%arg16 : memref<400xf32, #tpu.memory_space<vmem>>)
      %dma_start3A_295 = arith.constant 0 : i32
      %dma_start3A_296 = arith.constant 0 : i32
      %dma_start3A_297 = arith.constant 0 : i32
      %dma_start3A_298 = tpu.memref_slice %arg18[%dma_start3A_296, %dma_start3A_297] : memref<400x32xf32, #tpu.memory_space<vmem>> -> memref<100x32xf32, #tpu.memory_space<vmem>>
      %dma_start3A_299 = arith.constant 0 : i32
      %dma_start3A_300 = tpu.memref_slice %arg12[%dma_start3A_295, %dma_start3A_299] : memref<4x100xi32, #tpu.memory_space<vmem>> -> memref<1x100xi32, #tpu.memory_space<vmem>>
      %dma_start3A_301 = tpu.memref_squeeze %dma_start3A_300 : memref<1x100xi32, #tpu.memory_space<vmem>> -> memref<100xi32, #tpu.memory_space<vmem>>
      %dma_start3A_302 = arith.constant 0 : i32
      %dma_start3A_303 = arith.constant 0 : i32
      %dma_start3A_304 = tpu.memref_slice %arg7[%dma_start3A_302, %dma_start3A_303] : memref<1007616x32xf32, #tpu.memory_space<hbm>> -> memref<1007616x32xf32, #tpu.memory_space<hbm>>
      tpu.enqueue_indirect_dma source(%dma_start3A_304 : memref<1007616x32xf32, #tpu.memory_space<hbm>>) target(%dma_start3A_298 : memref<100x32xf32, #tpu.memory_space<vmem>>) offsets(%dma_start3A_301 : memref<100xi32, #tpu.memory_space<vmem>>) semaphore(%arg27 : memref<!tpu.dma_semaphore, #tpu.memory_space<semaphore_mem>>)
      %dma_start3A_305 = arith.constant 1 : i32
      %dma_start3A_306 = arith.constant 100 : i32
      %dma_start3A_307 = arith.constant 0 : i32
      %dma_start3A_308 = tpu.memref_slice %arg18[%dma_start3A_306, %dma_start3A_307] : memref<400x32xf32, #tpu.memory_space<vmem>> -> memref<100x32xf32, #tpu.memory_space<vmem>>
      %dma_start3A_309 = arith.constant 0 : i32
      %dma_start3A_310 = tpu.memref_slice %arg12[%dma_start3A_305, %dma_start3A_309] : memref<4x100xi32, #tpu.memory_space<vmem>> -> memref<1x100xi32, #tpu.memory_space<vmem>>
      %dma_start3A_311 = tpu.memref_squeeze %dma_start3A_310 : memref<1x100xi32, #tpu.memory_space<vmem>> -> memref<100xi32, #tpu.memory_space<vmem>>
      %dma_start3A_312 = arith.constant 0 : i32
      %dma_start3A_313 = arith.constant 0 : i32
      %dma_start3A_314 = tpu.memref_slice %arg7[%dma_start3A_312, %dma_start3A_313] : memref<1007616x32xf32, #tpu.memory_space<hbm>> -> memref<1007616x32xf32, #tpu.memory_space<hbm>>
      tpu.enqueue_indirect_dma source(%dma_start3A_314 : memref<1007616x32xf32, #tpu.memory_space<hbm>>) target(%dma_start3A_308 : memref<100x32xf32, #tpu.memory_space<vmem>>) offsets(%dma_start3A_311 : memref<100xi32, #tpu.memory_space<vmem>>) semaphore(%arg27 : memref<!tpu.dma_semaphore, #tpu.memory_space<semaphore_mem>>)
      %dma_start3A_315 = arith.constant 2 : i32
      %dma_start3A_316 = arith.constant 200 : i32
      %dma_start3A_317 = arith.constant 0 : i32
      %dma_start3A_318 = tpu.memref_slice %arg18[%dma_start3A_316, %dma_start3A_317] : memref<400x32xf32, #tpu.memory_space<vmem>> -> memref<100x32xf32, #tpu.memory_space<vmem>>
      %dma_start3A_319 = arith.constant 0 : i32
      %dma_start3A_320 = tpu.memref_slice %arg12[%dma_start3A_315, %dma_start3A_319] : memref<4x100xi32, #tpu.memory_space<vmem>> -> memref<1x100xi32, #tpu.memory_space<vmem>>
      %dma_start3A_321 = tpu.memref_squeeze %dma_start3A_320 : memref<1x100xi32, #tpu.memory_space<vmem>> -> memref<100xi32, #tpu.memory_space<vmem>>
      %dma_start3A_322 = arith.constant 0 : i32
      %dma_start3A_323 = arith.constant 0 : i32
      %dma_start3A_324 = tpu.memref_slice %arg7[%dma_start3A_322, %dma_start3A_323] : memref<1007616x32xf32, #tpu.memory_space<hbm>> -> memref<1007616x32xf32, #tpu.memory_space<hbm>>
      tpu.enqueue_indirect_dma source(%dma_start3A_324 : memref<1007616x32xf32, #tpu.memory_space<hbm>>) target(%dma_start3A_318 : memref<100x32xf32, #tpu.memory_space<vmem>>) offsets(%dma_start3A_321 : memref<100xi32, #tpu.memory_space<vmem>>) semaphore(%arg27 : memref<!tpu.dma_semaphore, #tpu.memory_space<semaphore_mem>>)
      %dma_start3A_325 = arith.constant 3 : i32
      %dma_start3A_326 = arith.constant 300 : i32
      %dma_start3A_327 = arith.constant 0 : i32
      %dma_start3A_328 = tpu.memref_slice %arg18[%dma_start3A_326, %dma_start3A_327] : memref<400x32xf32, #tpu.memory_space<vmem>> -> memref<100x32xf32, #tpu.memory_space<vmem>>
      %dma_start3A_329 = arith.constant 0 : i32
      %dma_start3A_330 = tpu.memref_slice %arg12[%dma_start3A_325, %dma_start3A_329] : memref<4x100xi32, #tpu.memory_space<vmem>> -> memref<1x100xi32, #tpu.memory_space<vmem>>
      %dma_start3A_331 = tpu.memref_squeeze %dma_start3A_330 : memref<1x100xi32, #tpu.memory_space<vmem>> -> memref<100xi32, #tpu.memory_space<vmem>>
      %dma_start3A_332 = arith.constant 0 : i32
      %dma_start3A_333 = arith.constant 0 : i32
      %dma_start3A_334 = tpu.memref_slice %arg7[%dma_start3A_332, %dma_start3A_333] : memref<1007616x32xf32, #tpu.memory_space<hbm>> -> memref<1007616x32xf32, #tpu.memory_space<hbm>>
      tpu.enqueue_indirect_dma source(%dma_start3A_334 : memref<1007616x32xf32, #tpu.memory_space<hbm>>) target(%dma_start3A_328 : memref<100x32xf32, #tpu.memory_space<vmem>>) offsets(%dma_start3A_331 : memref<100xi32, #tpu.memory_space<vmem>>) semaphore(%arg27 : memref<!tpu.dma_semaphore, #tpu.memory_space<semaphore_mem>>)
      %scan3A_335 = arith.constant 0 : i32
      %scan3A_336 = arith.constant 0 : i32
      %scan3A_337 = arith.constant 25 : i32
      %scan3A_338 = arith.addi %scan3A_336, %scan3A_337 : i32
      %scan3A_339 = arith.constant 1 : i32
      scf.for %scan3A_413 = %scan3A_336 to %scan3A_338 step %scan3A_339  : i32 {
        %mul3A_414 = arith.constant 16 : i32
        %mul3A_415 = arith.muli %scan3A_413, %mul3A_414 : i32
        %get3A_416 = arith.index_cast %mul3A_415 : i32 to index
        %get3A_417 = tpu.vector_load %arg14[%get3A_416] {strides = array<i32>} : memref<400xf32, #tpu.memory_space<vmem>>, vector<16xf32>,
        %get3A_418 = vector.shape_cast %get3A_417 : vector<16xf32> to vector<16xf32>
        %mul3A_419 = arith.constant 16 : i32
        %mul3A_420 = arith.muli %scan3A_413, %mul3A_419 : i32
        %get3A_421 = arith.index_cast %mul3A_420 : i32 to index
        %get3A_422 = tpu.vector_load %arg16[%get3A_421] {strides = array<i32>} : memref<400xf32, #tpu.memory_space<vmem>>, vector<16xf32>,
        %get3A_423 = vector.shape_cast %get3A_422 : vector<16xf32> to vector<16xf32>
        %mul3A_424 = arith.constant 16 : i32
        %mul3A_425 = arith.muli %scan3A_413, %mul3A_424 : i32
        %add3A_426 = arith.constant 0 : i32
        %add3A_427 = arith.addi %mul3A_425, %add3A_426 : i32
        %broadcast_in_dim3A = arith.constant 0 : i32
        %broadcast_in_dim3A_428 = vector.broadcast %broadcast_in_dim3A : i32 to vector<16x1xi32>
        %gather3A = vector.shape_cast %broadcast_in_dim3A_428 : vector<16x1xi32> to vector<16xi32>
        %gather3A_429 = tpu.dynamic_gather %get3A_418[%gather3A] in [0] : vector<16xf32>, vector<16xi32> -> vector<16xf32>
        %broadcast_in_dim3A_430 = arith.constant 0 : i32
        %broadcast_in_dim3A_431 = vector.broadcast %broadcast_in_dim3A_430 : i32 to vector<16x1xi32>
        %gather3A_432 = vector.shape_cast %broadcast_in_dim3A_431 : vector<16x1xi32> to vector<16xi32>
        %gather3A_433 = tpu.dynamic_gather %get3A_423[%gather3A_432] in [0] : vector<16xf32>, vector<16xi32> -> vector<16xf32>
        %mul3A_434 = arith.mulf %gather3A_429, %get3A_9 : vector<16xf32>
        %add3A_435 = arith.addf %mul3A_434, %get3A_19 : vector<16xf32>
        %swap3A = arith.index_cast %add3A_427 : i32 to index
        %swap3A_436 = arith.constant 0 : index
        %swap3A_437 = tpu.vector_load %arg20[%swap3A, %swap3A_436] {strides = array<i32>} : memref<400x32xf32, #tpu.memory_space<vmem>>, vector<1x16xf32>,
        %swap3A_438 = vector.shape_cast %swap3A_437 : vector<1x16xf32> to vector<16xf32>
        %swap3A_439 = vector.shape_cast %add3A_435 : vector<16xf32> to vector<1x16xf32>
        tpu.vector_store %arg20[%swap3A, %swap3A_436], %swap3A_439 {strides = array<i32>} : memref<400x32xf32, #tpu.memory_space<vmem>>, vector<1x16xf32>,
        %mul3A_440 = arith.mulf %gather3A_429, %get3A_14 : vector<16xf32>
        %add3A_441 = arith.addf %mul3A_440, %get3A_24 : vector<16xf32>
        %swap3A_442 = arith.index_cast %add3A_427 : i32 to index
        %swap3A_443 = arith.constant 16 : index
        %swap3A_444 = tpu.vector_load %arg20[%swap3A_442, %swap3A_443] {strides = array<i32>} : memref<400x32xf32, #tpu.memory_space<vmem>>, vector<1x16xf32>,
        %swap3A_445 = vector.shape_cast %swap3A_444 : vector<1x16xf32> to vector<16xf32>
        %swap3A_446 = vector.shape_cast %add3A_441 : vector<16xf32> to vector<1x16xf32>
        tpu.vector_store %arg20[%swap3A_442, %swap3A_443], %swap3A_446 {strides = array<i32>} : memref<400x32xf32, #tpu.memory_space<vmem>>, vector<1x16xf32>,
        %mul3A_447 = arith.mulf %gather3A_433, %get3A_29 : vector<16xf32>
        %add3A_448 = arith.addf %mul3A_447, %get3A_39 : vector<16xf32>
        %swap3A_449 = arith.index_cast %add3A_427 : i32 to index
        %swap3A_450 = arith.constant 0 : index
        %swap3A_451 = tpu.vector_load %arg22[%swap3A_449, %swap3A_450] {strides = array<i32>} : memref<400x32xf32, #tpu.memory_space<vmem>>, vector<1x16xf32>,
        %swap3A_452 = vector.shape_cast %swap3A_451 : vector<1x16xf32> to vector<16xf32>
        %swap3A_453 = vector.shape_cast %add3A_448 : vector<16xf32> to vector<1x16xf32>
        tpu.vector_store %arg22[%swap3A_449, %swap3A_450], %swap3A_453 {strides = array<i32>} : memref<400x32xf32, #tpu.memory_space<vmem>>, vector<1x16xf32>,
        %mul3A_454 = arith.mulf %gather3A_433, %get3A_34 : vector<16xf32>
        %add3A_455 = arith.addf %mul3A_454, %get3A_44 : vector<16xf32>
        %swap3A_456 = arith.index_cast %add3A_427 : i32 to index
        %swap3A_457 = arith.constant 16 : index
        %swap3A_458 = tpu.vector_load %arg22[%swap3A_456, %swap3A_457] {strides = array<i32>} : memref<400x32xf32, #tpu.memory_space<vmem>>, vector<1x16xf32>,
        %swap3A_459 = vector.shape_cast %swap3A_458 : vector<1x16xf32> to vector<16xf32>
        %swap3A_460 = vector.shape_cast %add3A_455 : vector<16xf32> to vector<1x16xf32>
        tpu.vector_store %arg22[%swap3A_456, %swap3A_457], %swap3A_460 {strides = array<i32>} : memref<400x32xf32, #tpu.memory_space<vmem>>, vector<1x16xf32>,
        %mul3A_461 = arith.constant 16 : i32
        %mul3A_462 = arith.muli %scan3A_413, %mul3A_461 : i32
        %add3A_463 = arith.constant 1 : i32
        %add3A_464 = arith.addi %mul3A_462, %add3A_463 : i32
        %broadcast_in_dim3A_465 = arith.constant 1 : i32
        %broadcast_in_dim3A_466 = vector.broadcast %broadcast_in_dim3A_465 : i32 to vector<16x1xi32>
        %gather3A_467 = vector.shape_cast %broadcast_in_dim3A_466 : vector<16x1xi32> to vector<16xi32>
        %gather3A_468 = tpu.dynamic_gather %get3A_418[%gather3A_467] in [0] : vector<16xf32>, vector<16xi32> -> vector<16xf32>
        %broadcast_in_dim3A_469 = arith.constant 1 : i32
        %broadcast_in_dim3A_470 = vector.broadcast %broadcast_in_dim3A_469 : i32 to vector<16x1xi32>
        %gather3A_471 = vector.shape_cast %broadcast_in_dim3A_470 : vector<16x1xi32> to vector<16xi32>
        %gather3A_472 = tpu.dynamic_gather %get3A_423[%gather3A_471] in [0] : vector<16xf32>, vector<16xi32> -> vector<16xf32>
        %mul3A_473 = arith.mulf %gather3A_468, %get3A_9 : vector<16xf32>
        %add3A_474 = arith.addf %mul3A_473, %get3A_19 : vector<16xf32>
        %swap3A_475 = arith.index_cast %add3A_464 : i32 to index
        %swap3A_476 = arith.constant 0 : index
        %swap3A_477 = tpu.vector_load %arg20[%swap3A_475, %swap3A_476] {strides = array<i32>} : memref<400x32xf32, #tpu.memory_space<vmem>>, vector<1x16xf32>,
        %swap3A_478 = vector.shape_cast %swap3A_477 : vector<1x16xf32> to vector<16xf32>
        %swap3A_479 = vector.shape_cast %add3A_474 : vector<16xf32> to vector<1x16xf32>
        tpu.vector_store %arg20[%swap3A_475, %swap3A_476], %swap3A_479 {strides = array<i32>} : memref<400x32xf32, #tpu.memory_space<vmem>>, vector<1x16xf32>,
        %mul3A_480 = arith.mulf %gather3A_468, %get3A_14 : vector<16xf32>
        %add3A_481 = arith.addf %mul3A_480, %get3A_24 : vector<16xf32>
        %swap3A_482 = arith.index_cast %add3A_464 : i32 to index
        %swap3A_483 = arith.constant 16 : index
        %swap3A_484 = tpu.vector_load %arg20[%swap3A_482, %swap3A_483] {strides = array<i32>} : memref<400x32xf32, #tpu.memory_space<vmem>>, vector<1x16xf32>,
        %swap3A_485 = vector.shape_cast %swap3A_484 : vector<1x16xf32> to vector<16xf32>
        %swap3A_486 = vector.shape_cast %add3A_481 : vector<16xf32> to vector<1x16xf32>
        tpu.vector_store %arg20[%swap3A_482, %swap3A_483], %swap3A_486 {strides = array<i32>} : memref<400x32xf32, #tpu.memory_space<vmem>>, vector<1x16xf32>,
        %mul3A_487 = arith.mulf %gather3A_472, %get3A_29 : vector<16xf32>
        %add3A_488 = arith.addf %mul3A_487, %get3A_39 : vector<16xf32>
        %swap3A_489 = arith.index_cast %add3A_464 : i32 to index
        %swap3A_490 = arith.constant 0 : index
        %swap3A_491 = tpu.vector_load %arg22[%swap3A_489, %swap3A_490] {strides = array<i32>} : memref<400x32xf32, #tpu.memory_space<vmem>>, vector<1x16xf32>,
        %swap3A_492 = vector.shape_cast %swap3A_491 : vector<1x16xf32> to vector<16xf32>
        %swap3A_493 = vector.shape_cast %add3A_488 : vector<16xf32> to vector<1x16xf32>
        tpu.vector_store %arg22[%swap3A_489, %swap3A_490], %swap3A_493 {strides = array<i32>} : memref<400x32xf32, #tpu.memory_space<vmem>>, vector<1x16xf32>,
        %mul3A_494 = arith.mulf %gather3A_472, %get3A_34 : vector<16xf32>
        %add3A_495 = arith.addf %mul3A_494, %get3A_44 : vector<16xf32>
        %swap3A_496 = arith.index_cast %add3A_464 : i32 to index
        %swap3A_497 = arith.constant 16 : index
        %swap3A_498 = tpu.vector_load %arg22[%swap3A_496, %swap3A_497] {strides = array<i32>} : memref<400x32xf32, #tpu.memory_space<vmem>>, vector<1x16xf32>,
        %swap3A_499 = vector.shape_cast %swap3A_498 : vector<1x16xf32> to vector<16xf32>
        %swap3A_500 = vector.shape_cast %add3A_495 : vector<16xf32> to vector<1x16xf32>
        tpu.vector_store %arg22[%swap3A_496, %swap3A_497], %swap3A_500 {strides = array<i32>} : memref<400x32xf32, #tpu.memory_space<vmem>>, vector<1x16xf32>,
        %mul3A_501 = arith.constant 16 : i32
        %mul3A_502 = arith.muli %scan3A_413, %mul3A_501 : i32
        %add3A_503 = arith.constant 2 : i32
        %add3A_504 = arith.addi %mul3A_502, %add3A_503 : i32
        %broadcast_in_dim3A_505 = arith.constant 2 : i32
        %broadcast_in_dim3A_506 = vector.broadcast %broadcast_in_dim3A_505 : i32 to vector<16x1xi32>
        %gather3A_507 = vector.shape_cast %broadcast_in_dim3A_506 : vector<16x1xi32> to vector<16xi32>
        %gather3A_508 = tpu.dynamic_gather %get3A_418[%gather3A_507] in [0] : vector<16xf32>, vector<16xi32> -> vector<16xf32>
        %broadcast_in_dim3A_509 = arith.constant 2 : i32
        %broadcast_in_dim3A_510 = vector.broadcast %broadcast_in_dim3A_509 : i32 to vector<16x1xi32>
        %gather3A_511 = vector.shape_cast %broadcast_in_dim3A_510 : vector<16x1xi32> to vector<16xi32>
        %gather3A_512 = tpu.dynamic_gather %get3A_423[%gather3A_511] in [0] : vector<16xf32>, vector<16xi32> -> vector<16xf32>
        %mul3A_513 = arith.mulf %gather3A_508, %get3A_9 : vector<16xf32>
        %add3A_514 = arith.addf %mul3A_513, %get3A_19 : vector<16xf32>
        %swap3A_515 = arith.index_cast %add3A_504 : i32 to index
        %swap3A_516 = arith.constant 0 : index
        %swap3A_517 = tpu.vector_load %arg20[%swap3A_515, %swap3A_516] {strides = array<i32>} : memref<400x32xf32, #tpu.memory_space<vmem>>, vector<1x16xf32>,
        %swap3A_518 = vector.shape_cast %swap3A_517 : vector<1x16xf32> to vector<16xf32>
        %swap3A_519 = vector.shape_cast %add3A_514 : vector<16xf32> to vector<1x16xf32>
        tpu.vector_store %arg20[%swap3A_515, %swap3A_516], %swap3A_519 {strides = array<i32>} : memref<400x32xf32, #tpu.memory_space<vmem>>, vector<1x16xf32>,
        %mul3A_520 = arith.mulf %gather3A_508, %get3A_14 : vector<16xf32>
        %add3A_521 = arith.addf %mul3A_520, %get3A_24 : vector<16xf32>
        %swap3A_522 = arith.index_cast %add3A_504 : i32 to index
        %swap3A_523 = arith.constant 16 : index
        %swap3A_524 = tpu.vector_load %arg20[%swap3A_522, %swap3A_523] {strides = array<i32>} : memref<400x32xf32, #tpu.memory_space<vmem>>, vector<1x16xf32>,
        %swap3A_525 = vector.shape_cast %swap3A_524 : vector<1x16xf32> to vector<16xf32>
        %swap3A_526 = vector.shape_cast %add3A_521 : vector<16xf32> to vector<1x16xf32>
        tpu.vector_store %arg20[%swap3A_522, %swap3A_523], %swap3A_526 {strides = array<i32>} : memref<400x32xf32, #tpu.memory_space<vmem>>, vector<1x16xf32>,
        %mul3A_527 = arith.mulf %gather3A_512, %get3A_29 : vector<16xf32>
        %add3A_528 = arith.addf %mul3A_527, %get3A_39 : vector<16xf32>
        %swap3A_529 = arith.index_cast %add3A_504 : i32 to index
        %swap3A_530 = arith.constant 0 : index
        %swap3A_531 = tpu.vector_load %arg22[%swap3A_529, %swap3A_530] {strides = array<i32>} : memref<400x32xf32, #tpu.memory_space<vmem>>, vector<1x16xf32>,
        %swap3A_532 = vector.shape_cast %swap3A_531 : vector<1x16xf32> to vector<16xf32>
        %swap3A_533 = vector.shape_cast %add3A_528 : vector<16xf32> to vector<1x16xf32>
        tpu.vector_store %arg22[%swap3A_529, %swap3A_530], %swap3A_533 {strides = array<i32>} : memref<400x32xf32, #tpu.memory_space<vmem>>, vector<1x16xf32>,
        %mul3A_534 = arith.mulf %gather3A_512, %get3A_34 : vector<16xf32>
        %add3A_535 = arith.addf %mul3A_534, %get3A_44 : vector<16xf32>
        %swap3A_536 = arith.index_cast %add3A_504 : i32 to index
        %swap3A_537 = arith.constant 16 : index
        %swap3A_538 = tpu.vector_load %arg22[%swap3A_536, %swap3A_537] {strides = array<i32>} : memref<400x32xf32, #tpu.memory_space<vmem>>, vector<1x16xf32>,
        %swap3A_539 = vector.shape_cast %swap3A_538 : vector<1x16xf32> to vector<16xf32>
        %swap3A_540 = vector.shape_cast %add3A_535 : vector<16xf32> to vector<1x16xf32>
        tpu.vector_store %arg22[%swap3A_536, %swap3A_537], %swap3A_540 {strides = array<i32>} : memref<400x32xf32, #tpu.memory_space<vmem>>, vector<1x16xf32>,
        %mul3A_541 = arith.constant 16 : i32
        %mul3A_542 = arith.muli %scan3A_413, %mul3A_541 : i32
        %add3A_543 = arith.constant 3 : i32
        %add3A_544 = arith.addi %mul3A_542, %add3A_543 : i32
        %broadcast_in_dim3A_545 = arith.constant 3 : i32
        %broadcast_in_dim3A_546 = vector.broadcast %broadcast_in_dim3A_545 : i32 to vector<16x1xi32>
        %gather3A_547 = vector.shape_cast %broadcast_in_dim3A_546 : vector<16x1xi32> to vector<16xi32>
        %gather3A_548 = tpu.dynamic_gather %get3A_418[%gather3A_547] in [0] : vector<16xf32>, vector<16xi32> -> vector<16xf32>
        %broadcast_in_dim3A_549 = arith.constant 3 : i32
        %broadcast_in_dim3A_550 = vector.broadcast %broadcast_in_dim3A_549 : i32 to vector<16x1xi32>
        %gather3A_551 = vector.shape_cast %broadcast_in_dim3A_550 : vector<16x1xi32> to vector<16xi32>
        %gather3A_552 = tpu.dynamic_gather %get3A_423[%gather3A_551] in [0] : vector<16xf32>, vector<16xi32> -> vector<16xf32>
        %mul3A_553 = arith.mulf %gather3A_548, %get3A_9 : vector<16xf32>
        %add3A_554 = arith.addf %mul3A_553, %get3A_19 : vector<16xf32>
        %swap3A_555 = arith.index_cast %add3A_544 : i32 to index
        %swap3A_556 = arith.constant 0 : index
        %swap3A_557 = tpu.vector_load %arg20[%swap3A_555, %swap3A_556] {strides = array<i32>} : memref<400x32xf32, #tpu.memory_space<vmem>>, vector<1x16xf32>,
        %swap3A_558 = vector.shape_cast %swap3A_557 : vector<1x16xf32> to vector<16xf32>
        %swap3A_559 = vector.shape_cast %add3A_554 : vector<16xf32> to vector<1x16xf32>
        tpu.vector_store %arg20[%swap3A_555, %swap3A_556], %swap3A_559 {strides = array<i32>} : memref<400x32xf32, #tpu.memory_space<vmem>>, vector<1x16xf32>,
        %mul3A_560 = arith.mulf %gather3A_548, %get3A_14 : vector<16xf32>
        %add3A_561 = arith.addf %mul3A_560, %get3A_24 : vector<16xf32>
        %swap3A_562 = arith.index_cast %add3A_544 : i32 to index
        %swap3A_563 = arith.constant 16 : index
        %swap3A_564 = tpu.vector_load %arg20[%swap3A_562, %swap3A_563] {strides = array<i32>} : memref<400x32xf32, #tpu.memory_space<vmem>>, vector<1x16xf32>,
        %swap3A_565 = vector.shape_cast %swap3A_564 : vector<1x16xf32> to vector<16xf32>
        %swap3A_566 = vector.shape_cast %add3A_561 : vector<16xf32> to vector<1x16xf32>
        tpu.vector_store %arg20[%swap3A_562, %swap3A_563], %swap3A_566 {strides = array<i32>} : memref<400x32xf32, #tpu.memory_space<vmem>>, vector<1x16xf32>,
        %mul3A_567 = arith.mulf %gather3A_552, %get3A_29 : vector<16xf32>
        %add3A_568 = arith.addf %mul3A_567, %get3A_39 : vector<16xf32>
        %swap3A_569 = arith.index_cast %add3A_544 : i32 to index
        %swap3A_570 = arith.constant 0 : index
        %swap3A_571 = tpu.vector_load %arg22[%swap3A_569, %swap3A_570] {strides = array<i32>} : memref<400x32xf32, #tpu.memory_space<vmem>>, vector<1x16xf32>,
        %swap3A_572 = vector.shape_cast %swap3A_571 : vector<1x16xf32> to vector<16xf32>
        %swap3A_573 = vector.shape_cast %add3A_568 : vector<16xf32> to vector<1x16xf32>
        tpu.vector_store %arg22[%swap3A_569, %swap3A_570], %swap3A_573 {strides = array<i32>} : memref<400x32xf32, #tpu.memory_space<vmem>>, vector<1x16xf32>,
        %mul3A_574 = arith.mulf %gather3A_552, %get3A_34 : vector<16xf32>
        %add3A_575 = arith.addf %mul3A_574, %get3A_44 : vector<16xf32>
        %swap3A_576 = arith.index_cast %add3A_544 : i32 to index
        %swap3A_577 = arith.constant 16 : index
        %swap3A_578 = tpu.vector_load %arg22[%swap3A_576, %swap3A_577] {strides = array<i32>} : memref<400x32xf32, #tpu.memory_space<vmem>>, vector<1x16xf32>,
        %swap3A_579 = vector.shape_cast %swap3A_578 : vector<1x16xf32> to vector<16xf32>
        %swap3A_580 = vector.shape_cast %add3A_575 : vector<16xf32> to vector<1x16xf32>
        tpu.vector_store %arg22[%swap3A_576, %swap3A_577], %swap3A_580 {strides = array<i32>} : memref<400x32xf32, #tpu.memory_space<vmem>>, vector<1x16xf32>,
        %mul3A_581 = arith.constant 16 : i32
        %mul3A_582 = arith.muli %scan3A_413, %mul3A_581 : i32
        %add3A_583 = arith.constant 4 : i32
        %add3A_584 = arith.addi %mul3A_582, %add3A_583 : i32
        %broadcast_in_dim3A_585 = arith.constant 4 : i32
        %broadcast_in_dim3A_586 = vector.broadcast %broadcast_in_dim3A_585 : i32 to vector<16x1xi32>
        %gather3A_587 = vector.shape_cast %broadcast_in_dim3A_586 : vector<16x1xi32> to vector<16xi32>
        %gather3A_588 = tpu.dynamic_gather %get3A_418[%gather3A_587] in [0] : vector<16xf32>, vector<16xi32> -> vector<16xf32>
        %broadcast_in_dim3A_589 = arith.constant 4 : i32
        %broadcast_in_dim3A_590 = vector.broadcast %broadcast_in_dim3A_589 : i32 to vector<16x1xi32>
        %gather3A_591 = vector.shape_cast %broadcast_in_dim3A_590 : vector<16x1xi32> to vector<16xi32>
        %gather3A_592 = tpu.dynamic_gather %get3A_423[%gather3A_591] in [0] : vector<16xf32>, vector<16xi32> -> vector<16xf32>
        %mul3A_593 = arith.mulf %gather3A_588, %get3A_9 : vector<16xf32>
        %add3A_594 = arith.addf %mul3A_593, %get3A_19 : vector<16xf32>
        %swap3A_595 = arith.index_cast %add3A_584 : i32 to index
        %swap3A_596 = arith.constant 0 : index
        %swap3A_597 = tpu.vector_load %arg20[%swap3A_595, %swap3A_596] {strides = array<i32>} : memref<400x32xf32, #tpu.memory_space<vmem>>, vector<1x16xf32>,
        %swap3A_598 = vector.shape_cast %swap3A_597 : vector<1x16xf32> to vector<16xf32>
        %swap3A_599 = vector.shape_cast %add3A_594 : vector<16xf32> to vector<1x16xf32>
        tpu.vector_store %arg20[%swap3A_595, %swap3A_596], %swap3A_599 {strides = array<i32>} : memref<400x32xf32, #tpu.memory_space<vmem>>, vector<1x16xf32>,
        %mul3A_600 = arith.mulf %gather3A_588, %get3A_14 : vector<16xf32>
        %add3A_601 = arith.addf %mul3A_600, %get3A_24 : vector<16xf32>
        %swap3A_602 = arith.index_cast %add3A_584 : i32 to index
        %swap3A_603 = arith.constant 16 : index
        %swap3A_604 = tpu.vector_load %arg20[%swap3A_602, %swap3A_603] {strides = array<i32>} : memref<400x32xf32, #tpu.memory_space<vmem>>, vector<1x16xf32>,
        %swap3A_605 = vector.shape_cast %swap3A_604 : vector<1x16xf32> to vector<16xf32>
        %swap3A_606 = vector.shape_cast %add3A_601 : vector<16xf32> to vector<1x16xf32>
        tpu.vector_store %arg20[%swap3A_602, %swap3A_603], %swap3A_606 {strides = array<i32>} : memref<400x32xf32, #tpu.memory_space<vmem>>, vector<1x16xf32>,
        %mul3A_607 = arith.mulf %gather3A_592, %get3A_29 : vector<16xf32>
        %add3A_608 = arith.addf %mul3A_607, %get3A_39 : vector<16xf32>
        %swap3A_609 = arith.index_cast %add3A_584 : i32 to index
        %swap3A_610 = arith.constant 0 : index
        %swap3A_611 = tpu.vector_load %arg22[%swap3A_609, %swap3A_610] {strides = array<i32>} : memref<400x32xf32, #tpu.memory_space<vmem>>, vector<1x16xf32>,
        %swap3A_612 = vector.shape_cast %swap3A_611 : vector<1x16xf32> to vector<16xf32>
        %swap3A_613 = vector.shape_cast %add3A_608 : vector<16xf32> to vector<1x16xf32>
        tpu.vector_store %arg22[%swap3A_609, %swap3A_610], %swap3A_613 {strides = array<i32>} : memref<400x32xf32, #tpu.memory_space<vmem>>, vector<1x16xf32>,
        %mul3A_614 = arith.mulf %gather3A_592, %get3A_34 : vector<16xf32>
        %add3A_615 = arith.addf %mul3A_614, %get3A_44 : vector<16xf32>
        %swap3A_616 = arith.index_cast %add3A_584 : i32 to index
        %swap3A_617 = arith.constant 16 : index
        %swap3A_618 = tpu.vector_load %arg22[%swap3A_616, %swap3A_617] {strides = array<i32>} : memref<400x32xf32, #tpu.memory_space<vmem>>, vector<1x16xf32>,
        %swap3A_619 = vector.shape_cast %swap3A_618 : vector<1x16xf32> to vector<16xf32>
        %swap3A_620 = vector.shape_cast %add3A_615 : vector<16xf32> to vector<1x16xf32>
        tpu.vector_store %arg22[%swap3A_616, %swap3A_617], %swap3A_620 {strides = array<i32>} : memref<400x32xf32, #tpu.memory_space<vmem>>, vector<1x16xf32>,
        %mul3A_621 = arith.constant 16 : i32
        %mul3A_622 = arith.muli %scan3A_413, %mul3A_621 : i32
        %add3A_623 = arith.constant 5 : i32
        %add3A_624 = arith.addi %mul3A_622, %add3A_623 : i32
        %broadcast_in_dim3A_625 = arith.constant 5 : i32
        %broadcast_in_dim3A_626 = vector.broadcast %broadcast_in_dim3A_625 : i32 to vector<16x1xi32>
        %gather3A_627 = vector.shape_cast %broadcast_in_dim3A_626 : vector<16x1xi32> to vector<16xi32>
        %gather3A_628 = tpu.dynamic_gather %get3A_418[%gather3A_627] in [0] : vector<16xf32>, vector<16xi32> -> vector<16xf32>
        %broadcast_in_dim3A_629 = arith.constant 5 : i32
        %broadcast_in_dim3A_630 = vector.broadcast %broadcast_in_dim3A_629 : i32 to vector<16x1xi32>
        %gather3A_631 = vector.shape_cast %broadcast_in_dim3A_630 : vector<16x1xi32> to vector<16xi32>
        %gather3A_632 = tpu.dynamic_gather %get3A_423[%gather3A_631] in [0] : vector<16xf32>, vector<16xi32> -> vector<16xf32>
        %mul3A_633 = arith.mulf %gather3A_628, %get3A_9 : vector<16xf32>
        %add3A_634 = arith.addf %mul3A_633, %get3A_19 : vector<16xf32>
        %swap3A_635 = arith.index_cast %add3A_624 : i32 to index
        %swap3A_636 = arith.constant 0 : index
        %swap3A_637 = tpu.vector_load %arg20[%swap3A_635, %swap3A_636] {strides = array<i32>} : memref<400x32xf32, #tpu.memory_space<vmem>>, vector<1x16xf32>,
        %swap3A_638 = vector.shape_cast %swap3A_637 : vector<1x16xf32> to vector<16xf32>
        %swap3A_639 = vector.shape_cast %add3A_634 : vector<16xf32> to vector<1x16xf32>
        tpu.vector_store %arg20[%swap3A_635, %swap3A_636], %swap3A_639 {strides = array<i32>} : memref<400x32xf32, #tpu.memory_space<vmem>>, vector<1x16xf32>,
        %mul3A_640 = arith.mulf %gather3A_628, %get3A_14 : vector<16xf32>
        %add3A_641 = arith.addf %mul3A_640, %get3A_24 : vector<16xf32>
        %swap3A_642 = arith.index_cast %add3A_624 : i32 to index
        %swap3A_643 = arith.constant 16 : index
        %swap3A_644 = tpu.vector_load %arg20[%swap3A_642, %swap3A_643] {strides = array<i32>} : memref<400x32xf32, #tpu.memory_space<vmem>>, vector<1x16xf32>,
        %swap3A_645 = vector.shape_cast %swap3A_644 : vector<1x16xf32> to vector<16xf32>
        %swap3A_646 = vector.shape_cast %add3A_641 : vector<16xf32> to vector<1x16xf32>
        tpu.vector_store %arg20[%swap3A_642, %swap3A_643], %swap3A_646 {strides = array<i32>} : memref<400x32xf32, #tpu.memory_space<vmem>>, vector<1x16xf32>,
        %mul3A_647 = arith.mulf %gather3A_632, %get3A_29 : vector<16xf32>
        %add3A_648 = arith.addf %mul3A_647, %get3A_39 : vector<16xf32>
        %swap3A_649 = arith.index_cast %add3A_624 : i32 to index
        %swap3A_650 = arith.constant 0 : index
        %swap3A_651 = tpu.vector_load %arg22[%swap3A_649, %swap3A_650] {strides = array<i32>} : memref<400x32xf32, #tpu.memory_space<vmem>>, vector<1x16xf32>,
        %swap3A_652 = vector.shape_cast %swap3A_651 : vector<1x16xf32> to vector<16xf32>
        %swap3A_653 = vector.shape_cast %add3A_648 : vector<16xf32> to vector<1x16xf32>
        tpu.vector_store %arg22[%swap3A_649, %swap3A_650], %swap3A_653 {strides = array<i32>} : memref<400x32xf32, #tpu.memory_space<vmem>>, vector<1x16xf32>,
        %mul3A_654 = arith.mulf %gather3A_632, %get3A_34 : vector<16xf32>
        %add3A_655 = arith.addf %mul3A_654, %get3A_44 : vector<16xf32>
        %swap3A_656 = arith.index_cast %add3A_624 : i32 to index
        %swap3A_657 = arith.constant 16 : index
        %swap3A_658 = tpu.vector_load %arg22[%swap3A_656, %swap3A_657] {strides = array<i32>} : memref<400x32xf32, #tpu.memory_space<vmem>>, vector<1x16xf32>,
        %swap3A_659 = vector.shape_cast %swap3A_658 : vector<1x16xf32> to vector<16xf32>
        %swap3A_660 = vector.shape_cast %add3A_655 : vector<16xf32> to vector<1x16xf32>
        tpu.vector_store %arg22[%swap3A_656, %swap3A_657], %swap3A_660 {strides = array<i32>} : memref<400x32xf32, #tpu.memory_space<vmem>>, vector<1x16xf32>,
        %mul3A_661 = arith.constant 16 : i32
        %mul3A_662 = arith.muli %scan3A_413, %mul3A_661 : i32
        %add3A_663 = arith.constant 6 : i32
        %add3A_664 = arith.addi %mul3A_662, %add3A_663 : i32
        %broadcast_in_dim3A_665 = arith.constant 6 : i32
        %broadcast_in_dim3A_666 = vector.broadcast %broadcast_in_dim3A_665 : i32 to vector<16x1xi32>
        %gather3A_667 = vector.shape_cast %broadcast_in_dim3A_666 : vector<16x1xi32> to vector<16xi32>
        %gather3A_668 = tpu.dynamic_gather %get3A_418[%gather3A_667] in [0] : vector<16xf32>, vector<16xi32> -> vector<16xf32>
        %broadcast_in_dim3A_669 = arith.constant 6 : i32
        %broadcast_in_dim3A_670 = vector.broadcast %broadcast_in_dim3A_669 : i32 to vector<16x1xi32>
        %gather3A_671 = vector.shape_cast %broadcast_in_dim3A_670 : vector<16x1xi32> to vector<16xi32>
        %gather3A_672 = tpu.dynamic_gather %get3A_423[%gather3A_671] in [0] : vector<16xf32>, vector<16xi32> -> vector<16xf32>
        %mul3A_673 = arith.mulf %gather3A_668, %get3A_9 : vector<16xf32>
        %add3A_674 = arith.addf %mul3A_673, %get3A_19 : vector<16xf32>
        %swap3A_675 = arith.index_cast %add3A_664 : i32 to index
        %swap3A_676 = arith.constant 0 : index
        %swap3A_677 = tpu.vector_load %arg20[%swap3A_675, %swap3A_676] {strides = array<i32>} : memref<400x32xf32, #tpu.memory_space<vmem>>, vector<1x16xf32>,
        %swap3A_678 = vector.shape_cast %swap3A_677 : vector<1x16xf32> to vector<16xf32>
        %swap3A_679 = vector.shape_cast %add3A_674 : vector<16xf32> to vector<1x16xf32>
        tpu.vector_store %arg20[%swap3A_675, %swap3A_676], %swap3A_679 {strides = array<i32>} : memref<400x32xf32, #tpu.memory_space<vmem>>, vector<1x16xf32>,
        %mul3A_680 = arith.mulf %gather3A_668, %get3A_14 : vector<16xf32>
        %add3A_681 = arith.addf %mul3A_680, %get3A_24 : vector<16xf32>
        %swap3A_682 = arith.index_cast %add3A_664 : i32 to index
        %swap3A_683 = arith.constant 16 : index
        %swap3A_684 = tpu.vector_load %arg20[%swap3A_682, %swap3A_683] {strides = array<i32>} : memref<400x32xf32, #tpu.memory_space<vmem>>, vector<1x16xf32>,
        %swap3A_685 = vector.shape_cast %swap3A_684 : vector<1x16xf32> to vector<16xf32>
        %swap3A_686 = vector.shape_cast %add3A_681 : vector<16xf32> to vector<1x16xf32>
        tpu.vector_store %arg20[%swap3A_682, %swap3A_683], %swap3A_686 {strides = array<i32>} : memref<400x32xf32, #tpu.memory_space<vmem>>, vector<1x16xf32>,
        %mul3A_687 = arith.mulf %gather3A_672, %get3A_29 : vector<16xf32>
        %add3A_688 = arith.addf %mul3A_687, %get3A_39 : vector<16xf32>
        %swap3A_689 = arith.index_cast %add3A_664 : i32 to index
        %swap3A_690 = arith.constant 0 : index
        %swap3A_691 = tpu.vector_load %arg22[%swap3A_689, %swap3A_690] {strides = array<i32>} : memref<400x32xf32, #tpu.memory_space<vmem>>, vector<1x16xf32>,
        %swap3A_692 = vector.shape_cast %swap3A_691 : vector<1x16xf32> to vector<16xf32>
        %swap3A_693 = vector.shape_cast %add3A_688 : vector<16xf32> to vector<1x16xf32>
        tpu.vector_store %arg22[%swap3A_689, %swap3A_690], %swap3A_693 {strides = array<i32>} : memref<400x32xf32, #tpu.memory_space<vmem>>, vector<1x16xf32>,
        %mul3A_694 = arith.mulf %gather3A_672, %get3A_34 : vector<16xf32>
        %add3A_695 = arith.addf %mul3A_694, %get3A_44 : vector<16xf32>
        %swap3A_696 = arith.index_cast %add3A_664 : i32 to index
        %swap3A_697 = arith.constant 16 : index
        %swap3A_698 = tpu.vector_load %arg22[%swap3A_696, %swap3A_697] {strides = array<i32>} : memref<400x32xf32, #tpu.memory_space<vmem>>, vector<1x16xf32>,
        %swap3A_699 = vector.shape_cast %swap3A_698 : vector<1x16xf32> to vector<16xf32>
        %swap3A_700 = vector.shape_cast %add3A_695 : vector<16xf32> to vector<1x16xf32>
        tpu.vector_store %arg22[%swap3A_696, %swap3A_697], %swap3A_700 {strides = array<i32>} : memref<400x32xf32, #tpu.memory_space<vmem>>, vector<1x16xf32>,
        %mul3A_701 = arith.constant 16 : i32
        %mul3A_702 = arith.muli %scan3A_413, %mul3A_701 : i32
        %add3A_703 = arith.constant 7 : i32
        %add3A_704 = arith.addi %mul3A_702, %add3A_703 : i32
        %broadcast_in_dim3A_705 = arith.constant 7 : i32
        %broadcast_in_dim3A_706 = vector.broadcast %broadcast_in_dim3A_705 : i32 to vector<16x1xi32>
        %gather3A_707 = vector.shape_cast %broadcast_in_dim3A_706 : vector<16x1xi32> to vector<16xi32>
        %gather3A_708 = tpu.dynamic_gather %get3A_418[%gather3A_707] in [0] : vector<16xf32>, vector<16xi32> -> vector<16xf32>
        %broadcast_in_dim3A_709 = arith.constant 7 : i32
        %broadcast_in_dim3A_710 = vector.broadcast %broadcast_in_dim3A_709 : i32 to vector<16x1xi32>
        %gather3A_711 = vector.shape_cast %broadcast_in_dim3A_710 : vector<16x1xi32> to vector<16xi32>
        %gather3A_712 = tpu.dynamic_gather %get3A_423[%gather3A_711] in [0] : vector<16xf32>, vector<16xi32> -> vector<16xf32>
        %mul3A_713 = arith.mulf %gather3A_708, %get3A_9 : vector<16xf32>
        %add3A_714 = arith.addf %mul3A_713, %get3A_19 : vector<16xf32>
        %swap3A_715 = arith.index_cast %add3A_704 : i32 to index
        %swap3A_716 = arith.constant 0 : index
        %swap3A_717 = tpu.vector_load %arg20[%swap3A_715, %swap3A_716] {strides = array<i32>} : memref<400x32xf32, #tpu.memory_space<vmem>>, vector<1x16xf32>,
        %swap3A_718 = vector.shape_cast %swap3A_717 : vector<1x16xf32> to vector<16xf32>
        %swap3A_719 = vector.shape_cast %add3A_714 : vector<16xf32> to vector<1x16xf32>
        tpu.vector_store %arg20[%swap3A_715, %swap3A_716], %swap3A_719 {strides = array<i32>} : memref<400x32xf32, #tpu.memory_space<vmem>>, vector<1x16xf32>,
        %mul3A_720 = arith.mulf %gather3A_708, %get3A_14 : vector<16xf32>
        %add3A_721 = arith.addf %mul3A_720, %get3A_24 : vector<16xf32>
        %swap3A_722 = arith.index_cast %add3A_704 : i32 to index
        %swap3A_723 = arith.constant 16 : index
        %swap3A_724 = tpu.vector_load %arg20[%swap3A_722, %swap3A_723] {strides = array<i32>} : memref<400x32xf32, #tpu.memory_space<vmem>>, vector<1x16xf32>,
        %swap3A_725 = vector.shape_cast %swap3A_724 : vector<1x16xf32> to vector<16xf32>
        %swap3A_726 = vector.shape_cast %add3A_721 : vector<16xf32> to vector<1x16xf32>
        tpu.vector_store %arg20[%swap3A_722, %swap3A_723], %swap3A_726 {strides = array<i32>} : memref<400x32xf32, #tpu.memory_space<vmem>>, vector<1x16xf32>,
        %mul3A_727 = arith.mulf %gather3A_712, %get3A_29 : vector<16xf32>
        %add3A_728 = arith.addf %mul3A_727, %get3A_39 : vector<16xf32>
        %swap3A_729 = arith.index_cast %add3A_704 : i32 to index
        %swap3A_730 = arith.constant 0 : index
        %swap3A_731 = tpu.vector_load %arg22[%swap3A_729, %swap3A_730] {strides = array<i32>} : memref<400x32xf32, #tpu.memory_space<vmem>>, vector<1x16xf32>,
        %swap3A_732 = vector.shape_cast %swap3A_731 : vector<1x16xf32> to vector<16xf32>
        %swap3A_733 = vector.shape_cast %add3A_728 : vector<16xf32> to vector<1x16xf32>
        tpu.vector_store %arg22[%swap3A_729, %swap3A_730], %swap3A_733 {strides = array<i32>} : memref<400x32xf32, #tpu.memory_space<vmem>>, vector<1x16xf32>,
        %mul3A_734 = arith.mulf %gather3A_712, %get3A_34 : vector<16xf32>
        %add3A_735 = arith.addf %mul3A_734, %get3A_44 : vector<16xf32>
        %swap3A_736 = arith.index_cast %add3A_704 : i32 to index
        %swap3A_737 = arith.constant 16 : index
        %swap3A_738 = tpu.vector_load %arg22[%swap3A_736, %swap3A_737] {strides = array<i32>} : memref<400x32xf32, #tpu.memory_space<vmem>>, vector<1x16xf32>,
        %swap3A_739 = vector.shape_cast %swap3A_738 : vector<1x16xf32> to vector<16xf32>
        %swap3A_740 = vector.shape_cast %add3A_735 : vector<16xf32> to vector<1x16xf32>
        tpu.vector_store %arg22[%swap3A_736, %swap3A_737], %swap3A_740 {strides = array<i32>} : memref<400x32xf32, #tpu.memory_space<vmem>>, vector<1x16xf32>,
        %mul3A_741 = arith.constant 16 : i32
        %mul3A_742 = arith.muli %scan3A_413, %mul3A_741 : i32
        %add3A_743 = arith.constant 8 : i32
        %add3A_744 = arith.addi %mul3A_742, %add3A_743 : i32
        %broadcast_in_dim3A_745 = arith.constant 8 : i32
        %broadcast_in_dim3A_746 = vector.broadcast %broadcast_in_dim3A_745 : i32 to vector<16x1xi32>
        %gather3A_747 = vector.shape_cast %broadcast_in_dim3A_746 : vector<16x1xi32> to vector<16xi32>
        %gather3A_748 = tpu.dynamic_gather %get3A_418[%gather3A_747] in [0] : vector<16xf32>, vector<16xi32> -> vector<16xf32>
        %broadcast_in_dim3A_749 = arith.constant 8 : i32
        %broadcast_in_dim3A_750 = vector.broadcast %broadcast_in_dim3A_749 : i32 to vector<16x1xi32>
        %gather3A_751 = vector.shape_cast %broadcast_in_dim3A_750 : vector<16x1xi32> to vector<16xi32>
        %gather3A_752 = tpu.dynamic_gather %get3A_423[%gather3A_751] in [0] : vector<16xf32>, vector<16xi32> -> vector<16xf32>
        %mul3A_753 = arith.mulf %gather3A_748, %get3A_9 : vector<16xf32>
        %add3A_754 = arith.addf %mul3A_753, %get3A_19 : vector<16xf32>
        %swap3A_755 = arith.index_cast %add3A_744 : i32 to index
        %swap3A_756 = arith.constant 0 : index
        %swap3A_757 = tpu.vector_load %arg20[%swap3A_755, %swap3A_756] {strides = array<i32>} : memref<400x32xf32, #tpu.memory_space<vmem>>, vector<1x16xf32>,
        %swap3A_758 = vector.shape_cast %swap3A_757 : vector<1x16xf32> to vector<16xf32>
        %swap3A_759 = vector.shape_cast %add3A_754 : vector<16xf32> to vector<1x16xf32>
        tpu.vector_store %arg20[%swap3A_755, %swap3A_756], %swap3A_759 {strides = array<i32>} : memref<400x32xf32, #tpu.memory_space<vmem>>, vector<1x16xf32>,
        %mul3A_760 = arith.mulf %gather3A_748, %get3A_14 : vector<16xf32>
        %add3A_761 = arith.addf %mul3A_760, %get3A_24 : vector<16xf32>
        %swap3A_762 = arith.index_cast %add3A_744 : i32 to index
        %swap3A_763 = arith.constant 16 : index
        %swap3A_764 = tpu.vector_load %arg20[%swap3A_762, %swap3A_763] {strides = array<i32>} : memref<400x32xf32, #tpu.memory_space<vmem>>, vector<1x16xf32>,
        %swap3A_765 = vector.shape_cast %swap3A_764 : vector<1x16xf32> to vector<16xf32>
        %swap3A_766 = vector.shape_cast %add3A_761 : vector<16xf32> to vector<1x16xf32>
        tpu.vector_store %arg20[%swap3A_762, %swap3A_763], %swap3A_766 {strides = array<i32>} : memref<400x32xf32, #tpu.memory_space<vmem>>, vector<1x16xf32>,
        %mul3A_767 = arith.mulf %gather3A_752, %get3A_29 : vector<16xf32>
        %add3A_768 = arith.addf %mul3A_767, %get3A_39 : vector<16xf32>
        %swap3A_769 = arith.index_cast %add3A_744 : i32 to index
        %swap3A_770 = arith.constant 0 : index
        %swap3A_771 = tpu.vector_load %arg22[%swap3A_769, %swap3A_770] {strides = array<i32>} : memref<400x32xf32, #tpu.memory_space<vmem>>, vector<1x16xf32>,
        %swap3A_772 = vector.shape_cast %swap3A_771 : vector<1x16xf32> to vector<16xf32>
        %swap3A_773 = vector.shape_cast %add3A_768 : vector<16xf32> to vector<1x16xf32>
        tpu.vector_store %arg22[%swap3A_769, %swap3A_770], %swap3A_773 {strides = array<i32>} : memref<400x32xf32, #tpu.memory_space<vmem>>, vector<1x16xf32>,
        %mul3A_774 = arith.mulf %gather3A_752, %get3A_34 : vector<16xf32>
        %add3A_775 = arith.addf %mul3A_774, %get3A_44 : vector<16xf32>
        %swap3A_776 = arith.index_cast %add3A_744 : i32 to index
        %swap3A_777 = arith.constant 16 : index
        %swap3A_778 = tpu.vector_load %arg22[%swap3A_776, %swap3A_777] {strides = array<i32>} : memref<400x32xf32, #tpu.memory_space<vmem>>, vector<1x16xf32>,
        %swap3A_779 = vector.shape_cast %swap3A_778 : vector<1x16xf32> to vector<16xf32>
        %swap3A_780 = vector.shape_cast %add3A_775 : vector<16xf32> to vector<1x16xf32>
        tpu.vector_store %arg22[%swap3A_776, %swap3A_777], %swap3A_780 {strides = array<i32>} : memref<400x32xf32, #tpu.memory_space<vmem>>, vector<1x16xf32>,
        %mul3A_781 = arith.constant 16 : i32
        %mul3A_782 = arith.muli %scan3A_413, %mul3A_781 : i32
        %add3A_783 = arith.constant 9 : i32
        %add3A_784 = arith.addi %mul3A_782, %add3A_783 : i32
        %broadcast_in_dim3A_785 = arith.constant 9 : i32
        %broadcast_in_dim3A_786 = vector.broadcast %broadcast_in_dim3A_785 : i32 to vector<16x1xi32>
        %gather3A_787 = vector.shape_cast %broadcast_in_dim3A_786 : vector<16x1xi32> to vector<16xi32>
        %gather3A_788 = tpu.dynamic_gather %get3A_418[%gather3A_787] in [0] : vector<16xf32>, vector<16xi32> -> vector<16xf32>
        %broadcast_in_dim3A_789 = arith.constant 9 : i32
        %broadcast_in_dim3A_790 = vector.broadcast %broadcast_in_dim3A_789 : i32 to vector<16x1xi32>
        %gather3A_791 = vector.shape_cast %broadcast_in_dim3A_790 : vector<16x1xi32> to vector<16xi32>
        %gather3A_792 = tpu.dynamic_gather %get3A_423[%gather3A_791] in [0] : vector<16xf32>, vector<16xi32> -> vector<16xf32>
        %mul3A_793 = arith.mulf %gather3A_788, %get3A_9 : vector<16xf32>
        %add3A_794 = arith.addf %mul3A_793, %get3A_19 : vector<16xf32>
        %swap3A_795 = arith.index_cast %add3A_784 : i32 to index
        %swap3A_796 = arith.constant 0 : index
        %swap3A_797 = tpu.vector_load %arg20[%swap3A_795, %swap3A_796] {strides = array<i32>} : memref<400x32xf32, #tpu.memory_space<vmem>>, vector<1x16xf32>,
        %swap3A_798 = vector.shape_cast %swap3A_797 : vector<1x16xf32> to vector<16xf32>
        %swap3A_799 = vector.shape_cast %add3A_794 : vector<16xf32> to vector<1x16xf32>
        tpu.vector_store %arg20[%swap3A_795, %swap3A_796], %swap3A_799 {strides = array<i32>} : memref<400x32xf32, #tpu.memory_space<vmem>>, vector<1x16xf32>,
        %mul3A_800 = arith.mulf %gather3A_788, %get3A_14 : vector<16xf32>
        %add3A_801 = arith.addf %mul3A_800, %get3A_24 : vector<16xf32>
        %swap3A_802 = arith.index_cast %add3A_784 : i32 to index
        %swap3A_803 = arith.constant 16 : index
        %swap3A_804 = tpu.vector_load %arg20[%swap3A_802, %swap3A_803] {strides = array<i32>} : memref<400x32xf32, #tpu.memory_space<vmem>>, vector<1x16xf32>,
        %swap3A_805 = vector.shape_cast %swap3A_804 : vector<1x16xf32> to vector<16xf32>
        %swap3A_806 = vector.shape_cast %add3A_801 : vector<16xf32> to vector<1x16xf32>
        tpu.vector_store %arg20[%swap3A_802, %swap3A_803], %swap3A_806 {strides = array<i32>} : memref<400x32xf32, #tpu.memory_space<vmem>>, vector<1x16xf32>,
        %mul3A_807 = arith.mulf %gather3A_792, %get3A_29 : vector<16xf32>
        %add3A_808 = arith.addf %mul3A_807, %get3A_39 : vector<16xf32>
        %swap3A_809 = arith.index_cast %add3A_784 : i32 to index
        %swap3A_810 = arith.constant 0 : index
        %swap3A_811 = tpu.vector_load %arg22[%swap3A_809, %swap3A_810] {strides = array<i32>} : memref<400x32xf32, #tpu.memory_space<vmem>>, vector<1x16xf32>,
        %swap3A_812 = vector.shape_cast %swap3A_811 : vector<1x16xf32> to vector<16xf32>
        %swap3A_813 = vector.shape_cast %add3A_808 : vector<16xf32> to vector<1x16xf32>
        tpu.vector_store %arg22[%swap3A_809, %swap3A_810], %swap3A_813 {strides = array<i32>} : memref<400x32xf32, #tpu.memory_space<vmem>>, vector<1x16xf32>,
        %mul3A_814 = arith.mulf %gather3A_792, %get3A_34 : vector<16xf32>
        %add3A_815 = arith.addf %mul3A_814, %get3A_44 : vector<16xf32>
        %swap3A_816 = arith.index_cast %add3A_784 : i32 to index
        %swap3A_817 = arith.constant 16 : index
        %swap3A_818 = tpu.vector_load %arg22[%swap3A_816, %swap3A_817] {strides = array<i32>} : memref<400x32xf32, #tpu.memory_space<vmem>>, vector<1x16xf32>,
        %swap3A_819 = vector.shape_cast %swap3A_818 : vector<1x16xf32> to vector<16xf32>
        %swap3A_820 = vector.shape_cast %add3A_815 : vector<16xf32> to vector<1x16xf32>
        tpu.vector_store %arg22[%swap3A_816, %swap3A_817], %swap3A_820 {strides = array<i32>} : memref<400x32xf32, #tpu.memory_space<vmem>>, vector<1x16xf32>,
        %mul3A_821 = arith.constant 16 : i32
        %mul3A_822 = arith.muli %scan3A_413, %mul3A_821 : i32
        %add3A_823 = arith.constant 10 : i32
        %add3A_824 = arith.addi %mul3A_822, %add3A_823 : i32
        %broadcast_in_dim3A_825 = arith.constant 10 : i32
        %broadcast_in_dim3A_826 = vector.broadcast %broadcast_in_dim3A_825 : i32 to vector<16x1xi32>
        %gather3A_827 = vector.shape_cast %broadcast_in_dim3A_826 : vector<16x1xi32> to vector<16xi32>
        %gather3A_828 = tpu.dynamic_gather %get3A_418[%gather3A_827] in [0] : vector<16xf32>, vector<16xi32> -> vector<16xf32>
        %broadcast_in_dim3A_829 = arith.constant 10 : i32
        %broadcast_in_dim3A_830 = vector.broadcast %broadcast_in_dim3A_829 : i32 to vector<16x1xi32>
        %gather3A_831 = vector.shape_cast %broadcast_in_dim3A_830 : vector<16x1xi32> to vector<16xi32>
        %gather3A_832 = tpu.dynamic_gather %get3A_423[%gather3A_831] in [0] : vector<16xf32>, vector<16xi32> -> vector<16xf32>
        %mul3A_833 = arith.mulf %gather3A_828, %get3A_9 : vector<16xf32>
        %add3A_834 = arith.addf %mul3A_833, %get3A_19 : vector<16xf32>
        %swap3A_835 = arith.index_cast %add3A_824 : i32 to index
        %swap3A_836 = arith.constant 0 : index
        %swap3A_837 = tpu.vector_load %arg20[%swap3A_835, %swap3A_836] {strides = array<i32>} : memref<400x32xf32, #tpu.memory_space<vmem>>, vector<1x16xf32>,
        %swap3A_838 = vector.shape_cast %swap3A_837 : vector<1x16xf32> to vector<16xf32>
        %swap3A_839 = vector.shape_cast %add3A_834 : vector<16xf32> to vector<1x16xf32>
        tpu.vector_store %arg20[%swap3A_835, %swap3A_836], %swap3A_839 {strides = array<i32>} : memref<400x32xf32, #tpu.memory_space<vmem>>, vector<1x16xf32>,
        %mul3A_840 = arith.mulf %gather3A_828, %get3A_14 : vector<16xf32>
        %add3A_841 = arith.addf %mul3A_840, %get3A_24 : vector<16xf32>
        %swap3A_842 = arith.index_cast %add3A_824 : i32 to index
        %swap3A_843 = arith.constant 16 : index
        %swap3A_844 = tpu.vector_load %arg20[%swap3A_842, %swap3A_843] {strides = array<i32>} : memref<400x32xf32, #tpu.memory_space<vmem>>, vector<1x16xf32>,
        %swap3A_845 = vector.shape_cast %swap3A_844 : vector<1x16xf32> to vector<16xf32>
        %swap3A_846 = vector.shape_cast %add3A_841 : vector<16xf32> to vector<1x16xf32>
        tpu.vector_store %arg20[%swap3A_842, %swap3A_843], %swap3A_846 {strides = array<i32>} : memref<400x32xf32, #tpu.memory_space<vmem>>, vector<1x16xf32>,
        %mul3A_847 = arith.mulf %gather3A_832, %get3A_29 : vector<16xf32>
        %add3A_848 = arith.addf %mul3A_847, %get3A_39 : vector<16xf32>
        %swap3A_849 = arith.index_cast %add3A_824 : i32 to index
        %swap3A_850 = arith.constant 0 : index
        %swap3A_851 = tpu.vector_load %arg22[%swap3A_849, %swap3A_850] {strides = array<i32>} : memref<400x32xf32, #tpu.memory_space<vmem>>, vector<1x16xf32>,
        %swap3A_852 = vector.shape_cast %swap3A_851 : vector<1x16xf32> to vector<16xf32>
        %swap3A_853 = vector.shape_cast %add3A_848 : vector<16xf32> to vector<1x16xf32>
        tpu.vector_store %arg22[%swap3A_849, %swap3A_850], %swap3A_853 {strides = array<i32>} : memref<400x32xf32, #tpu.memory_space<vmem>>, vector<1x16xf32>,
        %mul3A_854 = arith.mulf %gather3A_832, %get3A_34 : vector<16xf32>
        %add3A_855 = arith.addf %mul3A_854, %get3A_44 : vector<16xf32>
        %swap3A_856 = arith.index_cast %add3A_824 : i32 to index
        %swap3A_857 = arith.constant 16 : index
        %swap3A_858 = tpu.vector_load %arg22[%swap3A_856, %swap3A_857] {strides = array<i32>} : memref<400x32xf32, #tpu.memory_space<vmem>>, vector<1x16xf32>,
        %swap3A_859 = vector.shape_cast %swap3A_858 : vector<1x16xf32> to vector<16xf32>
        %swap3A_860 = vector.shape_cast %add3A_855 : vector<16xf32> to vector<1x16xf32>
        tpu.vector_store %arg22[%swap3A_856, %swap3A_857], %swap3A_860 {strides = array<i32>} : memref<400x32xf32, #tpu.memory_space<vmem>>, vector<1x16xf32>,
        %mul3A_861 = arith.constant 16 : i32
        %mul3A_862 = arith.muli %scan3A_413, %mul3A_861 : i32
        %add3A_863 = arith.constant 11 : i32
        %add3A_864 = arith.addi %mul3A_862, %add3A_863 : i32
        %broadcast_in_dim3A_865 = arith.constant 11 : i32
        %broadcast_in_dim3A_866 = vector.broadcast %broadcast_in_dim3A_865 : i32 to vector<16x1xi32>
        %gather3A_867 = vector.shape_cast %broadcast_in_dim3A_866 : vector<16x1xi32> to vector<16xi32>
        %gather3A_868 = tpu.dynamic_gather %get3A_418[%gather3A_867] in [0] : vector<16xf32>, vector<16xi32> -> vector<16xf32>
        %broadcast_in_dim3A_869 = arith.constant 11 : i32
        %broadcast_in_dim3A_870 = vector.broadcast %broadcast_in_dim3A_869 : i32 to vector<16x1xi32>
        %gather3A_871 = vector.shape_cast %broadcast_in_dim3A_870 : vector<16x1xi32> to vector<16xi32>
        %gather3A_872 = tpu.dynamic_gather %get3A_423[%gather3A_871] in [0] : vector<16xf32>, vector<16xi32> -> vector<16xf32>
        %mul3A_873 = arith.mulf %gather3A_868, %get3A_9 : vector<16xf32>
        %add3A_874 = arith.addf %mul3A_873, %get3A_19 : vector<16xf32>
        %swap3A_875 = arith.index_cast %add3A_864 : i32 to index
        %swap3A_876 = arith.constant 0 : index
        %swap3A_877 = tpu.vector_load %arg20[%swap3A_875, %swap3A_876] {strides = array<i32>} : memref<400x32xf32, #tpu.memory_space<vmem>>, vector<1x16xf32>,
        %swap3A_878 = vector.shape_cast %swap3A_877 : vector<1x16xf32> to vector<16xf32>
        %swap3A_879 = vector.shape_cast %add3A_874 : vector<16xf32> to vector<1x16xf32>
        tpu.vector_store %arg20[%swap3A_875, %swap3A_876], %swap3A_879 {strides = array<i32>} : memref<400x32xf32, #tpu.memory_space<vmem>>, vector<1x16xf32>,
        %mul3A_880 = arith.mulf %gather3A_868, %get3A_14 : vector<16xf32>
        %add3A_881 = arith.addf %mul3A_880, %get3A_24 : vector<16xf32>
        %swap3A_882 = arith.index_cast %add3A_864 : i32 to index
        %swap3A_883 = arith.constant 16 : index
        %swap3A_884 = tpu.vector_load %arg20[%swap3A_882, %swap3A_883] {strides = array<i32>} : memref<400x32xf32, #tpu.memory_space<vmem>>, vector<1x16xf32>,
        %swap3A_885 = vector.shape_cast %swap3A_884 : vector<1x16xf32> to vector<16xf32>
        %swap3A_886 = vector.shape_cast %add3A_881 : vector<16xf32> to vector<1x16xf32>
        tpu.vector_store %arg20[%swap3A_882, %swap3A_883], %swap3A_886 {strides = array<i32>} : memref<400x32xf32, #tpu.memory_space<vmem>>, vector<1x16xf32>,
        %mul3A_887 = arith.mulf %gather3A_872, %get3A_29 : vector<16xf32>
        %add3A_888 = arith.addf %mul3A_887, %get3A_39 : vector<16xf32>
        %swap3A_889 = arith.index_cast %add3A_864 : i32 to index
        %swap3A_890 = arith.constant 0 : index
        %swap3A_891 = tpu.vector_load %arg22[%swap3A_889, %swap3A_890] {strides = array<i32>} : memref<400x32xf32, #tpu.memory_space<vmem>>, vector<1x16xf32>,
        %swap3A_892 = vector.shape_cast %swap3A_891 : vector<1x16xf32> to vector<16xf32>
        %swap3A_893 = vector.shape_cast %add3A_888 : vector<16xf32> to vector<1x16xf32>
        tpu.vector_store %arg22[%swap3A_889, %swap3A_890], %swap3A_893 {strides = array<i32>} : memref<400x32xf32, #tpu.memory_space<vmem>>, vector<1x16xf32>,
        %mul3A_894 = arith.mulf %gather3A_872, %get3A_34 : vector<16xf32>
        %add3A_895 = arith.addf %mul3A_894, %get3A_44 : vector<16xf32>
        %swap3A_896 = arith.index_cast %add3A_864 : i32 to index
        %swap3A_897 = arith.constant 16 : index
        %swap3A_898 = tpu.vector_load %arg22[%swap3A_896, %swap3A_897] {strides = array<i32>} : memref<400x32xf32, #tpu.memory_space<vmem>>, vector<1x16xf32>,
        %swap3A_899 = vector.shape_cast %swap3A_898 : vector<1x16xf32> to vector<16xf32>
        %swap3A_900 = vector.shape_cast %add3A_895 : vector<16xf32> to vector<1x16xf32>
        tpu.vector_store %arg22[%swap3A_896, %swap3A_897], %swap3A_900 {strides = array<i32>} : memref<400x32xf32, #tpu.memory_space<vmem>>, vector<1x16xf32>,
        %mul3A_901 = arith.constant 16 : i32
        %mul3A_902 = arith.muli %scan3A_413, %mul3A_901 : i32
        %add3A_903 = arith.constant 12 : i32
        %add3A_904 = arith.addi %mul3A_902, %add3A_903 : i32
        %broadcast_in_dim3A_905 = arith.constant 12 : i32
        %broadcast_in_dim3A_906 = vector.broadcast %broadcast_in_dim3A_905 : i32 to vector<16x1xi32>
        %gather3A_907 = vector.shape_cast %broadcast_in_dim3A_906 : vector<16x1xi32> to vector<16xi32>
        %gather3A_908 = tpu.dynamic_gather %get3A_418[%gather3A_907] in [0] : vector<16xf32>, vector<16xi32> -> vector<16xf32>
        %broadcast_in_dim3A_909 = arith.constant 12 : i32
        %broadcast_in_dim3A_910 = vector.broadcast %broadcast_in_dim3A_909 : i32 to vector<16x1xi32>
        %gather3A_911 = vector.shape_cast %broadcast_in_dim3A_910 : vector<16x1xi32> to vector<16xi32>
        %gather3A_912 = tpu.dynamic_gather %get3A_423[%gather3A_911] in [0] : vector<16xf32>, vector<16xi32> -> vector<16xf32>
        %mul3A_913 = arith.mulf %gather3A_908, %get3A_9 : vector<16xf32>
        %add3A_914 = arith.addf %mul3A_913, %get3A_19 : vector<16xf32>
        %swap3A_915 = arith.index_cast %add3A_904 : i32 to index
        %swap3A_916 = arith.constant 0 : index
        %swap3A_917 = tpu.vector_load %arg20[%swap3A_915, %swap3A_916] {strides = array<i32>} : memref<400x32xf32, #tpu.memory_space<vmem>>, vector<1x16xf32>,
        %swap3A_918 = vector.shape_cast %swap3A_917 : vector<1x16xf32> to vector<16xf32>
        %swap3A_919 = vector.shape_cast %add3A_914 : vector<16xf32> to vector<1x16xf32>
        tpu.vector_store %arg20[%swap3A_915, %swap3A_916], %swap3A_919 {strides = array<i32>} : memref<400x32xf32, #tpu.memory_space<vmem>>, vector<1x16xf32>,
        %mul3A_920 = arith.mulf %gather3A_908, %get3A_14 : vector<16xf32>
        %add3A_921 = arith.addf %mul3A_920, %get3A_24 : vector<16xf32>
        %swap3A_922 = arith.index_cast %add3A_904 : i32 to index
        %swap3A_923 = arith.constant 16 : index
        %swap3A_924 = tpu.vector_load %arg20[%swap3A_922, %swap3A_923] {strides = array<i32>} : memref<400x32xf32, #tpu.memory_space<vmem>>, vector<1x16xf32>,
        %swap3A_925 = vector.shape_cast %swap3A_924 : vector<1x16xf32> to vector<16xf32>
        %swap3A_926 = vector.shape_cast %add3A_921 : vector<16xf32> to vector<1x16xf32>
        tpu.vector_store %arg20[%swap3A_922, %swap3A_923], %swap3A_926 {strides = array<i32>} : memref<400x32xf32, #tpu.memory_space<vmem>>, vector<1x16xf32>,
        %mul3A_927 = arith.mulf %gather3A_912, %get3A_29 : vector<16xf32>
        %add3A_928 = arith.addf %mul3A_927, %get3A_39 : vector<16xf32>
        %swap3A_929 = arith.index_cast %add3A_904 : i32 to index
        %swap3A_930 = arith.constant 0 : index
        %swap3A_931 = tpu.vector_load %arg22[%swap3A_929, %swap3A_930] {strides = array<i32>} : memref<400x32xf32, #tpu.memory_space<vmem>>, vector<1x16xf32>,
        %swap3A_932 = vector.shape_cast %swap3A_931 : vector<1x16xf32> to vector<16xf32>
        %swap3A_933 = vector.shape_cast %add3A_928 : vector<16xf32> to vector<1x16xf32>
        tpu.vector_store %arg22[%swap3A_929, %swap3A_930], %swap3A_933 {strides = array<i32>} : memref<400x32xf32, #tpu.memory_space<vmem>>, vector<1x16xf32>,
        %mul3A_934 = arith.mulf %gather3A_912, %get3A_34 : vector<16xf32>
        %add3A_935 = arith.addf %mul3A_934, %get3A_44 : vector<16xf32>
        %swap3A_936 = arith.index_cast %add3A_904 : i32 to index
        %swap3A_937 = arith.constant 16 : index
        %swap3A_938 = tpu.vector_load %arg22[%swap3A_936, %swap3A_937] {strides = array<i32>} : memref<400x32xf32, #tpu.memory_space<vmem>>, vector<1x16xf32>,
        %swap3A_939 = vector.shape_cast %swap3A_938 : vector<1x16xf32> to vector<16xf32>
        %swap3A_940 = vector.shape_cast %add3A_935 : vector<16xf32> to vector<1x16xf32>
        tpu.vector_store %arg22[%swap3A_936, %swap3A_937], %swap3A_940 {strides = array<i32>} : memref<400x32xf32, #tpu.memory_space<vmem>>, vector<1x16xf32>,
        %mul3A_941 = arith.constant 16 : i32
        %mul3A_942 = arith.muli %scan3A_413, %mul3A_941 : i32
        %add3A_943 = arith.constant 13 : i32
        %add3A_944 = arith.addi %mul3A_942, %add3A_943 : i32
        %broadcast_in_dim3A_945 = arith.constant 13 : i32
        %broadcast_in_dim3A_946 = vector.broadcast %broadcast_in_dim3A_945 : i32 to vector<16x1xi32>
        %gather3A_947 = vector.shape_cast %broadcast_in_dim3A_946 : vector<16x1xi32> to vector<16xi32>
        %gather3A_948 = tpu.dynamic_gather %get3A_418[%gather3A_947] in [0] : vector<16xf32>, vector<16xi32> -> vector<16xf32>
        %broadcast_in_dim3A_949 = arith.constant 13 : i32
        %broadcast_in_dim3A_950 = vector.broadcast %broadcast_in_dim3A_949 : i32 to vector<16x1xi32>
        %gather3A_951 = vector.shape_cast %broadcast_in_dim3A_950 : vector<16x1xi32> to vector<16xi32>
        %gather3A_952 = tpu.dynamic_gather %get3A_423[%gather3A_951] in [0] : vector<16xf32>, vector<16xi32> -> vector<16xf32>
        %mul3A_953 = arith.mulf %gather3A_948, %get3A_9 : vector<16xf32>
        %add3A_954 = arith.addf %mul3A_953, %get3A_19 : vector<16xf32>
        %swap3A_955 = arith.index_cast %add3A_944 : i32 to index
        %swap3A_956 = arith.constant 0 : index
        %swap3A_957 = tpu.vector_load %arg20[%swap3A_955, %swap3A_956] {strides = array<i32>} : memref<400x32xf32, #tpu.memory_space<vmem>>, vector<1x16xf32>,
        %swap3A_958 = vector.shape_cast %swap3A_957 : vector<1x16xf32> to vector<16xf32>
        %swap3A_959 = vector.shape_cast %add3A_954 : vector<16xf32> to vector<1x16xf32>
        tpu.vector_store %arg20[%swap3A_955, %swap3A_956], %swap3A_959 {strides = array<i32>} : memref<400x32xf32, #tpu.memory_space<vmem>>, vector<1x16xf32>,
        %mul3A_960 = arith.mulf %gather3A_948, %get3A_14 : vector<16xf32>
        %add3A_961 = arith.addf %mul3A_960, %get3A_24 : vector<16xf32>
        %swap3A_962 = arith.index_cast %add3A_944 : i32 to index
        %swap3A_963 = arith.constant 16 : index
        %swap3A_964 = tpu.vector_load %arg20[%swap3A_962, %swap3A_963] {strides = array<i32>} : memref<400x32xf32, #tpu.memory_space<vmem>>, vector<1x16xf32>,
        %swap3A_965 = vector.shape_cast %swap3A_964 : vector<1x16xf32> to vector<16xf32>
        %swap3A_966 = vector.shape_cast %add3A_961 : vector<16xf32> to vector<1x16xf32>
        tpu.vector_store %arg20[%swap3A_962, %swap3A_963], %swap3A_966 {strides = array<i32>} : memref<400x32xf32, #tpu.memory_space<vmem>>, vector<1x16xf32>,
        %mul3A_967 = arith.mulf %gather3A_952, %get3A_29 : vector<16xf32>
        %add3A_968 = arith.addf %mul3A_967, %get3A_39 : vector<16xf32>
        %swap3A_969 = arith.index_cast %add3A_944 : i32 to index
        %swap3A_970 = arith.constant 0 : index
        %swap3A_971 = tpu.vector_load %arg22[%swap3A_969, %swap3A_970] {strides = array<i32>} : memref<400x32xf32, #tpu.memory_space<vmem>>, vector<1x16xf32>,
        %swap3A_972 = vector.shape_cast %swap3A_971 : vector<1x16xf32> to vector<16xf32>
        %swap3A_973 = vector.shape_cast %add3A_968 : vector<16xf32> to vector<1x16xf32>
        tpu.vector_store %arg22[%swap3A_969, %swap3A_970], %swap3A_973 {strides = array<i32>} : memref<400x32xf32, #tpu.memory_space<vmem>>, vector<1x16xf32>,
        %mul3A_974 = arith.mulf %gather3A_952, %get3A_34 : vector<16xf32>
        %add3A_975 = arith.addf %mul3A_974, %get3A_44 : vector<16xf32>
        %swap3A_976 = arith.index_cast %add3A_944 : i32 to index
        %swap3A_977 = arith.constant 16 : index
        %swap3A_978 = tpu.vector_load %arg22[%swap3A_976, %swap3A_977] {strides = array<i32>} : memref<400x32xf32, #tpu.memory_space<vmem>>, vector<1x16xf32>,
        %swap3A_979 = vector.shape_cast %swap3A_978 : vector<1x16xf32> to vector<16xf32>
        %swap3A_980 = vector.shape_cast %add3A_975 : vector<16xf32> to vector<1x16xf32>
        tpu.vector_store %arg22[%swap3A_976, %swap3A_977], %swap3A_980 {strides = array<i32>} : memref<400x32xf32, #tpu.memory_space<vmem>>, vector<1x16xf32>,
        %mul3A_981 = arith.constant 16 : i32
        %mul3A_982 = arith.muli %scan3A_413, %mul3A_981 : i32
        %add3A_983 = arith.constant 14 : i32
        %add3A_984 = arith.addi %mul3A_982, %add3A_983 : i32
        %broadcast_in_dim3A_985 = arith.constant 14 : i32
        %broadcast_in_dim3A_986 = vector.broadcast %broadcast_in_dim3A_985 : i32 to vector<16x1xi32>
        %gather3A_987 = vector.shape_cast %broadcast_in_dim3A_986 : vector<16x1xi32> to vector<16xi32>
        %gather3A_988 = tpu.dynamic_gather %get3A_418[%gather3A_987] in [0] : vector<16xf32>, vector<16xi32> -> vector<16xf32>
        %broadcast_in_dim3A_989 = arith.constant 14 : i32
        %broadcast_in_dim3A_990 = vector.broadcast %broadcast_in_dim3A_989 : i32 to vector<16x1xi32>
        %gather3A_991 = vector.shape_cast %broadcast_in_dim3A_990 : vector<16x1xi32> to vector<16xi32>
        %gather3A_992 = tpu.dynamic_gather %get3A_423[%gather3A_991] in [0] : vector<16xf32>, vector<16xi32> -> vector<16xf32>
        %mul3A_993 = arith.mulf %gather3A_988, %get3A_9 : vector<16xf32>
        %add3A_994 = arith.addf %mul3A_993, %get3A_19 : vector<16xf32>
        %swap3A_995 = arith.index_cast %add3A_984 : i32 to index
        %swap3A_996 = arith.constant 0 : index
        %swap3A_997 = tpu.vector_load %arg20[%swap3A_995, %swap3A_996] {strides = array<i32>} : memref<400x32xf32, #tpu.memory_space<vmem>>, vector<1x16xf32>,
        %swap3A_998 = vector.shape_cast %swap3A_997 : vector<1x16xf32> to vector<16xf32>
        %swap3A_999 = vector.shape_cast %add3A_994 : vector<16xf32> to vector<1x16xf32>
        tpu.vector_store %arg20[%swap3A_995, %swap3A_996], %swap3A_999 {strides = array<i32>} : memref<400x32xf32, #tpu.memory_space<vmem>>, vector<1x16xf32>,
        %mul3A_1000 = arith.mulf %gather3A_988, %get3A_14 : vector<16xf32>
        %add3A_1001 = arith.addf %mul3A_1000, %get3A_24 : vector<16xf32>
        %swap3A_1002 = arith.index_cast %add3A_984 : i32 to index
        %swap3A_1003 = arith.constant 16 : index
        %swap3A_1004 = tpu.vector_load %arg20[%swap3A_1002, %swap3A_1003] {strides = array<i32>} : memref<400x32xf32, #tpu.memory_space<vmem>>, vector<1x16xf32>,
        %swap3A_1005 = vector.shape_cast %swap3A_1004 : vector<1x16xf32> to vector<16xf32>
        %swap3A_1006 = vector.shape_cast %add3A_1001 : vector<16xf32> to vector<1x16xf32>
        tpu.vector_store %arg20[%swap3A_1002, %swap3A_1003], %swap3A_1006 {strides = array<i32>} : memref<400x32xf32, #tpu.memory_space<vmem>>, vector<1x16xf32>,
        %mul3A_1007 = arith.mulf %gather3A_992, %get3A_29 : vector<16xf32>
        %add3A_1008 = arith.addf %mul3A_1007, %get3A_39 : vector<16xf32>
        %swap3A_1009 = arith.index_cast %add3A_984 : i32 to index
        %swap3A_1010 = arith.constant 0 : index
        %swap3A_1011 = tpu.vector_load %arg22[%swap3A_1009, %swap3A_1010] {strides = array<i32>} : memref<400x32xf32, #tpu.memory_space<vmem>>, vector<1x16xf32>,
        %swap3A_1012 = vector.shape_cast %swap3A_1011 : vector<1x16xf32> to vector<16xf32>
        %swap3A_1013 = vector.shape_cast %add3A_1008 : vector<16xf32> to vector<1x16xf32>
        tpu.vector_store %arg22[%swap3A_1009, %swap3A_1010], %swap3A_1013 {strides = array<i32>} : memref<400x32xf32, #tpu.memory_space<vmem>>, vector<1x16xf32>,
        %mul3A_1014 = arith.mulf %gather3A_992, %get3A_34 : vector<16xf32>
        %add3A_1015 = arith.addf %mul3A_1014, %get3A_44 : vector<16xf32>
        %swap3A_1016 = arith.index_cast %add3A_984 : i32 to index
        %swap3A_1017 = arith.constant 16 : index
        %swap3A_1018 = tpu.vector_load %arg22[%swap3A_1016, %swap3A_1017] {strides = array<i32>} : memref<400x32xf32, #tpu.memory_space<vmem>>, vector<1x16xf32>,
        %swap3A_1019 = vector.shape_cast %swap3A_1018 : vector<1x16xf32> to vector<16xf32>
        %swap3A_1020 = vector.shape_cast %add3A_1015 : vector<16xf32> to vector<1x16xf32>
        tpu.vector_store %arg22[%swap3A_1016, %swap3A_1017], %swap3A_1020 {strides = array<i32>} : memref<400x32xf32, #tpu.memory_space<vmem>>, vector<1x16xf32>,
        %mul3A_1021 = arith.constant 16 : i32
        %mul3A_1022 = arith.muli %scan3A_413, %mul3A_1021 : i32
        %add3A_1023 = arith.constant 15 : i32
        %add3A_1024 = arith.addi %mul3A_1022, %add3A_1023 : i32
        %broadcast_in_dim3A_1025 = arith.constant 15 : i32
        %broadcast_in_dim3A_1026 = vector.broadcast %broadcast_in_dim3A_1025 : i32 to vector<16x1xi32>
        %gather3A_1027 = vector.shape_cast %broadcast_in_dim3A_1026 : vector<16x1xi32> to vector<16xi32>
        %gather3A_1028 = tpu.dynamic_gather %get3A_418[%gather3A_1027] in [0] : vector<16xf32>, vector<16xi32> -> vector<16xf32>
        %broadcast_in_dim3A_1029 = arith.constant 15 : i32
        %broadcast_in_dim3A_1030 = vector.broadcast %broadcast_in_dim3A_1029 : i32 to vector<16x1xi32>
        %gather3A_1031 = vector.shape_cast %broadcast_in_dim3A_1030 : vector<16x1xi32> to vector<16xi32>
        %gather3A_1032 = tpu.dynamic_gather %get3A_423[%gather3A_1031] in [0] : vector<16xf32>, vector<16xi32> -> vector<16xf32>
        %mul3A_1033 = arith.mulf %gather3A_1028, %get3A_9 : vector<16xf32>
        %add3A_1034 = arith.addf %mul3A_1033, %get3A_19 : vector<16xf32>
        %swap3A_1035 = arith.index_cast %add3A_1024 : i32 to index
        %swap3A_1036 = arith.constant 0 : index
        %swap3A_1037 = tpu.vector_load %arg20[%swap3A_1035, %swap3A_1036] {strides = array<i32>} : memref<400x32xf32, #tpu.memory_space<vmem>>, vector<1x16xf32>,
        %swap3A_1038 = vector.shape_cast %swap3A_1037 : vector<1x16xf32> to vector<16xf32>
        %swap3A_1039 = vector.shape_cast %add3A_1034 : vector<16xf32> to vector<1x16xf32>
        tpu.vector_store %arg20[%swap3A_1035, %swap3A_1036], %swap3A_1039 {strides = array<i32>} : memref<400x32xf32, #tpu.memory_space<vmem>>, vector<1x16xf32>,
        %mul3A_1040 = arith.mulf %gather3A_1028, %get3A_14 : vector<16xf32>
        %add3A_1041 = arith.addf %mul3A_1040, %get3A_24 : vector<16xf32>
        %swap3A_1042 = arith.index_cast %add3A_1024 : i32 to index
        %swap3A_1043 = arith.constant 16 : index
        %swap3A_1044 = tpu.vector_load %arg20[%swap3A_1042, %swap3A_1043] {strides = array<i32>} : memref<400x32xf32, #tpu.memory_space<vmem>>, vector<1x16xf32>,
        %swap3A_1045 = vector.shape_cast %swap3A_1044 : vector<1x16xf32> to vector<16xf32>
        %swap3A_1046 = vector.shape_cast %add3A_1041 : vector<16xf32> to vector<1x16xf32>
        tpu.vector_store %arg20[%swap3A_1042, %swap3A_1043], %swap3A_1046 {strides = array<i32>} : memref<400x32xf32, #tpu.memory_space<vmem>>, vector<1x16xf32>,
        %mul3A_1047 = arith.mulf %gather3A_1032, %get3A_29 : vector<16xf32>
        %add3A_1048 = arith.addf %mul3A_1047, %get3A_39 : vector<16xf32>
        %swap3A_1049 = arith.index_cast %add3A_1024 : i32 to index
        %swap3A_1050 = arith.constant 0 : index
        %swap3A_1051 = tpu.vector_load %arg22[%swap3A_1049, %swap3A_1050] {strides = array<i32>} : memref<400x32xf32, #tpu.memory_space<vmem>>, vector<1x16xf32>,
        %swap3A_1052 = vector.shape_cast %swap3A_1051 : vector<1x16xf32> to vector<16xf32>
        %swap3A_1053 = vector.shape_cast %add3A_1048 : vector<16xf32> to vector<1x16xf32>
        tpu.vector_store %arg22[%swap3A_1049, %swap3A_1050], %swap3A_1053 {strides = array<i32>} : memref<400x32xf32, #tpu.memory_space<vmem>>, vector<1x16xf32>,
        %mul3A_1054 = arith.mulf %gather3A_1032, %get3A_34 : vector<16xf32>
        %add3A_1055 = arith.addf %mul3A_1054, %get3A_44 : vector<16xf32>
        %swap3A_1056 = arith.index_cast %add3A_1024 : i32 to index
        %swap3A_1057 = arith.constant 16 : index
        %swap3A_1058 = tpu.vector_load %arg22[%swap3A_1056, %swap3A_1057] {strides = array<i32>} : memref<400x32xf32, #tpu.memory_space<vmem>>, vector<1x16xf32>,
        %swap3A_1059 = vector.shape_cast %swap3A_1058 : vector<1x16xf32> to vector<16xf32>
        %swap3A_1060 = vector.shape_cast %add3A_1055 : vector<16xf32> to vector<1x16xf32>
        tpu.vector_store %arg22[%swap3A_1056, %swap3A_1057], %swap3A_1060 {strides = array<i32>} : memref<400x32xf32, #tpu.memory_space<vmem>>, vector<1x16xf32>,
      }
      %scan3A_340 = arith.constant 25 : i32
      %dma_wait3A_341 = arith.constant 0 : i32
      %dma_wait3A_342 = arith.constant 0 : i32
      %dma_wait3A_343 = arith.constant 0 : i32
      %dma_wait3A_344 = tpu.memref_slice %arg18[%dma_wait3A_342, %dma_wait3A_343] : memref<400x32xf32, #tpu.memory_space<vmem>> -> memref<100x32xf32, #tpu.memory_space<vmem>>
      %dma_wait3A_345 = arith.constant 0 : i32
      %dma_wait3A_346 = tpu.memref_slice %arg12[%dma_wait3A_341, %dma_wait3A_345] : memref<4x100xi32, #tpu.memory_space<vmem>> -> memref<1x100xi32, #tpu.memory_space<vmem>>
      %dma_wait3A_347 = tpu.memref_squeeze %dma_wait3A_346 : memref<1x100xi32, #tpu.memory_space<vmem>> -> memref<100xi32, #tpu.memory_space<vmem>>
      %dma_wait3A_348 = arith.constant 0 : i32
      %dma_wait3A_349 = arith.constant 0 : i32
      %dma_wait3A_350 = tpu.memref_slice %arg7[%dma_wait3A_348, %dma_wait3A_349] : memref<1007616x32xf32, #tpu.memory_space<hbm>> -> memref<1007616x32xf32, #tpu.memory_space<hbm>>
      tpu.wait_indirect_dma semaphore(%arg27 : memref<!tpu.dma_semaphore, #tpu.memory_space<semaphore_mem>>) src(%dma_wait3A_350 : memref<1007616x32xf32, #tpu.memory_space<hbm>>) dst(%dma_wait3A_344 : memref<100x32xf32, #tpu.memory_space<vmem>>)
      %dma_wait3A_351 = arith.constant 1 : i32
      %dma_wait3A_352 = arith.constant 100 : i32
      %dma_wait3A_353 = arith.constant 0 : i32
      %dma_wait3A_354 = tpu.memref_slice %arg18[%dma_wait3A_352, %dma_wait3A_353] : memref<400x32xf32, #tpu.memory_space<vmem>> -> memref<100x32xf32, #tpu.memory_space<vmem>>
      %dma_wait3A_355 = arith.constant 0 : i32
      %dma_wait3A_356 = tpu.memref_slice %arg12[%dma_wait3A_351, %dma_wait3A_355] : memref<4x100xi32, #tpu.memory_space<vmem>> -> memref<1x100xi32, #tpu.memory_space<vmem>>
      %dma_wait3A_357 = tpu.memref_squeeze %dma_wait3A_356 : memref<1x100xi32, #tpu.memory_space<vmem>> -> memref<100xi32, #tpu.memory_space<vmem>>
      %dma_wait3A_358 = arith.constant 0 : i32
      %dma_wait3A_359 = arith.constant 0 : i32
      %dma_wait3A_360 = tpu.memref_slice %arg7[%dma_wait3A_358, %dma_wait3A_359] : memref<1007616x32xf32, #tpu.memory_space<hbm>> -> memref<1007616x32xf32, #tpu.memory_space<hbm>>
      tpu.wait_indirect_dma semaphore(%arg27 : memref<!tpu.dma_semaphore, #tpu.memory_space<semaphore_mem>>) src(%dma_wait3A_360 : memref<1007616x32xf32, #tpu.memory_space<hbm>>) dst(%dma_wait3A_354 : memref<100x32xf32, #tpu.memory_space<vmem>>)
      %dma_wait3A_361 = arith.constant 2 : i32
      %dma_wait3A_362 = arith.constant 200 : i32
      %dma_wait3A_363 = arith.constant 0 : i32
      %dma_wait3A_364 = tpu.memref_slice %arg18[%dma_wait3A_362, %dma_wait3A_363] : memref<400x32xf32, #tpu.memory_space<vmem>> -> memref<100x32xf32, #tpu.memory_space<vmem>>
      %dma_wait3A_365 = arith.constant 0 : i32
      %dma_wait3A_366 = tpu.memref_slice %arg12[%dma_wait3A_361, %dma_wait3A_365] : memref<4x100xi32, #tpu.memory_space<vmem>> -> memref<1x100xi32, #tpu.memory_space<vmem>>
      %dma_wait3A_367 = tpu.memref_squeeze %dma_wait3A_366 : memref<1x100xi32, #tpu.memory_space<vmem>> -> memref<100xi32, #tpu.memory_space<vmem>>
      %dma_wait3A_368 = arith.constant 0 : i32
      %dma_wait3A_369 = arith.constant 0 : i32
      %dma_wait3A_370 = tpu.memref_slice %arg7[%dma_wait3A_368, %dma_wait3A_369] : memref<1007616x32xf32, #tpu.memory_space<hbm>> -> memref<1007616x32xf32, #tpu.memory_space<hbm>>
      tpu.wait_indirect_dma semaphore(%arg27 : memref<!tpu.dma_semaphore, #tpu.memory_space<semaphore_mem>>) src(%dma_wait3A_370 : memref<1007616x32xf32, #tpu.memory_space<hbm>>) dst(%dma_wait3A_364 : memref<100x32xf32, #tpu.memory_space<vmem>>)
      %dma_wait3A_371 = arith.constant 3 : i32
      %dma_wait3A_372 = arith.constant 300 : i32
      %dma_wait3A_373 = arith.constant 0 : i32
      %dma_wait3A_374 = tpu.memref_slice %arg18[%dma_wait3A_372, %dma_wait3A_373] : memref<400x32xf32, #tpu.memory_space<vmem>> -> memref<100x32xf32, #tpu.memory_space<vmem>>
      %dma_wait3A_375 = arith.constant 0 : i32
      %dma_wait3A_376 = tpu.memref_slice %arg12[%dma_wait3A_371, %dma_wait3A_375] : memref<4x100xi32, #tpu.memory_space<vmem>> -> memref<1x100xi32, #tpu.memory_space<vmem>>
      %dma_wait3A_377 = tpu.memref_squeeze %dma_wait3A_376 : memref<1x100xi32, #tpu.memory_space<vmem>> -> memref<100xi32, #tpu.memory_space<vmem>>
      %dma_wait3A_378 = arith.constant 0 : i32
      %dma_wait3A_379 = arith.constant 0 : i32
      %dma_wait3A_380 = tpu.memref_slice %arg7[%dma_wait3A_378, %dma_wait3A_379] : memref<1007616x32xf32, #tpu.memory_space<hbm>> -> memref<1007616x32xf32, #tpu.memory_space<hbm>>
      tpu.wait_indirect_dma semaphore(%arg27 : memref<!tpu.dma_semaphore, #tpu.memory_space<semaphore_mem>>) src(%dma_wait3A_380 : memref<1007616x32xf32, #tpu.memory_space<hbm>>) dst(%dma_wait3A_374 : memref<100x32xf32, #tpu.memory_space<vmem>>)
      %lt3A_381 = arith.constant 7 : i32
      %lt3A_382 = arith.cmpi slt, %scan3A_132, %lt3A_381 : i32
      %convert_element_type3A_383 = arith.extui %lt3A_382 : i1 to i32
      %cond3A_384 = arith.constant 0 : i32
      %cond3A_385 = arith.cmpi ne, %convert_element_type3A_383, %cond3A_384 : i32
      scf.if %cond3A_385 {
        %add3A_413 = arith.constant 2 : i32
        %add3A_414 = arith.addi %add3A_275, %add3A_413 : i32
        %mul3A_415 = arith.constant 4 : i32
        %mul3A_416 = arith.muli %add3A_414, %mul3A_415 : i32
        %dma_start3A_417 = arith.constant 0 : i32
        %dma_start3A_418 = tpu.memref_slice %arg3[%mul3A_416, %dma_start3A_417] : memref<2048x100xi32, #tpu.memory_space<hbm>> -> memref<4x100xi32, #tpu.memory_space<hbm>>
        %dma_start3A_419 = arith.constant 0 : i32
        %dma_start3A_420 = tpu.memref_slice %arg3[%mul3A_416, %dma_start3A_419] : memref<2048x100xi32, #tpu.memory_space<hbm>> -> memref<4x100xi32, #tpu.memory_space<hbm>>
        tpu.enqueue_dma source(%dma_start3A_420 : memref<4x100xi32, #tpu.memory_space<hbm>>) target(%arg12 : memref<4x100xi32, #tpu.memory_space<vmem>>) target_semaphore(%arg25 : memref<!tpu.dma_semaphore, #tpu.memory_space<semaphore_mem>>)
        %mul3A_421 = arith.constant 400 : i32
        %mul3A_422 = arith.muli %add3A_414, %mul3A_421 : i32
        %dma_start3A_423 = tpu.memref_slice %arg2[%mul3A_422] : memref<204800xf32, #tpu.memory_space<hbm>> -> memref<400xf32, #tpu.memory_space<hbm>>
        %dma_start3A_424 = tpu.memref_slice %arg2[%mul3A_422] : memref<204800xf32, #tpu.memory_space<hbm>> -> memref<400xf32, #tpu.memory_space<hbm>>
        tpu.enqueue_dma source(%dma_start3A_424 : memref<400xf32, #tpu.memory_space<hbm>>) target(%arg14 : memref<400xf32, #tpu.memory_space<vmem>>) target_semaphore(%arg25 : memref<!tpu.dma_semaphore, #tpu.memory_space<semaphore_mem>>)
        %mul3A_425 = arith.constant 400 : i32
        %mul3A_426 = arith.muli %add3A_414, %mul3A_425 : i32
        %dma_start3A_427 = tpu.memref_slice %arg4[%mul3A_426] : memref<204800xf32, #tpu.memory_space<hbm>> -> memref<400xf32, #tpu.memory_space<hbm>>
        %dma_start3A_428 = tpu.memref_slice %arg4[%mul3A_426] : memref<204800xf32, #tpu.memory_space<hbm>> -> memref<400xf32, #tpu.memory_space<hbm>>
        tpu.enqueue_dma source(%dma_start3A_428 : memref<400xf32, #tpu.memory_space<hbm>>) target(%arg16 : memref<400xf32, #tpu.memory_space<vmem>>) target_semaphore(%arg25 : memref<!tpu.dma_semaphore, #tpu.memory_space<semaphore_mem>>)
      } else {
      }
      %mul3A_386 = arith.constant 400 : i32
      %mul3A_387 = arith.muli %add3A_275, %mul3A_386 : i32
      %dma_start3A_388 = arith.constant 0 : i32
      %dma_start3A_389 = arith.constant 0 : i32
      %dma_start3A_390 = tpu.memref_slice %arg10[%mul3A_387, %dma_start3A_388, %dma_start3A_389] : memref<204800x3x32xf32, #tpu.memory_space<hbm>> -> memref<400x1x32xf32, #tpu.memory_space<hbm>>
      %dma_start3A_391 = tpu.memref_squeeze %dma_start3A_390 : memref<400x1x32xf32, #tpu.memory_space<hbm>> -> memref<400x32xf32, #tpu.memory_space<hbm>>
      %dma_start3A_392 = arith.constant 0 : i32
      %dma_start3A_393 = tpu.memref_slice %arg10[%mul3A_387, %dma_start3A_388, %dma_start3A_392] : memref<204800x3x32xf32, #tpu.memory_space<hbm>> -> memref<400x1x32xf32, #tpu.memory_space<hbm>>
      %dma_start3A_394 = tpu.memref_squeeze %dma_start3A_393 : memref<400x1x32xf32, #tpu.memory_space<hbm>> -> memref<400x32xf32, #tpu.memory_space<hbm>>
      tpu.enqueue_dma source(%arg20 : memref<400x32xf32, #tpu.memory_space<vmem>>) target(%dma_start3A_394 : memref<400x32xf32, #tpu.memory_space<hbm>>) target_semaphore(%arg29 : memref<!tpu.dma_semaphore, #tpu.memory_space<semaphore_mem>>)
      %mul3A_395 = arith.constant 400 : i32
      %mul3A_396 = arith.muli %add3A_275, %mul3A_395 : i32
      %dma_start3A_397 = arith.constant 1 : i32
      %dma_start3A_398 = arith.constant 0 : i32
      %dma_start3A_399 = tpu.memref_slice %arg10[%mul3A_396, %dma_start3A_397, %dma_start3A_398] : memref<204800x3x32xf32, #tpu.memory_space<hbm>> -> memref<400x1x32xf32, #tpu.memory_space<hbm>>
      %dma_start3A_400 = tpu.memref_squeeze %dma_start3A_399 : memref<400x1x32xf32, #tpu.memory_space<hbm>> -> memref<400x32xf32, #tpu.memory_space<hbm>>
      %dma_start3A_401 = arith.constant 0 : i32
      %dma_start3A_402 = tpu.memref_slice %arg10[%mul3A_396, %dma_start3A_397, %dma_start3A_401] : memref<204800x3x32xf32, #tpu.memory_space<hbm>> -> memref<400x1x32xf32, #tpu.memory_space<hbm>>
      %dma_start3A_403 = tpu.memref_squeeze %dma_start3A_402 : memref<400x1x32xf32, #tpu.memory_space<hbm>> -> memref<400x32xf32, #tpu.memory_space<hbm>>
      tpu.enqueue_dma source(%arg18 : memref<400x32xf32, #tpu.memory_space<vmem>>) target(%dma_start3A_403 : memref<400x32xf32, #tpu.memory_space<hbm>>) target_semaphore(%arg29 : memref<!tpu.dma_semaphore, #tpu.memory_space<semaphore_mem>>)
      %mul3A_404 = arith.constant 400 : i32
      %mul3A_405 = arith.muli %add3A_275, %mul3A_404 : i32
      %dma_start3A_406 = arith.constant 2 : i32
      %dma_start3A_407 = arith.constant 0 : i32
      %dma_start3A_408 = tpu.memref_slice %arg10[%mul3A_405, %dma_start3A_406, %dma_start3A_407] : memref<204800x3x32xf32, #tpu.memory_space<hbm>> -> memref<400x1x32xf32, #tpu.memory_space<hbm>>
      %dma_start3A_409 = tpu.memref_squeeze %dma_start3A_408 : memref<400x1x32xf32, #tpu.memory_space<hbm>> -> memref<400x32xf32, #tpu.memory_space<hbm>>
      %dma_start3A_410 = arith.constant 0 : i32
      %dma_start3A_411 = tpu.memref_slice %arg10[%mul3A_405, %dma_start3A_406, %dma_start3A_410] : memref<204800x3x32xf32, #tpu.memory_space<hbm>> -> memref<400x1x32xf32, #tpu.memory_space<hbm>>
      %dma_start3A_412 = tpu.memref_squeeze %dma_start3A_411 : memref<400x1x32xf32, #tpu.memory_space<hbm>> -> memref<400x32xf32, #tpu.memory_space<hbm>>
      tpu.enqueue_dma source(%arg22 : memref<400x32xf32, #tpu.memory_space<vmem>>) target(%dma_start3A_412 : memref<400x32xf32, #tpu.memory_space<hbm>>) target_semaphore(%arg29 : memref<!tpu.dma_semaphore, #tpu.memory_space<semaphore_mem>>)
    }
    %scan3A_78 = arith.constant 8 : i32
    %dma_wait3A = arith.constant 0 : i32
    %dma_wait3A_79 = arith.constant 0 : i32
    %dma_wait3A_80 = arith.constant 0 : i32
    %dma_wait3A_81 = tpu.memref_slice %arg10[%dma_wait3A_79, %dma_wait3A, %dma_wait3A_80] : memref<204800x3x32xf32, #tpu.memory_space<hbm>> -> memref<400x1x32xf32, #tpu.memory_space<hbm>>
    %dma_wait3A_82 = tpu.memref_squeeze %dma_wait3A_81 : memref<400x1x32xf32, #tpu.memory_space<hbm>> -> memref<400x32xf32, #tpu.memory_space<hbm>>
    %dma_wait3A_83 = arith.constant 0 : i32
    %dma_wait3A_84 = arith.constant 0 : i32
    %dma_wait3A_85 = tpu.memref_slice %arg10[%dma_wait3A_83, %dma_wait3A, %dma_wait3A_84] : memref<204800x3x32xf32, #tpu.memory_space<hbm>> -> memref<400x1x32xf32, #tpu.memory_space<hbm>>
    %dma_wait3A_86 = tpu.memref_squeeze %dma_wait3A_85 : memref<400x1x32xf32, #tpu.memory_space<hbm>> -> memref<400x32xf32, #tpu.memory_space<hbm>>
    tpu.wait_dma2 semaphore(%arg28 : memref<!tpu.dma_semaphore, #tpu.memory_space<semaphore_mem>>) src(%arg19 : memref<400x32xf32, #tpu.memory_space<vmem>>) dst(%dma_wait3A_86 : memref<400x32xf32, #tpu.memory_space<hbm>>)
    %dma_wait3A_87 = arith.constant 1 : i32
    %dma_wait3A_88 = arith.constant 0 : i32
    %dma_wait3A_89 = arith.constant 0 : i32
    %dma_wait3A_90 = tpu.memref_slice %arg10[%dma_wait3A_88, %dma_wait3A_87, %dma_wait3A_89] : memref<204800x3x32xf32, #tpu.memory_space<hbm>> -> memref<400x1x32xf32, #tpu.memory_space<hbm>>
    %dma_wait3A_91 = tpu.memref_squeeze %dma_wait3A_90 : memref<400x1x32xf32, #tpu.memory_space<hbm>> -> memref<400x32xf32, #tpu.memory_space<hbm>>
    %dma_wait3A_92 = arith.constant 0 : i32
    %dma_wait3A_93 = arith.constant 0 : i32
    %dma_wait3A_94 = tpu.memref_slice %arg10[%dma_wait3A_92, %dma_wait3A_87, %dma_wait3A_93] : memref<204800x3x32xf32, #tpu.memory_space<hbm>> -> memref<400x1x32xf32, #tpu.memory_space<hbm>>
    %dma_wait3A_95 = tpu.memref_squeeze %dma_wait3A_94 : memref<400x1x32xf32, #tpu.memory_space<hbm>> -> memref<400x32xf32, #tpu.memory_space<hbm>>
    tpu.wait_dma2 semaphore(%arg28 : memref<!tpu.dma_semaphore, #tpu.memory_space<semaphore_mem>>) src(%arg17 : memref<400x32xf32, #tpu.memory_space<vmem>>) dst(%dma_wait3A_95 : memref<400x32xf32, #tpu.memory_space<hbm>>)
    %dma_wait3A_96 = arith.constant 2 : i32
    %dma_wait3A_97 = arith.constant 0 : i32
    %dma_wait3A_98 = arith.constant 0 : i32
    %dma_wait3A_99 = tpu.memref_slice %arg10[%dma_wait3A_97, %dma_wait3A_96, %dma_wait3A_98] : memref<204800x3x32xf32, #tpu.memory_space<hbm>> -> memref<400x1x32xf32, #tpu.memory_space<hbm>>
    %dma_wait3A_100 = tpu.memref_squeeze %dma_wait3A_99 : memref<400x1x32xf32, #tpu.memory_space<hbm>> -> memref<400x32xf32, #tpu.memory_space<hbm>>
    %dma_wait3A_101 = arith.constant 0 : i32
    %dma_wait3A_102 = arith.constant 0 : i32
    %dma_wait3A_103 = tpu.memref_slice %arg10[%dma_wait3A_101, %dma_wait3A_96, %dma_wait3A_102] : memref<204800x3x32xf32, #tpu.memory_space<hbm>> -> memref<400x1x32xf32, #tpu.memory_space<hbm>>
    %dma_wait3A_104 = tpu.memref_squeeze %dma_wait3A_103 : memref<400x1x32xf32, #tpu.memory_space<hbm>> -> memref<400x32xf32, #tpu.memory_space<hbm>>
    tpu.wait_dma2 semaphore(%arg28 : memref<!tpu.dma_semaphore, #tpu.memory_space<semaphore_mem>>) src(%arg21 : memref<400x32xf32, #tpu.memory_space<vmem>>) dst(%dma_wait3A_104 : memref<400x32xf32, #tpu.memory_space<hbm>>)
    %dma_wait3A_105 = arith.constant 0 : i32
    %dma_wait3A_106 = arith.constant 0 : i32
    %dma_wait3A_107 = arith.constant 0 : i32
    %dma_wait3A_108 = tpu.memref_slice %arg10[%dma_wait3A_106, %dma_wait3A_105, %dma_wait3A_107] : memref<204800x3x32xf32, #tpu.memory_space<hbm>> -> memref<400x1x32xf32, #tpu.memory_space<hbm>>
    %dma_wait3A_109 = tpu.memref_squeeze %dma_wait3A_108 : memref<400x1x32xf32, #tpu.memory_space<hbm>> -> memref<400x32xf32, #tpu.memory_space<hbm>>
    %dma_wait3A_110 = arith.constant 0 : i32
    %dma_wait3A_111 = arith.constant 0 : i32
    %dma_wait3A_112 = tpu.memref_slice %arg10[%dma_wait3A_110, %dma_wait3A_105, %dma_wait3A_111] : memref<204800x3x32xf32, #tpu.memory_space<hbm>> -> memref<400x1x32xf32, #tpu.memory_space<hbm>>
    %dma_wait3A_113 = tpu.memref_squeeze %dma_wait3A_112 : memref<400x1x32xf32, #tpu.memory_space<hbm>> -> memref<400x32xf32, #tpu.memory_space<hbm>>
    tpu.wait_dma2 semaphore(%arg29 : memref<!tpu.dma_semaphore, #tpu.memory_space<semaphore_mem>>) src(%arg20 : memref<400x32xf32, #tpu.memory_space<vmem>>) dst(%dma_wait3A_113 : memref<400x32xf32, #tpu.memory_space<hbm>>)
    %dma_wait3A_114 = arith.constant 1 : i32
    %dma_wait3A_115 = arith.constant 0 : i32
    %dma_wait3A_116 = arith.constant 0 : i32
    %dma_wait3A_117 = tpu.memref_slice %arg10[%dma_wait3A_115, %dma_wait3A_114, %dma_wait3A_116] : memref<204800x3x32xf32, #tpu.memory_space<hbm>> -> memref<400x1x32xf32, #tpu.memory_space<hbm>>
    %dma_wait3A_118 = tpu.memref_squeeze %dma_wait3A_117 : memref<400x1x32xf32, #tpu.memory_space<hbm>> -> memref<400x32xf32, #tpu.memory_space<hbm>>
    %dma_wait3A_119 = arith.constant 0 : i32
    %dma_wait3A_120 = arith.constant 0 : i32
    %dma_wait3A_121 = tpu.memref_slice %arg10[%dma_wait3A_119, %dma_wait3A_114, %dma_wait3A_120] : memref<204800x3x32xf32, #tpu.memory_space<hbm>> -> memref<400x1x32xf32, #tpu.memory_space<hbm>>
    %dma_wait3A_122 = tpu.memref_squeeze %dma_wait3A_121 : memref<400x1x32xf32, #tpu.memory_space<hbm>> -> memref<400x32xf32, #tpu.memory_space<hbm>>
    tpu.wait_dma2 semaphore(%arg29 : memref<!tpu.dma_semaphore, #tpu.memory_space<semaphore_mem>>) src(%arg18 : memref<400x32xf32, #tpu.memory_space<vmem>>) dst(%dma_wait3A_122 : memref<400x32xf32, #tpu.memory_space<hbm>>)
    %dma_wait3A_123 = arith.constant 2 : i32
    %dma_wait3A_124 = arith.constant 0 : i32
    %dma_wait3A_125 = arith.constant 0 : i32
    %dma_wait3A_126 = tpu.memref_slice %arg10[%dma_wait3A_124, %dma_wait3A_123, %dma_wait3A_125] : memref<204800x3x32xf32, #tpu.memory_space<hbm>> -> memref<400x1x32xf32, #tpu.memory_space<hbm>>
    %dma_wait3A_127 = tpu.memref_squeeze %dma_wait3A_126 : memref<400x1x32xf32, #tpu.memory_space<hbm>> -> memref<400x32xf32, #tpu.memory_space<hbm>>
    %dma_wait3A_128 = arith.constant 0 : i32
    %dma_wait3A_129 = arith.constant 0 : i32
    %dma_wait3A_130 = tpu.memref_slice %arg10[%dma_wait3A_128, %dma_wait3A_123, %dma_wait3A_129] : memref<204800x3x32xf32, #tpu.memory_space<hbm>> -> memref<400x1x32xf32, #tpu.memory_space<hbm>>
    %dma_wait3A_131 = tpu.memref_squeeze %dma_wait3A_130 : memref<400x1x32xf32, #tpu.memory_space<hbm>> -> memref<400x32xf32, #tpu.memory_space<hbm>>
    tpu.wait_dma2 semaphore(%arg29 : memref<!tpu.dma_semaphore, #tpu.memory_space<semaphore_mem>>) src(%arg22 : memref<400x32xf32, #tpu.memory_space<vmem>>) dst(%dma_wait3A_131 : memref<400x32xf32, #tpu.memory_space<hbm>>)
    return
  }
}

</mosaic_0001>

<sc_bundles>
// kernel: _encode.3.cloned.1.call-start
scs
__scs_entry_jumppad:
0x0: {  	(pc) =	sbr.rel $0x88, $3  }
0x1: {  	(tag) =	ssettag $0x0;
	lr =	simm.s32 $0x1  }
0x2: {  	[smem:$0x3F99] =	sst lr;
	_ =	strace $0xD0000000  }
0x3: {  	_ = 	snop  }
0x4: {  	_ = 	snop  }
0x5: {  	_ = 	snop  }
0x6: {  	_ = 	snop  }
0x7: {  	_ = 	snop  }
__scs_overlays_trampoline_lowered:
0x8: {  	[smem:$0x3FA8] =	sst s0  }
0x9: {  	[smem:$0x3FA9] =	sst s1  }
0xa: {  	[smem:$0x3FAA] =	sst s2  }
0xb: {  	[smem:$0x3FAB] =	sst s3  }
0xc: {  	[smem:$0x3FAC] =	sst s4  }
0xd: {  	[smem:$0x3FAD] =	sst s5  }
0xe: {  	[smem:$0x3FAE] =	sst s6  }
0xf: {  	[smem:$0x3FAF] =	sst s7  }
0x10: {  	[smem:$0x3FB0] =	sst s8  }
0x11: {  	[smem:$0x3FB1] =	sst s9;
	s0 =	simm.s32 @!p0 $0x0  }
0x12: {  	s1 =	sld [smem:$0x3F97];
	s0 =	simm.s32 @p0 $0x1  }
0x13: {  	[smem:$0x3FB2] =	sst s0;
	s0 =	simm.s32 @!p1 $0x0  }
0x14: {  	s2 =	sld [smem:$0x3F96];
	s0 =	simm.s32 @p1 $0x1  }
0x15: {  	[smem:$0x3FB3] =	sst s0;
	s0 =	simm.s32 @!p2 $0x0  }
0x16: {  	s3 =	sld [smem:$0x3FDB];
	s0 =	simm.s32 @p2 $0x1  }
0x17: {  	s4 =	simm.s32 $0x1BF5;
	[smem:$0x3FB5] =	sst s0  }
0x18: {  	s0 =	sld [smem:$0x3F98];
	_ =	swait.ge [sflag:s4], $0x0  }
0x19: {  	s7 =	sld [smem:$0x3F99]  }
0x1a: {  	s8 =	sadd.s32 $0xFFFFE003, lr  }
0x1b: {  	s9 =	sadd.s32 $0xFFFFFEF7, lr;
	s5 =	simm.s32 $0xFFFFFFFF;
	p2 =	slt.u32 s8, $0xFFFFF086  }
0x1c: {  	p1 =	slt.u32 s9, $0xF7A;
	s5 =	simm.s32 @!p2 $0x0  }
0x1d: {  	s5 =	simm.s32 @p1 $0x1;
	p0 =	seq.s32 s7, s2  }
0x1e: {  	s7 =	smul.u32 @!p0 $0xF7A, s2;
	p2 =	seq.s32 @!p0 s5, $0x0  }
0x1f: {  	s9 =	smul.u32 $0xF7A, s1;
	s8 =	simm.s32 @!p0 $0x1BF5;
	p2 =	por !p2, p0  }
0x20: {  	[sflag:s8] =	ssyncset.s32 @!p0 $0xFFFFF086;
	s6 =	sadd.s32 @!p0 s3, s7;
	s7 =	simm.s32 @!p0 $0x108  }
0x21: {  	s3 =	sadd.s32 s3, s9;
	s6 =	sadd.s32 @!p0 $0x88, s6;
	s7 =	simm.s32 @p2 $0x1082  }
0x22: {  	[simem:s7], [sflag:s8] =	dma.local @!p0 [hbm:s6], $0xF7A  }
0x23: {  	s9 =	sor.u32 $0xD0000000, s2;
	s6 =	simm.s32 $0x108;
	_ =	swait.ge @!p0 [sflag:s8], $0x0  }
0x24: {  	s3 =	sadd.s32 $0x88, s3;
	s6 =	simm.s32 @!p1 $0x1082;
	[sflag:s4] =	ssyncset.s32 $0xFFFFF086  }
0x25: {  	[simem:s6], [sflag:s4] =	dma.local [hbm:s3], $0xF7A  }
0x26: {  	[smem:$0x3F99] =	sst s1;
	(tag) =	ssettag s2;
	_ =	strace s9  }
0x27: {  	s1 =	sld [smem:$0x3FA9]  }
0x28: {  	s2 =	sld [smem:$0x3FAA]  }
0x29: {  	s4 =	sld [smem:$0x3FAC]  }
0x2a: {  	p0 =	seq.s32 s5, $0x0;
	s5 =	sld [smem:$0x3FAD]  }
0x2b: {  	s6 =	sld [smem:$0x3FAE]  }
0x2c: {  	s7 =	sld [smem:$0x3FAF]  }
0x2d: {  	s3 =	simm.s32 $0x108;
	s8 =	sld [smem:$0x3FB0]  }
0x2e: {  	s3 =	simm.s32 @!p0 $0x1082;
	s9 =	sld [smem:$0x3FB1]  }
0x2f: {  	lr =	sadd.s32 s0, s3;
	s0 =	sld [smem:$0x3FA8]  }
0x30: {  	s3 =	sld [smem:$0x3FAB]  }
0x31: {  	[smem:$0x3FB4] =	sst s10  }
0x32: {  	s10 =	sld [smem:$0x3FB2];
	_ =	sdelay $0x3  }
0x33: {  	p0 =	seq.s32 s10, $0x1;
	s10 =	sld [smem:$0x3FB4];
	_ =	sdelay $0x3  }
0x34: {  	[smem:$0x3FB4] =	sst s10  }
0x35: {  	s10 =	sld [smem:$0x3FB3];
	_ =	sdelay $0x3  }
0x36: {  	p1 =	seq.s32 s10, $0x1;
	s10 =	sld [smem:$0x3FB4];
	_ =	sdelay $0x3  }
0x37: {  	[smem:$0x3FB4] =	sst s10  }
0x38: {  	s10 =	sld [smem:$0x3FB5]  }
0x39: {  	_ = 	snop;
	(pc) =	sbr.ind lr, $3  }
0x3a: {  	_ = 	snop  }
0x3b: {  	_ = 	snop  }
0x3c: {  	p2 =	seq.s32 s10, $0x1;
	s10 =	sld [smem:$0x3FB4]  }
0x3d: {  	_ =	shalt  }
0x3e: {  	_ =	shalt  }
0x3f: {  	_ =	shalt  }
0x40: {  	_ =	shalt  }
0x41: {  	_ =	shalt  }
0x42: {  	_ =	shalt  }
0x43: {  	_ =	shalt  }
0x44: {  	_ =	shalt  }
0x45: {  	_ =	shalt  }
0x46: {  	_ =	shalt  }
0x47: {  	_ =	shalt  }
0x48: {  	_ =	shalt  }
0x49: {  	_ =	shalt  }
0x4a: {  	_ =	shalt  }
0x4b: {  	_ =	shalt  }
0x4c: {  	_ =	shalt  }
0x4d: {  	_ =	shalt  }
0x4e: {  	_ =	shalt  }
0x4f: {  	_ =	shalt  }
0x50: {  	_ =	shalt  }
0x51: {  	_ =	shalt  }
0x52: {  	_ =	shalt  }
0x53: {  	_ =	shalt  }
0x54: {  	_ =	shalt  }
0x55: {  	_ =	shalt  }
0x56: {  	_ =	shalt  }
0x57: {  	_ =	shalt  }
0x58: {  	_ =	shalt  }
0x59: {  	_ =	shalt  }
0x5a: {  	_ =	shalt  }
0x5b: {  	_ =	shalt  }
0x5c: {  	_ =	shalt  }
0x5d: {  	_ =	shalt  }
0x5e: {  	_ =	shalt  }
0x5f: {  	_ =	shalt  }
0x60: {  	_ =	shalt  }
0x61: {  	_ =	shalt  }
0x62: {  	_ =	shalt  }
0x63: {  	_ =	shalt  }
0x64: {  	_ =	shalt  }
0x65: {  	_ =	shalt  }
0x66: {  	_ =	shalt  }
0x67: {  	_ =	shalt  }
0x68: {  	_ =	shalt  }
0x69: {  	_ =	shalt  }
0x6a: {  	_ =	shalt  }
0x6b: {  	_ =	shalt  }
0x6c: {  	_ =	shalt  }
0x6d: {  	_ =	shalt  }
0x6e: {  	_ =	shalt  }
0x6f: {  	_ =	shalt  }
0x70: {  	_ =	shalt  }
0x71: {  	_ =	shalt  }
0x72: {  	_ =	shalt  }
0x73: {  	_ =	shalt  }
0x74: {  	_ =	shalt  }
0x75: {  	_ =	shalt  }
0x76: {  	_ =	shalt  }
0x77: {  	_ =	shalt  }
0x78: {  	_ =	shalt  }
0x79: {  	_ =	shalt  }
0x7a: {  	_ =	shalt  }
0x7b: {  	_ =	shalt  }
0x7c: {  	_ =	shalt  }
0x7d: {  	_ =	shalt  }
0x7e: {  	_ =	shalt  }
0x7f: {  	_ =	shalt  }
0x80: {  	_ =	shalt  }
0x81: {  	_ =	shalt  }
0x82: {  	_ =	shalt  }
0x83: {  	_ =	shalt  }
0x84: {  	_ =	shalt  }
0x85: {  	_ =	shalt  }
0x86: {  	_ =	shalt  }
0x87: {  	_ =	shalt  }
.Lfunc_end0:
.L_simem_size_0:
called_computation.1_lowered:
.L_overlay_start_0:
0x88: {  	s2 =	sld [smem:$0x3FD9]  }
0x89: {  	s3 =	sld [smem:$0x3FFE];
	_ =	sdelay $0x1  }
0x8a: {  	s1 =	srdreg.scid  }
0x8b: {  	s0 =	sand.u32 $0x1, s1  }
0x8c: {  	s17 =	sshll.u32 s0, $0xA;
	s2 =	sadd.s32 s3, s2  }
0x8d: {  	s2 =	sadd.s32 s2, s17  }
0x8e: {  	[smem:$0x3FC0] =	sst s2  }
0x8f: {  	_ = 	snop  }
0x90: {  	s2 =	sld [smem:$0x3FC9]  }
0x91: {  	s18 =	sld [smem:$0x3FC7]  }
0x92: {  	s4 =	sld [smem:$0x3FC6]  }
0x93: {  	s5 =	sld [smem:$0x3FC5]  }
0x94: {  	s6 =	sld [smem:$0x3FC3]  }
0x95: {  	s7 =	sld [smem:$0x3FC2]  }
0x96: {  	s8 =	sld [smem:$0x3FD0];
	(tm) =	ssettm $0x1  }
0x97: {  	s9 =	sld [smem:$0x3FFB];
	_ =	sdelay $0x3  }
0x98: {  	_ =	strace s9  }
0x99: {  	s9 =	sld [smem:$0x3FFC];
	_ =	sdelay $0x3  }
0x9a: {  	_ =	strace s9  }
0x9b: {  	s9 =	sld [smem:$0x3FFD];
	_ =	sdelay $0x3  }
0x9c: {  	_ =	strace s9  }
0x9d: {  	_ =	strace $0x8FFFFFFF  }
0x9e: {  	s19 =	sld [smem:$0x3FDB];
	_ =	sdelay $0x1  }
0x9f: {  	s10 =	simm.s32 $_scs_section_size  }
0xa0: {  	s11 =	simm.s32 $_size__tile_overlayer_lowered;
	s12 =	simm.s32 $_tile_overlayer_lowered  }
0xa1: {  	s22 =	simm.s32 $0x1BFF;
	s21 =	sshll.u32 s12, $0x1;
	s9 =	sadd.s32 s10, s19  }
0xa2: {  	s13 =	simm.s32 $0x0;
	s20 =	sshll.u32 s11, $0x1;
	s11 =	sadd.s32 s21, s9  }
0xa3: {  	[timem:s13], [sflag:s22] =	dma.local [hbm:s11], s20  }
0xa4: {  	_ =	swait.ge [sflag:s22], s20  }
0xa5: {  	s10 =	ssub.s32 $0x0, s20;
	[sflag:s22] =	ssyncset.done $0x0  }
0xa6: {  	[sflag:s22] =	ssyncadd.s32 s10;
	_ =	sdelay $0x1  }
0xa7: {  	s23 =	simm.s32 $0x1B8B  }
0xa8: {  	_ =	swait.ge [sflag:s23], $0x1  }
0xa9: {  	[sflag:s23] =	ssyncset.done $0x0  }
0xaa: {  	s25 =	simm.s32 $0x1B8E;
	s24 =	sld [smem:$0x3FFE];
	[sflag:s23] =	ssyncadd.s32 $0xFFFFFFFF  }
0xab: {  	s26 =	simm.s32 $execute0_lowered;
	[smem:$0x3FD2] =	sst s25  }
0xac: {  	s11 =	sshll.u32 s26, $0x1;
	_ =	strace $0x80000046;
	[dreg:$0x1] =	wrdreg $0xFFFFFFFF  }
0xad: {  	s28 =	simm.s32 $_size_execute0_lowered;
	s9 =	sadd.s32 s9, s11;
	[dreg:$0x0] =	wrdreg $0x0  }
0xae: {  	s11 =	sshll.u32 s28, $0x1;
	[dreg:$0x2] =	wrdreg s9  }
0xaf: {  	[dreg:$0x3] =	wrdreg s11  }
0xb0: {  	[dreg:$0x4] =	wrdreg $0xC0  }
0xb1: {  	_ =	task [dreg:s13], $0x5FFFF  }
0xb2: {  	[dreg:$0x1] =	wrdreg $0xFFFFFFFF  }
0xb3: {  	[dreg:$0x0] =	wrdreg $0x60  }
0xb4: {  	[dreg:$0x2] =	wrdreg s2  }
0xb5: {  	[dreg:$0x3] =	wrdreg s24  }
0xb6: {  	[dreg:$0x4] =	wrdreg s18  }
0xb7: {  	[dreg:$0x5] =	wrdreg s4  }
0xb8: {  	[dreg:$0x6] =	wrdreg s5  }
0xb9: {  	[dreg:$0x7] =	wrdreg s6  }
0xba: {  	[dreg:$0x8] =	wrdreg s7  }
0xbb: {  	[dreg:$0x9] =	wrdreg s8  }
0xbc: {  	[dreg:$0xa] =	wrdreg $0x9  }
0xbd: {  	_ =	task.clear_ibuf [dreg:s13], $0xBFFFF;
	_ =	strace $0x90000046  }
0xbe: {  	s29 =	simm.s32 $0x9;
	_ =	strace $0x80000048  }
0xbf: {  	_ =	swait.ge [sflag:s29], $0x1  }
0xc0: {  	[sflag:s29] =	ssyncadd.s32 $0xFFFFFFFF  }
0xc1: {  	_ =	strace $0x90000048  }
0xc2: {  	_ =	sfence  }
0xc3: {  	s30 =	sld [smem:$0x0];
	_ =	sdelay $0x2  }
0xc4: {  	s31 =	sshll.u32 s1, $0xD;
	s1 =	sshrl.u32 s1, $0x2  }
0xc5: {  	s3 =	sand.u32 $0x4000, s31;
	s1 =	sadd.s32 s1, s30  }
0xc6: {  	s0 =	sor.u32 s3, s0;
	s1 =	sshll.u32 s1, $0x11  }
0xc7: {  	s0 =	sor.u32 s1, s0  }
0xc8: {  	s0 =	sadd.s32 $0x8F2B, s0  }
0xc9: {  	[sflag:s0] =	ssyncadd.remote.s32 $0x1  }
0xca: {  	_ =	sfence.sel $0xFFFF  }
0xcb: {  	[dreg:$0x0] =	wrdreg $0xFFFFFFFF;
	(pc) =	sbr.abs _section_cstart, $3  }
0xcc: {  	[dreg:$0x1] =	wrdreg $0xFFFFFFFF  }
0xcd: {  	_ =	task.clear_ibuf [dreg:s13], $0x2FFFF;
	_ =	strace $0x9FFFFFFF  }
0xce: {  	(tm) =	ssettm $0x7FFFFFFF  }
0xcf: {  	_ =	shalt  }
tec
execute0_lowered:
.L_overlay_start_1:
0x0: {  	(tag) =	ssettag $0x1  }
0x1: {  	s0 =	rddreg [dreg:$0x0]  }
0x2: {  	s2 =	rddreg [dreg:$0x1]  }
0x3: {  	s1 =	rddreg [dreg:$0x2];
	s3 =	srdreg.scid  }
0x4: {  	s4 =	stileid.u32;
	s8 =	rddreg [dreg:$0x7];
	s5 =	simm.s32 $0x0  }
0x5: {  	s30 =	simm.s32 $0x1A0;
	s28 =	simm.s32 $0x3;
	s29 =	simm.s32 $0x20  }
0x6: {  	s31 =	simm.s32 $0x60;
	s14 =	simm.s32 $0x2;
	s15 =	simm.s32 $0x3B80  }
0x7: {  	s9 =	simm.s32 $0x2D8;
	s16 =	simm.s32 $0x0;
	s3 =	sand.u32 $0x1, s3  }
0x8: {  	s4 =	sshll.u32 s4, $0x1;
	[smem:$0x7FF] =	sst s5;
	s11 =	sadd.s32 $0xA00, s2  }
0x9: {  	s12 =	sadd.s32 $0xF60A00, s2;
	s5 =	simm.s32 $0x9F80;
	s4 =	sor.u32 s3, s4  }
0xa: {  	_ =	strace $0x80000047;
	s3 =	ssub.s32 $0x2, s3;
	s19 =	smul.u32 $0x340, s4  }
0xb: {  	s10 =	sshll.u32 s4, $0x4;
	s4 =	smul.u32 $0x320, s4;
	s20 =	sshrl.u32 s3, $0x1  }
0xc: {  	s6 =	sor.u32 $0x1, s10;
	s2 =	ssub.s32 s3, s20;
	s20 =	sadd.s32 $0x8, s8  }
0xd: {  	s3 =	simm.s32 $0x1;
	s7 =	smul.u32 $0x34, s6;
	s21 =	sadd.s32 s11, s19  }
0xe: {  	s6 =	smul.u32 $0x32, s6;
	s22 =	sadd.s32 s0, s4;
	[dreg:$0x9] =	wrdreg s21  }
0xf: {  	v0 =	vimm.s32 $0x0;
	s23 =	sadd.s32 s1, s4;
	s19 =	sadd.s32 $0x4, s8;
	[dreg:$0xa] =	wrdreg s22  }
0x10: {  	v1 =	vimm.s32 $0x1;
	v2 =	vimm.s32 $0x2;
	v3 =	vimm.s32 $0x3;
	s2 =	smax.u32 s2, $0x1;
	s4 =	simm.s32 $0x980;
	[dreg:$0xb] =	wrdreg s23  }
0x11: {  	v4 =	vimm.s32 $0x4;
	v5 =	vimm.s32 $0x5;
	v6 =	vimm.s32 $0x6;
	s8 =	simm.s32 $0x4;
	[dreg:$0xf] =	wrdreg s2;
	s24 =	sadd.s32 s11, s7  }
0x12: {  	v7 =	vimm.s32 $0x7;
	v8 =	vimm.s32 $0x8;
	v9 =	vimm.s32 $0x9;
	s2 =	simm.s32 $0x64;
	s25 =	sadd.s32 s0, s6;
	[dreg:$0xc] =	wrdreg s24  }
0x13: {  	v10 =	vimm.s32 $0xA;
	v11 =	vimm.s32 $0xB;
	v12 =	vimm.s32 $0xC;
	s21 =	simm.s32 $0x5480;
	s26 =	sadd.s32 s1, s6;
	[dreg:$0xd] =	wrdreg s25  }
0x14: {  	v13 =	vimm.s32 $0xD;
	v14 =	vimm.s32 $0xE;
	v15 =	vimm.s32 $0xF;
	s23 =	simm.s32 $0x6100;
	s7 =	simm.s32 $0x10380;
	[dreg:$0xe] =	wrdreg s26  }
.LBB2_1:
0x15: {  	[dreg:$0x10] =	wrdreg s16  }
0x16: {  	s6 =	rddreg [dreg:$0x3]  }
0x17: {  	s13 =	simm.s32 $0x0;
	s22 =	simm.s32 $0x13580;
	s16 =	simm.s32 $0x7  }
0x18: {  	[tilespmem:s22], [sflag:$0x7] =	stream.linear.gather [hbm4b:s6+s13], $0x20, $0x38;
	[tilespmem:$0x13600] =	vst v63  }
0x19: {  	_ =	swait.ge [sflag:s16], $0x20  }
0x1a: {  	[sflag:s16] =	ssyncset.done $0x0  }
0x1b: {  	[sflag:s16] =	ssyncadd.s32 $0xFFFFFFE0  }
0x1c: {  	s17 =	simm.s32 $0x135A0;
	s24 =	rddreg [dreg:$0x4]  }
0x1d: {  	[tilespmem:s17], [sflag:$0x7] =	stream.linear.gather [hbm4b:s24+s13], $0x20, $0x38;
	[tilespmem:$0x13600] =	vst v63  }
0x1e: {  	_ =	swait.ge [sflag:s16], $0x20  }
0x1f: {  	[sflag:s16] =	ssyncset.done $0x0  }
0x20: {  	[sflag:s16] =	ssyncadd.s32 $0xFFFFFFE0  }
0x21: {  	s26 =	simm.s32 $0x135C0;
	s25 =	rddreg [dreg:$0x5]  }
0x22: {  	[tilespmem:s26], [sflag:$0x7] =	stream.linear.gather [hbm4b:s25+s13], $0x20, $0x38;
	[tilespmem:$0x13600] =	vst v63  }
0x23: {  	_ =	swait.ge [sflag:s16], $0x20  }
0x24: {  	[sflag:s16] =	ssyncset.done $0x0  }
0x25: {  	[sflag:s16] =	ssyncadd.s32 $0xFFFFFFE0  }
0x26: {  	s22 =	simm.s32 $0x135E0;
	s18 =	rddreg [dreg:$0x6]  }
0x27: {  	[tilespmem:s22], [sflag:$0x7] =	stream.linear.gather [hbm4b:s18+s13], $0x20, $0x38;
	[tilespmem:$0x13600] =	vst v63  }
0x28: {  	_ =	swait.ge [sflag:s16], $0x20  }
0x29: {  	[sflag:s16] =	ssyncset.done $0x0  }
0x2a: {  	[sflag:s16] =	ssyncadd.s32 $0xFFFFFFE0  }
0x2b: {  	v16 =	vld [tilespmem:$0x13580]  }
0x2c: {  	v17 =	vld [tilespmem:$0x13590]  }
0x2d: {  	v18 =	vld [tilespmem:$0x135A0]  }
0x2e: {  	v19 =	vld [tilespmem:$0x135B0]  }
0x2f: {  	v20 =	vld [tilespmem:$0x135C0]  }
0x30: {  	v21 =	vld [tilespmem:$0x135D0]  }
0x31: {  	s24 =	rddreg [dreg:$0x9];
	v22 =	vld [tilespmem:$0x135E0]  }
0x32: {  	v23 =	vld [tilespmem:$0x135F0];
	[tilespmem:s13], [sflag:$0x1] =	stream.linear.gather [hbm4b:s24+s13], $0x1A0, $0x38  }
0x33: {  	s26 =	simm.s32 $0x340;
	s25 =	rddreg [dreg:$0xa]  }
0x34: {  	[tilespmem:s26], [sflag:$0x1] =	stream.linear.gather [hbm4b:s25+s13], $0x190, $0x38;
	[tilespmem:$0x13600] =	vst v63  }
0x35: {  	s17 =	simm.s32 $0x660;
	s16 =	rddreg [dreg:$0xb]  }
0x36: {  	[tilespmem:s17], [sflag:$0x1] =	stream.linear.gather [hbm4b:s16+s13], $0x190, $0x38;
	[tilespmem:$0x13600] =	vst v63  }
0x37: {  	s18 =	rddreg [dreg:$0xc]  }
0x38: {  	[tilespmem:s30], [sflag:$0x2] =	stream.linear.gather [hbm4b:s18+s13], $0x1A0, $0x38;
	[tilespmem:$0x13600] =	vst v63  }
0x39: {  	s22 =	rddreg [dreg:$0xd];
	s24 =	simm.s32 $0x4D0  }
0x3a: {  	[tilespmem:s24], [sflag:$0x2] =	stream.linear.gather [hbm4b:s22+s13], $0x190, $0x38;
	[tilespmem:$0x13600] =	vst v63  }
0x3b: {  	s25 =	rddreg [dreg:$0xe];
	s26 =	simm.s32 $0x7F0;
	s22 =	simm.s32 $0x0  }
0x3c: {  	[tilespmem:s26], [sflag:$0x2] =	stream.linear.gather [hbm4b:s25+s13], $0x190, $0x38;
	[tilespmem:$0x13600] =	vst v63  }
.LBB2_2:
0x3d: {  	p1 =	seq.s32 s22, $0x0  }
0x3e: {  	s6 =	simm.s32 @!p1 $0x5  }
0x3f: {  	_ =	swait.ge @!p1 [sflag:s6], $0x3200  }
0x40: {  	[sflag:s6] =	ssyncset.done @!p1 $0x0  }
0x41: {  	[sflag:s6] =	ssyncadd.s32 @!p1 $0xFFFFCE00  }
0x42: {  	_ =	swait.ge @!p1 [sflag:s6], $0x3200  }
0x43: {  	[sflag:s6] =	ssyncset.done @!p1 $0x0  }
0x44: {  	[sflag:s6] =	ssyncadd.s32 @!p1 $0xFFFFCE00  }
0x45: {  	_ =	swait.ge @!p1 [sflag:s6], $0x3200  }
0x46: {  	[sflag:s6] =	ssyncset.done @!p1 $0x0  }
0x47: {  	[sflag:s6] =	ssyncadd.s32 @!p1 $0xFFFFCE00  }
0x48: {  	_ =	swait.ge [sflag:s3], $0x1A0  }
0x49: {  	[sflag:s3] =	ssyncset.done $0x0  }
0x4a: {  	[sflag:s3] =	ssyncadd.s32 $0xFFFFFE60  }
0x4b: {  	_ =	swait.ge [sflag:s3], $0x190  }
0x4c: {  	[sflag:s3] =	ssyncset.done $0x0  }
0x4d: {  	[sflag:s3] =	ssyncadd.s32 $0xFFFFFE70  }
0x4e: {  	_ =	swait.ge [sflag:s3], $0x190  }
0x4f: {  	[sflag:s3] =	ssyncset.done $0x0  }
0x50: {  	s25 =	simm.s32 $0x0;
	[sflag:s3] =	ssyncadd.s32 $0xFFFFFE70  }
0x51: {  	[tilespmem:s4], [sflag:$0x3] =	stream.indirect.gather [hbm4b:s12+s2], $0x20, s25, s2, $0xb8;
	[tilespmem:$0x13600] =	vst v63  }
0x52: {  	s26 =	simm.s32 $0x68;
	s13 =	simm.s32 $0x1600  }
0x53: {  	[tilespmem:s13], [sflag:$0x3] =	stream.indirect.gather [hbm4b:s12+s2], $0x20, s26, s2, $0xb8;
	[tilespmem:$0x13600] =	vst v63  }
0x54: {  	s16 =	simm.s32 $0xD0;
	s17 =	simm.s32 $0x2280  }
0x55: {  	[tilespmem:s17], [sflag:$0x3] =	stream.indirect.gather [hbm4b:s12+s2], $0x20, s16, s2, $0xb8;
	[tilespmem:$0x13600] =	vst v63  }
0x56: {  	s18 =	simm.s32 $0x138;
	s24 =	simm.s32 $0x2F00;
	s25 =	simm.s32 $0x0  }
0x57: {  	[tilespmem:s24], [sflag:$0x3] =	stream.indirect.gather [hbm4b:s12+s2], $0x20, s18, s2, $0xb8;
	[tilespmem:$0x13600] =	vst v63  }
0x58: {  	v25 =	vld [tilespmem:s25+$0x340];
	_ =	sdelay $0x1  }
0x59: {  	v24 =	vld [tilespmem:s25+$0x660];
	_ =	sdelay $0x2  }
0x5a: {  	v26 =	vperm.xlane v25, v0  }
0x5b: {  	v27 =	vperm.xlane v25, v4  }
0x5c: {  	v28 =	vperm.xlane v24, v0;
	v29 =	vmul.f32 v26, v16  }
0x5d: {  	v30 =	vperm.xlane v25, v1;
	v26 =	vmul.f32 v26, v17  }
0x5e: {  	v34 =	vperm.xlane v24, v2;
	v31 =	vmul.f32 v28, v20;
	v29 =	vadd.f32 v29, v18  }
0x5f: {  	s6 =	simm.s32 $0x6E80;
	v35 =	vperm.xlane v24, v3;
	v28 =	vmul.f32 v28, v21;
	v26 =	vadd.f32 v26, v19  }
0x60: {  	v33 =	vmul.f32 v30, v16;
	v31 =	vadd.f32 v31, v22;
	[tilespmem:s6+$0xFFFFFF00] =	vst v29;
	v29 =	vperm.xlane v24, v1  }
0x61: {  	s25 =	simm.s32 $0xD280;
	v38 =	vperm.xlane v24, v6;
	v30 =	vmul.f32 v30, v17;
	v28 =	vadd.f32 v28, v23;
	[tilespmem:s6+$0xFFFFFF10] =	vst v26  }
0x62: {  	v26 =	vperm.xlane v25, v2;
	[tilespmem:s25+$0xFFFFFF00] =	vst v31;
	v31 =	vadd.f32 v33, v18;
	v59 =	vmul.f32 v29, v20  }
0x63: {  	v63 =	vperm.xlane v25, v7;
	[tilespmem:s25+$0xFFFFFF10] =	vst v28;
	v28 =	vadd.f32 v30, v19;
	v29 =	vmul.f32 v29, v21  }
0x64: {  	v32 =	vmul.f32 v27, v16;
	v30 =	vmul.f32 v26, v16;
	[tilespmem:s6+$0xFFFFFF20] =	vst v31;
	v31 =	vadd.f32 v59, v22  }
0x65: {  	v60 =	vmul.f32 v34, v20;
	v26 =	vmul.f32 v26, v17;
	[tilespmem:s6+$0xFFFFFF30] =	vst v28;
	v28 =	vadd.f32 v29, v23  }
0x66: {  	v34 =	vmul.f32 v34, v21;
	v29 =	vperm.xlane v25, v3;
	v30 =	vadd.f32 v30, v18;
	[tilespmem:s25+$0xFFFFFF20] =	vst v31  }
0x67: {  	v27 =	vmul.f32 v27, v17;
	v61 =	vmul.f32 v35, v20;
	v26 =	vadd.f32 v26, v19;
	[tilespmem:s25+$0xFFFFFF30] =	vst v28  }
0x68: {  	v31 =	vperm.xlane v24, v4;
	v28 =	vmul.f32 v29, v16;
	[tilespmem:s6+$0xFFFFFF40] =	vst v30;
	v30 =	vadd.f32 v60, v22  }
0x69: {  	v35 =	vmul.f32 v35, v21;
	v29 =	vmul.f32 v29, v17;
	[tilespmem:s6+$0xFFFFFF50] =	vst v26;
	v26 =	vadd.f32 v34, v23  }
0x6a: {  	v40 =	vadd.f32 v32, v18;
	v36 =	vmul.f32 v31, v20;
	v28 =	vadd.f32 v28, v18;
	[tilespmem:s25+$0xFFFFFF40] =	vst v30  }
0x6b: {  	v37 =	vmul.f32 v31, v21;
	v31 =	vperm.xlane v24, v5;
	[tilespmem:s25+$0xFFFFFF50] =	vst v26;
	v26 =	vadd.f32 v29, v19  }
0x6c: {  	v33 =	vmul.f32 v63, v17;
	v30 =	vperm.xlane v25, v5;
	[tilespmem:s6+$0xFFFFFF60] =	vst v28;
	v28 =	vadd.f32 v61, v22  }
0x6d: {  	v29 =	vperm.xlane v25, v6;
	v34 =	vmul.f32 v31, v20;
	[tilespmem:s6+$0xFFFFFF70] =	vst v26;
	v26 =	vadd.f32 v35, v23  }
0x6e: {  	v36 =	vadd.f32 v36, v22;
	v62 =	vmul.f32 v30, v16;
	v39 =	vmul.f32 v30, v17;
	[tilespmem:s25+$0xFFFFFF60] =	vst v28  }
0x6f: {  	v30 =	vmul.f32 v31, v21;
	v31 =	vmul.f32 v29, v16;
	[tilespmem:s25+$0xFFFFFF70] =	vst v26;
	v26 =	vadd.f32 v27, v19  }
0x70: {  	v37 =	vadd.f32 v37, v23;
	v32 =	vmul.f32 v29, v17;
	v29 =	vmul.f32 v38, v21;
	[tilespmem:s6+$0xFFFFFF80] =	vst v40  }
0x71: {  	s26 =	sshll.u32 s22, $0x1;
	s13 =	simm.s32 $0x40;
	v28 =	vmul.f32 v38, v20;
	v35 =	vadd.f32 v39, v19;
	v27 =	vperm.xlane v24, v7;
	[tilespmem:s6+$0xFFFFFF90] =	vst v26  }
0x72: {  	s16 =	simm.s32 $0xD280;
	s24 =	sadd.s32 s10, s26;
	s26 =	simm.s32 $0x6E80;
	v38 =	vadd.f32 v62, v18;
	v26 =	vperm.xlane v25, v8;
	[tilespmem:s25+$0xFFFFFF80] =	vst v36;
	v36 =	vmul.f32 v63, v16  }
.LBB2_3:
0x73: {  	p0 =	sne.s32 s13, $0x600;
	[tilespmem:s25+$0xFFFFFF90] =	vst v37;
	v37 =	vperm.xlane v24, v8;
	v39 =	vperm.xlane v25, v9;
	s16 =	sadd.s32 $0x200, s16;
	s6 =	sadd.s32 $0x200, s6  }
0x74: {  	v34 =	vadd.f32 v34, v22;
	v40 =	vperm.xlane v25, v10;
	s17 =	smov.u32 s13;
	s13 =	sadd.s32 $0x40, s13;
	[tilespmem:s26+$0xFFFFFFA0] =	vst v38;
	v38 =	vperm.xlane v24, v9  }
0x75: {  	v30 =	vadd.f32 v30, v23;
	[tilespmem:s26+$0xFFFFFFB0] =	vst v35;
	v35 =	vmul.f32 v37, v20;
	v37 =	vmul.f32 v37, v21  }
0x76: {  	v31 =	vadd.f32 v31, v18;
	[tilespmem:s25+$0xFFFFFFA0] =	vst v34;
	v34 =	vmul.f32 v39, v16;
	v39 =	vmul.f32 v39, v17  }
0x77: {  	[tilespmem:s25+$0xFFFFFFB0] =	vst v30;
	v30 =	vadd.f32 v32, v19;
	v32 =	vmul.f32 v38, v20;
	v38 =	vmul.f32 v38, v21  }
0x78: {  	v28 =	vadd.f32 v28, v22;
	[tilespmem:s26+$0xFFFFFFC0] =	vst v31;
	v31 =	vmul.f32 v40, v16;
	v40 =	vmul.f32 v40, v17  }
0x79: {  	v29 =	vadd.f32 v29, v23;
	v41 =	vperm.xlane v25, v11;
	[tilespmem:s26+$0xFFFFFFD0] =	vst v30;
	v30 =	vperm.xlane v24, v10  }
0x7a: {  	v42 =	vperm.xlane v24, v11;
	[tilespmem:s25+$0xFFFFFFC0] =	vst v28;
	v28 =	vadd.f32 v36, v18;
	v36 =	vmul.f32 v27, v20  }
0x7b: {  	v27 =	vmul.f32 v27, v21;
	[tilespmem:s25+$0xFFFFFFD0] =	vst v29;
	v29 =	vadd.f32 v33, v19;
	v33 =	vmul.f32 v30, v20  }
0x7c: {  	v30 =	vmul.f32 v30, v21;
	[tilespmem:s26+$0xFFFFFFE0] =	vst v28;
	v28 =	vadd.f32 v36, v22;
	v36 =	vmul.f32 v26, v16  }
0x7d: {  	v27 =	vadd.f32 v27, v23;
	v26 =	vmul.f32 v26, v17;
	[tilespmem:s26+$0xFFFFFFF0] =	vst v29;
	v29 =	vmul.f32 v41, v16  }
0x7e: {  	[tilespmem:s25+$0xFFFFFFE0] =	vst v28;
	v28 =	vadd.f32 v36, v18;
	v36 =	vmul.f32 v41, v17;
	v41 =	vmul.f32 v42, v20  }
0x7f: {  	v26 =	vadd.f32 v26, v19;
	[tilespmem:s25+$0xFFFFFFF0] =	vst v27;
	v27 =	vmul.f32 v42, v21;
	v42 =	vperm.xlane v25, v12  }
0x80: {  	v43 =	vperm.xlane v25, v13;
	[tilespmem:s26+$0x0] =	vst v28;
	v28 =	vadd.f32 v35, v22;
	v35 =	vperm.xlane v24, v12  }
0x81: {  	[tilespmem:s26+$0x10] =	vst v26;
	v26 =	vadd.f32 v37, v23;
	v37 =	vmul.f32 v42, v16;
	v42 =	vmul.f32 v42, v17  }
0x82: {  	[tilespmem:s25+$0x0] =	vst v28;
	v28 =	vadd.f32 v34, v18;
	v34 =	vmul.f32 v35, v20;
	v35 =	vmul.f32 v35, v21  }
0x83: {  	v44 =	vmul.f32 v43, v16;
	[tilespmem:s25+$0x10] =	vst v26;
	v26 =	vadd.f32 v39, v19;
	v39 =	vperm.xlane v24, v13  }
0x84: {  	[tilespmem:s26+$0x20] =	vst v28;
	v28 =	vadd.f32 v32, v22;
	v32 =	vmul.f32 v43, v17;
	v43 =	vperm.xlane v25, v14  }
0x85: {  	[tilespmem:s26+$0x30] =	vst v26;
	v26 =	vadd.f32 v38, v23;
	v38 =	vmul.f32 v39, v20;
	v39 =	vmul.f32 v39, v21  }
0x86: {  	[tilespmem:s25+$0x20] =	vst v28;
	v28 =	vadd.f32 v31, v18;
	v31 =	vperm.xlane v24, v14;
	v45 =	vmul.f32 v43, v16  }
0x87: {  	v25 =	vperm.xlane v25, v15;
	[tilespmem:s25+$0x30] =	vst v26;
	v26 =	vadd.f32 v40, v19;
	v40 =	vmul.f32 v43, v17  }
0x88: {  	[tilespmem:s26+$0x40] =	vst v28;
	v28 =	vadd.f32 v33, v22;
	v33 =	vmul.f32 v31, v20;
	v31 =	vmul.f32 v31, v21  }
0x89: {  	[tilespmem:s26+$0x50] =	vst v26;
	v26 =	vadd.f32 v30, v23;
	v30 =	vmul.f32 v25, v16;
	v25 =	vmul.f32 v25, v17  }
0x8a: {  	v24 =	vperm.xlane v24, v15;
	[tilespmem:s25+$0x40] =	vst v28;
	v28 =	vadd.f32 v29, v18  }
0x8b: {  	[tilespmem:s25+$0x50] =	vst v26;
	v26 =	vadd.f32 v36, v19  }
0x8c: {  	v29 =	vmul.f32 v24, v20;
	[tilespmem:s26+$0x60] =	vst v28;
	v28 =	vadd.f32 v41, v22  }
0x8d: {  	[tilespmem:s26+$0x70] =	vst v26;
	v26 =	vadd.f32 v27, v23  }
0x8e: {  	v27 =	vadd.f32 v37, v18;
	[tilespmem:s25+$0x60] =	vst v28;
	v28 =	vadd.f32 v42, v19  }
0x8f: {  	[tilespmem:s25+$0x70] =	vst v26;
	v26 =	vadd.f32 v34, v22;
	v34 =	vadd.f32 v35, v23  }
0x90: {  	v32 =	vadd.f32 v32, v19;
	[tilespmem:s26+$0x80] =	vst v27;
	v27 =	vadd.f32 v44, v18  }
0x91: {  	v35 =	vadd.f32 v39, v23;
	[tilespmem:s26+$0x90] =	vst v28;
	v28 =	vadd.f32 v38, v22  }
0x92: {  	v36 =	vadd.f32 v40, v19;
	[tilespmem:s25+$0x80] =	vst v26;
	v26 =	vadd.f32 v45, v18  }
0x93: {  	v33 =	vadd.f32 v33, v22;
	v31 =	vadd.f32 v31, v23;
	v24 =	vmul.f32 v24, v21;
	[tilespmem:s25+$0x90] =	vst v34  }
0x94: {  	v25 =	vadd.f32 v25, v19;
	[tilespmem:s26+$0xA0] =	vst v27;
	v27 =	vadd.f32 v30, v18  }
0x95: {  	s17 =	sshra.s32 s17, $0x2;
	v29 =	vadd.f32 v29, v22;
	v24 =	vadd.f32 v24, v23;
	[tilespmem:s26+$0xB0] =	vst v32  }
0x96: {  	[tilespmem:s25+$0xA0] =	vst v28  }
0x97: {  	[tilespmem:s25+$0xB0] =	vst v35  }
0x98: {  	[tilespmem:s26+$0xC0] =	vst v26  }
0x99: {  	[tilespmem:s26+$0xD0] =	vst v36  }
0x9a: {  	[tilespmem:s25+$0xC0] =	vst v33  }
0x9b: {  	[tilespmem:s25+$0xD0] =	vst v31  }
0x9c: {  	[tilespmem:s26+$0xE0] =	vst v27  }
0x9d: {  	[tilespmem:s26+$0xF0] =	vst v25;
	s26 =	smov.u32 s6  }
0x9e: {  	[tilespmem:s25+$0xE0] =	vst v29  }
0x9f: {  	[tilespmem:s25+$0xF0] =	vst v24;
	s25 =	smov.u32 s16;
	_ =	sdelay $0x2  }
0xa0: {  	v25 =	vld [tilespmem:s17+$0x340]  }
0xa1: {  	v24 =	vld [tilespmem:s17+$0x660];
	_ =	sdelay $0x3  }
0xa2: {  	v26 =	vperm.xlane v25, v0;
	v27 =	vperm.xlane v25, v4  }
0xa3: {  	v29 =	vperm.xlane v25, v1;
	v28 =	vperm.xlane v24, v0  }
0xa4: {  	v30 =	vmul.f32 v26, v16;
	v26 =	vmul.f32 v26, v17  }
0xa5: {  	v31 =	vmul.f32 v28, v20;
	v28 =	vmul.f32 v28, v21  }
0xa6: {  	v32 =	vmul.f32 v27, v16;
	v30 =	vadd.f32 v30, v18;
	v26 =	vadd.f32 v26, v19  }
0xa7: {  	v33 =	vmul.f32 v29, v16;
	v31 =	vadd.f32 v31, v22;
	v28 =	vadd.f32 v28, v23  }
0xa8: {  	v29 =	vmul.f32 v29, v17;
	[tilespmem:s6+$0xFFFFFF00] =	vst v30;
	v30 =	vperm.xlane v24, v1  }
0xa9: {  	v34 =	vperm.xlane v24, v2;
	[tilespmem:s6+$0xFFFFFF10] =	vst v26;
	v26 =	vperm.xlane v25, v2  }
0xaa: {  	[tilespmem:s16+$0xFFFFFF00] =	vst v31;
	v31 =	vadd.f32 v33, v18;
	v33 =	vmul.f32 v30, v20;
	v30 =	vmul.f32 v30, v21  }
0xab: {  	[tilespmem:s16+$0xFFFFFF10] =	vst v28;
	v28 =	vadd.f32 v29, v19;
	v29 =	vmul.f32 v26, v16;
	v26 =	vmul.f32 v26, v17  }
0xac: {  	[tilespmem:s6+$0xFFFFFF20] =	vst v31;
	v31 =	vadd.f32 v33, v22;
	v33 =	vmul.f32 v34, v20;
	v34 =	vmul.f32 v34, v21  }
0xad: {  	v35 =	vperm.xlane v24, v3;
	[tilespmem:s6+$0xFFFFFF30] =	vst v28;
	v28 =	vadd.f32 v30, v23;
	v30 =	vperm.xlane v25, v3  }
0xae: {  	v27 =	vmul.f32 v27, v17;
	v29 =	vadd.f32 v29, v18;
	[tilespmem:s16+$0xFFFFFF20] =	vst v31;
	v31 =	vperm.xlane v24, v4  }
0xaf: {  	v26 =	vadd.f32 v26, v19;
	[tilespmem:s16+$0xFFFFFF30] =	vst v28;
	v28 =	vmul.f32 v30, v16;
	v30 =	vmul.f32 v30, v17  }
0xb0: {  	[tilespmem:s6+$0xFFFFFF40] =	vst v29;
	v29 =	vadd.f32 v33, v22;
	v33 =	vmul.f32 v35, v20;
	v35 =	vmul.f32 v35, v21  }
0xb1: {  	v36 =	vmul.f32 v31, v20;
	v37 =	vmul.f32 v31, v21;
	[tilespmem:s6+$0xFFFFFF50] =	vst v26;
	v26 =	vadd.f32 v34, v23  }
0xb2: {  	v31 =	vperm.xlane v24, v5;
	v28 =	vadd.f32 v28, v18;
	[tilespmem:s16+$0xFFFFFF40] =	vst v29;
	v29 =	vperm.xlane v25, v5  }
0xb3: {  	v38 =	vperm.xlane v25, v6;
	v39 =	vperm.xlane v24, v6;
	[tilespmem:s16+$0xFFFFFF50] =	vst v26;
	v26 =	vadd.f32 v30, v19  }
0xb4: {  	[tilespmem:s6+$0xFFFFFF60] =	vst v28;
	v28 =	vadd.f32 v33, v22;
	v33 =	vmul.f32 v29, v16;
	v29 =	vmul.f32 v29, v17  }
0xb5: {  	v34 =	vmul.f32 v31, v20;
	v30 =	vmul.f32 v31, v21;
	[tilespmem:s6+$0xFFFFFF70] =	vst v26;
	v26 =	vadd.f32 v35, v23  }
.Ltmp0:
0xb6: {  	v40 =	vadd.f32 v32, v18;
	v31 =	vmul.f32 v38, v16;
	[tilespmem:s16+$0xFFFFFF60] =	vst v28;
	v35 =	vadd.f32 v29, v19;
	(pc) =	sbr.rel @p0 .LBB2_3-.Ltmp0, $4  }
0xb7: {  	v32 =	vmul.f32 v38, v17;
	v28 =	vmul.f32 v39, v20;
	[tilespmem:s16+$0xFFFFFF70] =	vst v26;
	v26 =	vadd.f32 v27, v19  }
0xb8: {  	v36 =	vadd.f32 v36, v22;
	v29 =	vmul.f32 v39, v21;
	v39 =	vperm.xlane v25, v7;
	[tilespmem:s6+$0xFFFFFF80] =	vst v40  }
0xb9: {  	v37 =	vadd.f32 v37, v23;
	v27 =	vperm.xlane v24, v7;
	[tilespmem:s6+$0xFFFFFF90] =	vst v26;
	v26 =	vperm.xlane v25, v8  }
0xba: {  	v38 =	vadd.f32 v33, v18;
	v33 =	vmul.f32 v39, v17;
	[tilespmem:s16+$0xFFFFFF80] =	vst v36;
	v36 =	vmul.f32 v39, v16  }
0xbb: {  	[tilespmem:s25+$0xFFFFFF90] =	vst v37  }
0xbc: {  	v34 =	vadd.f32 v34, v22;
	[tilespmem:s26+$0xFFFFFFA0] =	vst v38  }
0xbd: {  	v30 =	vadd.f32 v30, v23;
	[tilespmem:s26+$0xFFFFFFB0] =	vst v35  }
0xbe: {  	v31 =	vadd.f32 v31, v18;
	[tilespmem:s25+$0xFFFFFFA0] =	vst v34  }
0xbf: {  	[tilespmem:s25+$0xFFFFFFB0] =	vst v30;
	v30 =	vadd.f32 v32, v19  }
0xc0: {  	v28 =	vadd.f32 v28, v22;
	[tilespmem:s26+$0xFFFFFFC0] =	vst v31  }
0xc1: {  	v29 =	vadd.f32 v29, v23;
	[tilespmem:s26+$0xFFFFFFD0] =	vst v30  }
0xc2: {  	v30 =	vmul.f32 v27, v20;
	[tilespmem:s25+$0xFFFFFFC0] =	vst v28;
	v28 =	vadd.f32 v36, v18  }
0xc3: {  	v27 =	vmul.f32 v27, v21;
	[tilespmem:s25+$0xFFFFFFD0] =	vst v29;
	v29 =	vadd.f32 v33, v19  }
0xc4: {  	v31 =	vperm.xlane v24, v8;
	[tilespmem:s26+$0xFFFFFFE0] =	vst v28;
	v28 =	vadd.f32 v30, v22;
	v30 =	vmul.f32 v26, v16  }
0xc5: {  	v27 =	vadd.f32 v27, v23;
	[tilespmem:s26+$0xFFFFFFF0] =	vst v29;
	v26 =	vmul.f32 v26, v17  }
0xc6: {  	v46 =	vmul.f32 v31, v20;
	v29 =	vperm.xlane v25, v9;
	[tilespmem:s25+$0xFFFFFFE0] =	vst v28;
	v28 =	vadd.f32 v30, v18  }
0xc7: {  	[tilespmem:s25+$0xFFFFFFF0] =	vst v27;
	v30 =	vmul.f32 v31, v21;
	v26 =	vadd.f32 v26, v19  }
0xc8: {  	v27 =	vperm.xlane v24, v9;
	v31 =	vmul.f32 v29, v16;
	[tilespmem:s26+$0x0] =	vst v28;
	v28 =	vadd.f32 v46, v22  }
0xc9: {  	v29 =	vmul.f32 v29, v17;
	[tilespmem:s26+$0x10] =	vst v26;
	v26 =	vadd.f32 v30, v23  }
0xca: {  	v47 =	vmul.f32 v27, v20;
	v30 =	vperm.xlane v25, v10;
	[tilespmem:s25+$0x0] =	vst v28;
	v28 =	vadd.f32 v31, v18  }
0xcb: {  	v27 =	vmul.f32 v27, v21;
	[tilespmem:s25+$0x10] =	vst v26;
	v26 =	vadd.f32 v29, v19  }
0xcc: {  	v29 =	vmul.f32 v30, v16;
	v31 =	vperm.xlane v24, v10;
	[tilespmem:s26+$0x20] =	vst v28;
	v28 =	vadd.f32 v47, v22  }
0xcd: {  	v30 =	vmul.f32 v30, v17;
	[tilespmem:s26+$0x30] =	vst v26;
	v26 =	vadd.f32 v27, v23  }
0xce: {  	v27 =	vperm.xlane v25, v11;
	v48 =	vmul.f32 v31, v20;
	[tilespmem:s25+$0x20] =	vst v28;
	v28 =	vadd.f32 v29, v18  }
0xcf: {  	v29 =	vmul.f32 v31, v21;
	[tilespmem:s25+$0x30] =	vst v26;
	v26 =	vadd.f32 v30, v19  }
0xd0: {  	v30 =	vperm.xlane v24, v11;
	v31 =	vmul.f32 v27, v16;
	[tilespmem:s26+$0x40] =	vst v28;
	v28 =	vadd.f32 v48, v22  }
0xd1: {  	v27 =	vmul.f32 v27, v17;
	[tilespmem:s26+$0x50] =	vst v26;
	v26 =	vadd.f32 v29, v23  }
0xd2: {  	v49 =	vperm.xlane v25, v12;
	v29 =	vmul.f32 v30, v20;
	[tilespmem:s25+$0x40] =	vst v28;
	v28 =	vadd.f32 v31, v18  }
0xd3: {  	v30 =	vmul.f32 v30, v21;
	[tilespmem:s25+$0x50] =	vst v26;
	v26 =	vadd.f32 v27, v19  }
0xd4: {  	v27 =	vperm.xlane v24, v12;
	v31 =	vmul.f32 v49, v16;
	[tilespmem:s26+$0x60] =	vst v28;
	v28 =	vadd.f32 v29, v22  }
0xd5: {  	v29 =	vmul.f32 v49, v17;
	[tilespmem:s26+$0x70] =	vst v26;
	v26 =	vadd.f32 v30, v23  }
0xd6: {  	v30 =	vperm.xlane v25, v13;
	v50 =	vmul.f32 v27, v20;
	[tilespmem:s25+$0x60] =	vst v28;
	v28 =	vadd.f32 v31, v18  }
0xd7: {  	v27 =	vmul.f32 v27, v21;
	v29 =	vadd.f32 v29, v19;
	[tilespmem:s25+$0x70] =	vst v26  }
0xd8: {  	v26 =	vperm.xlane v24, v13;
	v31 =	vmul.f32 v30, v16;
	v32 =	vadd.f32 v50, v22;
	[tilespmem:s26+$0x80] =	vst v28  }
0xd9: {  	v27 =	vadd.f32 v27, v23;
	v28 =	vmul.f32 v30, v17;
	[tilespmem:s26+$0x90] =	vst v29  }
0xda: {  	v29 =	vperm.xlane v25, v14;
	v30 =	vmul.f32 v26, v20;
	v31 =	vadd.f32 v31, v18;
	[tilespmem:s25+$0x80] =	vst v32  }
0xdb: {  	v26 =	vmul.f32 v26, v21;
	[tilespmem:s25+$0x90] =	vst v27;
	v28 =	vadd.f32 v28, v19  }
0xdc: {  	v27 =	vperm.xlane v24, v14;
	v51 =	vmul.f32 v29, v16;
	v30 =	vadd.f32 v30, v22;
	[tilespmem:s26+$0xA0] =	vst v31  }
0xdd: {  	v29 =	vmul.f32 v29, v17;
	v26 =	vadd.f32 v26, v23;
	[tilespmem:s26+$0xB0] =	vst v28  }
0xde: {  	v25 =	vperm.xlane v25, v15;
	v28 =	vmul.f32 v27, v20;
	v31 =	vadd.f32 v51, v18;
	[tilespmem:s25+$0xA0] =	vst v30  }
0xdf: {  	v27 =	vmul.f32 v27, v21;
	v29 =	vadd.f32 v29, v19;
	[tilespmem:s25+$0xB0] =	vst v26  }
0xe0: {  	v24 =	vperm.xlane v24, v15;
	v26 =	vmul.f32 v25, v16;
	v28 =	vadd.f32 v28, v22;
	[tilespmem:s26+$0xC0] =	vst v31  }
0xe1: {  	v25 =	vmul.f32 v25, v17;
	v27 =	vadd.f32 v27, v23;
	[tilespmem:s26+$0xD0] =	vst v29  }
0xe2: {  	v29 =	vmul.f32 v24, v20;
	v26 =	vadd.f32 v26, v18;
	[tilespmem:s25+$0xC0] =	vst v28  }
0xe3: {  	v24 =	vmul.f32 v24, v21;
	v25 =	vadd.f32 v25, v19;
	[tilespmem:s25+$0xD0] =	vst v27  }
0xe4: {  	v27 =	vadd.f32 v29, v22;
	[tilespmem:s26+$0xE0] =	vst v26  }
0xe5: {  	v24 =	vadd.f32 v24, v23;
	[tilespmem:s26+$0xF0] =	vst v25  }
0xe6: {  	[tilespmem:s25+$0xE0] =	vst v27  }
0xe7: {  	[tilespmem:s25+$0xF0] =	vst v24  }
0xe8: {  	_ =	swait.ge [sflag:s28], $0xC80  }
0xe9: {  	[sflag:s28] =	ssyncset.done $0x0  }
0xea: {  	[sflag:s28] =	ssyncadd.s32 $0xFFFFF380  }
0xeb: {  	_ =	swait.ge [sflag:s28], $0xC80  }
0xec: {  	[sflag:s28] =	ssyncset.done $0x0  }
0xed: {  	[sflag:s28] =	ssyncadd.s32 $0xFFFFF380  }
0xee: {  	_ =	swait.ge [sflag:s28], $0xC80  }
0xef: {  	p0 =	seq.s32 s22, $0x7;
	[sflag:s28] =	ssyncset.done $0x0  }
0xf0: {  	s6 =	sadd.s32 @!p0 $0x2, s24;
	[sflag:s28] =	ssyncadd.s32 $0xFFFFF380  }
0xf1: {  	s13 =	smul.u32 @!p0 $0x34, s6;
	_ =	swait.ge [sflag:s28], $0xC80  }
0xf2: {  	s16 =	simm.s32 @!p0 $0x0;
	[sflag:s28] =	ssyncset.done $0x0  }
0xf3: {  	s6 =	smul.u32 @!p0 $0x32, s6;
	s13 =	sadd.s32 @!p0 s11, s13;
	[sflag:s28] =	ssyncadd.s32 $0xFFFFF380  }
0xf4: {  	[tilespmem:s16], [sflag:$0x1] =	stream.linear.gather @!p0 [hbm4b:s13+s16], $0x1A0, $0x38;
	[tilespmem:$0x13600] =	vst v63  }
0xf5: {  	s17 =	simm.s32 @!p0 $0x340;
	s13 =	sadd.s32 @!p0 s0, s6  }
0xf6: {  	[tilespmem:s17], [sflag:$0x1] =	stream.linear.gather @!p0 [hbm4b:s13+s16], $0x190, $0x38;
	[tilespmem:$0x13600] =	vst v63  }
0xf7: {  	s25 =	smul.u32 $0x9600, s24;
	s6 =	sadd.s32 @!p0 s1, s6;
	s13 =	simm.s32 @!p0 $0x660  }
0xf8: {  	[tilespmem:s13], [sflag:$0x1] =	stream.linear.gather @!p0 [hbm4b:s6+s16], $0x190, $0x38;
	[tilespmem:$0x13600] =	vst v63  }
0xf9: {  	s26 =	sshrl.u32 s25, $0x3;
	s16 =	rddreg [dreg:$0x7]  }
0xfa: {  	s17 =	simm.s32 $0x6D80;
	s25 =	sadd.s32 s16, s26  }
0xfb: {  	[hbm4b:s25+s29] =	stream.strided.scatter [tilespmem:s17], [sflag:$0x5], $0x3200, s31, s29, $0x38;
	[tilespmem:$0x13600] =	vst v63  }
0xfc: {  	s18 =	sadd.s32 s26, s19  }
0xfd: {  	[hbm4b:s18+s29] =	stream.strided.scatter [tilespmem:s4], [sflag:$0x5], $0x3200, s31, s29, $0x38;
	[tilespmem:$0x13600] =	vst v63  }
0xfe: {  	s6 =	sadd.s32 s26, s20;
	s26 =	simm.s32 $0xD180  }
0xff: {  	[hbm4b:s6+s29] =	stream.strided.scatter [tilespmem:s26], [sflag:$0x5], $0x3200, s31, s29, $0x38;
	[tilespmem:$0x13600] =	vst v63  }
0x100: {  	s6 =	simm.s32 @!p1 $0x6  }
0x101: {  	_ =	swait.ge @!p1 [sflag:s6], $0x3200  }
0x102: {  	[sflag:s6] =	ssyncset.done @!p1 $0x0  }
0x103: {  	[sflag:s6] =	ssyncadd.s32 @!p1 $0xFFFFCE00  }
0x104: {  	_ =	swait.ge @!p1 [sflag:s6], $0x3200  }
0x105: {  	[sflag:s6] =	ssyncset.done @!p1 $0x0  }
0x106: {  	[sflag:s6] =	ssyncadd.s32 @!p1 $0xFFFFCE00  }
0x107: {  	_ =	swait.ge @!p1 [sflag:s6], $0x3200  }
0x108: {  	[sflag:s6] =	ssyncset.done @!p1 $0x0  }
0x109: {  	[sflag:s6] =	ssyncadd.s32 @!p1 $0xFFFFCE00  }
0x10a: {  	_ =	swait.ge [sflag:s14], $0x1A0  }
0x10b: {  	[sflag:s14] =	ssyncset.done $0x0  }
0x10c: {  	[sflag:s14] =	ssyncadd.s32 $0xFFFFFE60  }
0x10d: {  	_ =	swait.ge [sflag:s14], $0x190  }
0x10e: {  	[sflag:s14] =	ssyncset.done $0x0  }
0x10f: {  	[sflag:s14] =	ssyncadd.s32 $0xFFFFFE70  }
0x110: {  	_ =	swait.ge [sflag:s14], $0x190  }
0x111: {  	[sflag:s14] =	ssyncset.done $0x0  }
0x112: {  	[sflag:s14] =	ssyncadd.s32 $0xFFFFFE70  }
0x113: {  	[tilespmem:s15], [sflag:$0x4] =	stream.indirect.gather [hbm4b:s12+s2], $0x20, s30, s2, $0xb8;
	[tilespmem:$0x13600] =	vst v63  }
0x114: {  	s16 =	simm.s32 $0x208;
	s17 =	simm.s32 $0x4800  }
0x115: {  	[tilespmem:s17], [sflag:$0x4] =	stream.indirect.gather [hbm4b:s12+s2], $0x20, s16, s2, $0xb8;
	[tilespmem:$0x13600] =	vst v63  }
0x116: {  	s18 =	simm.s32 $0x270  }
0x117: {  	[tilespmem:s21], [sflag:$0x4] =	stream.indirect.gather [hbm4b:s12+s2], $0x20, s18, s2, $0xb8;
	[tilespmem:$0x13600] =	vst v63  }
0x118: {  	s26 =	simm.s32 $0x0  }
0x119: {  	[tilespmem:s23], [sflag:$0x4] =	stream.indirect.gather [hbm4b:s12+s2], $0x20, s9, s2, $0xb8;
	[tilespmem:$0x13600] =	vst v63  }
0x11a: {  	v25 =	vld [tilespmem:s26+$0x4D0];
	_ =	sdelay $0x1  }
0x11b: {  	v24 =	vld [tilespmem:s26+$0x7F0];
	_ =	sdelay $0x2  }
0x11c: {  	v26 =	vperm.xlane v25, v0  }
0x11d: {  	v27 =	vperm.xlane v25, v4  }
0x11e: {  	v28 =	vperm.xlane v24, v0;
	v29 =	vmul.f32 v26, v16  }
0x11f: {  	v30 =	vperm.xlane v25, v1;
	v26 =	vmul.f32 v26, v17  }
0x120: {  	v54 =	vperm.xlane v24, v2;
	v31 =	vmul.f32 v28, v20;
	v29 =	vadd.f32 v29, v18  }
0x121: {  	s13 =	simm.s32 $0xA080;
	v57 =	vperm.xlane v24, v3;
	v28 =	vmul.f32 v28, v21;
	v26 =	vadd.f32 v26, v19  }
0x122: {  	v53 =	vmul.f32 v30, v16;
	v31 =	vadd.f32 v31, v22;
	[tilespmem:s13+$0xFFFFFF00] =	vst v29;
	v29 =	vperm.xlane v24, v1  }
0x123: {  	s26 =	simm.s32 $0x10480;
	v61 =	vperm.xlane v24, v6;
	v30 =	vmul.f32 v30, v17;
	v28 =	vadd.f32 v28, v23;
	[tilespmem:s13+$0xFFFFFF10] =	vst v26  }
0x124: {  	v26 =	vperm.xlane v25, v2;
	[tilespmem:s26+$0xFFFFFF00] =	vst v31;
	v31 =	vadd.f32 v53, v18;
	v55 =	vmul.f32 v29, v20  }
0x125: {  	v63 =	vperm.xlane v25, v7;
	[tilespmem:s26+$0xFFFFFF10] =	vst v28;
	v28 =	vadd.f32 v30, v19;
	v29 =	vmul.f32 v29, v21  }
0x126: {  	v52 =	vmul.f32 v27, v16;
	v30 =	vmul.f32 v26, v16;
	[tilespmem:s13+$0xFFFFFF20] =	vst v31;
	v31 =	vadd.f32 v55, v22  }
0x127: {  	v56 =	vmul.f32 v54, v20;
	v26 =	vmul.f32 v26, v17;
	[tilespmem:s13+$0xFFFFFF30] =	vst v28;
	v28 =	vadd.f32 v29, v23  }
0x128: {  	v34 =	vmul.f32 v54, v21;
	v29 =	vperm.xlane v25, v3;
	v30 =	vadd.f32 v30, v18;
	[tilespmem:s26+$0xFFFFFF20] =	vst v31  }
0x129: {  	v27 =	vmul.f32 v27, v17;
	v58 =	vmul.f32 v57, v20;
	v26 =	vadd.f32 v26, v19;
	[tilespmem:s26+$0xFFFFFF30] =	vst v28  }
0x12a: {  	v31 =	vperm.xlane v24, v4;
	v28 =	vmul.f32 v29, v16;
	[tilespmem:s13+$0xFFFFFF40] =	vst v30;
	v30 =	vadd.f32 v56, v22  }
0x12b: {  	v35 =	vmul.f32 v57, v21;
	v29 =	vmul.f32 v29, v17;
	[tilespmem:s13+$0xFFFFFF50] =	vst v26;
	v26 =	vadd.f32 v34, v23  }
0x12c: {  	v33 =	vmul.f32 v63, v17;
	v59 =	vmul.f32 v31, v20;
	v28 =	vadd.f32 v28, v18;
	[tilespmem:s26+$0xFFFFFF40] =	vst v30  }
0x12d: {  	v60 =	vmul.f32 v31, v21;
	v31 =	vperm.xlane v24, v5;
	[tilespmem:s26+$0xFFFFFF50] =	vst v26;
	v26 =	vadd.f32 v29, v19  }
0x12e: {  	v40 =	vadd.f32 v52, v18;
	v30 =	vperm.xlane v25, v5;
	[tilespmem:s13+$0xFFFFFF60] =	vst v28;
	v28 =	vadd.f32 v58, v22  }
0x12f: {  	v29 =	vperm.xlane v25, v6;
	v34 =	vmul.f32 v31, v20;
	[tilespmem:s13+$0xFFFFFF70] =	vst v26;
	v26 =	vadd.f32 v35, v23  }
0x130: {  	v36 =	vadd.f32 v59, v22;
	v62 =	vmul.f32 v30, v16;
	v39 =	vmul.f32 v30, v17;
	[tilespmem:s26+$0xFFFFFF60] =	vst v28  }
0x131: {  	v30 =	vmul.f32 v31, v21;
	v31 =	vmul.f32 v29, v16;
	[tilespmem:s26+$0xFFFFFF70] =	vst v26;
	v26 =	vadd.f32 v27, v19  }
0x132: {  	v37 =	vadd.f32 v60, v23;
	v32 =	vmul.f32 v29, v17;
	v29 =	vmul.f32 v61, v21;
	[tilespmem:s13+$0xFFFFFF80] =	vst v40  }
0x133: {  	v28 =	vmul.f32 v61, v20;
	v35 =	vadd.f32 v39, v19;
	v27 =	vperm.xlane v24, v7;
	[tilespmem:s13+$0xFFFFFF90] =	vst v26  }
0x134: {  	s6 =	simm.s32 $0xA080;
	s16 =	simm.s32 $0x40;
	s17 =	simm.s32 $0x10480;
	v38 =	vadd.f32 v62, v18;
	v26 =	vperm.xlane v25, v8;
	[tilespmem:s26+$0xFFFFFF80] =	vst v36;
	v36 =	vmul.f32 v63, v16  }
.LBB2_5:
0x135: {  	p1 =	sne.s32 s16, $0x600;
	[tilespmem:s26+$0xFFFFFF90] =	vst v37;
	v37 =	vperm.xlane v24, v8;
	v39 =	vperm.xlane v25, v9;
	s17 =	sadd.s32 $0x200, s17;
	s13 =	sadd.s32 $0x200, s13  }
0x136: {  	v34 =	vadd.f32 v34, v22;
	v40 =	vperm.xlane v25, v10;
	s18 =	smov.u32 s16;
	s16 =	sadd.s32 $0x40, s16;
	[tilespmem:s6+$0xFFFFFFA0] =	vst v38;
	v38 =	vperm.xlane v24, v9  }
0x137: {  	v30 =	vadd.f32 v30, v23;
	[tilespmem:s6+$0xFFFFFFB0] =	vst v35;
	v35 =	vmul.f32 v37, v20;
	v37 =	vmul.f32 v37, v21  }
0x138: {  	v31 =	vadd.f32 v31, v18;
	[tilespmem:s26+$0xFFFFFFA0] =	vst v34;
	v34 =	vmul.f32 v39, v16;
	v39 =	vmul.f32 v39, v17  }
0x139: {  	[tilespmem:s26+$0xFFFFFFB0] =	vst v30;
	v30 =	vadd.f32 v32, v19;
	v32 =	vmul.f32 v38, v20;
	v38 =	vmul.f32 v38, v21  }
0x13a: {  	v28 =	vadd.f32 v28, v22;
	[tilespmem:s6+$0xFFFFFFC0] =	vst v31;
	v31 =	vmul.f32 v40, v16;
	v40 =	vmul.f32 v40, v17  }
0x13b: {  	v29 =	vadd.f32 v29, v23;
	v41 =	vperm.xlane v25, v11;
	[tilespmem:s6+$0xFFFFFFD0] =	vst v30;
	v30 =	vperm.xlane v24, v10  }
0x13c: {  	v42 =	vperm.xlane v24, v11;
	[tilespmem:s26+$0xFFFFFFC0] =	vst v28;
	v28 =	vadd.f32 v36, v18;
	v36 =	vmul.f32 v27, v20  }
0x13d: {  	v27 =	vmul.f32 v27, v21;
	[tilespmem:s26+$0xFFFFFFD0] =	vst v29;
	v29 =	vadd.f32 v33, v19;
	v33 =	vmul.f32 v30, v20  }
0x13e: {  	v30 =	vmul.f32 v30, v21;
	[tilespmem:s6+$0xFFFFFFE0] =	vst v28;
	v28 =	vadd.f32 v36, v22;
	v36 =	vmul.f32 v26, v16  }
0x13f: {  	v27 =	vadd.f32 v27, v23;
	v26 =	vmul.f32 v26, v17;
	[tilespmem:s6+$0xFFFFFFF0] =	vst v29;
	v29 =	vmul.f32 v41, v16  }
0x140: {  	[tilespmem:s26+$0xFFFFFFE0] =	vst v28;
	v28 =	vadd.f32 v36, v18;
	v36 =	vmul.f32 v41, v17;
	v41 =	vmul.f32 v42, v20  }
0x141: {  	v26 =	vadd.f32 v26, v19;
	[tilespmem:s26+$0xFFFFFFF0] =	vst v27;
	v27 =	vmul.f32 v42, v21;
	v42 =	vperm.xlane v25, v12  }
0x142: {  	v43 =	vperm.xlane v25, v13;
	[tilespmem:s6+$0x0] =	vst v28;
	v28 =	vadd.f32 v35, v22;
	v35 =	vperm.xlane v24, v12  }
0x143: {  	[tilespmem:s6+$0x10] =	vst v26;
	v26 =	vadd.f32 v37, v23;
	v37 =	vmul.f32 v42, v16;
	v42 =	vmul.f32 v42, v17  }
0x144: {  	[tilespmem:s26+$0x0] =	vst v28;
	v28 =	vadd.f32 v34, v18;
	v34 =	vmul.f32 v35, v20;
	v35 =	vmul.f32 v35, v21  }
0x145: {  	v44 =	vmul.f32 v43, v16;
	[tilespmem:s26+$0x10] =	vst v26;
	v26 =	vadd.f32 v39, v19;
	v39 =	vperm.xlane v24, v13  }
0x146: {  	[tilespmem:s6+$0x20] =	vst v28;
	v28 =	vadd.f32 v32, v22;
	v32 =	vmul.f32 v43, v17;
	v43 =	vperm.xlane v25, v14  }
0x147: {  	[tilespmem:s6+$0x30] =	vst v26;
	v26 =	vadd.f32 v38, v23;
	v38 =	vmul.f32 v39, v20;
	v39 =	vmul.f32 v39, v21  }
0x148: {  	[tilespmem:s26+$0x20] =	vst v28;
	v28 =	vadd.f32 v31, v18;
	v31 =	vperm.xlane v24, v14;
	v45 =	vmul.f32 v43, v16  }
0x149: {  	v25 =	vperm.xlane v25, v15;
	[tilespmem:s26+$0x30] =	vst v26;
	v26 =	vadd.f32 v40, v19;
	v40 =	vmul.f32 v43, v17  }
0x14a: {  	[tilespmem:s6+$0x40] =	vst v28;
	v28 =	vadd.f32 v33, v22;
	v33 =	vmul.f32 v31, v20;
	v31 =	vmul.f32 v31, v21  }
0x14b: {  	[tilespmem:s6+$0x50] =	vst v26;
	v26 =	vadd.f32 v30, v23;
	v30 =	vmul.f32 v25, v16;
	v25 =	vmul.f32 v25, v17  }
0x14c: {  	v24 =	vperm.xlane v24, v15;
	[tilespmem:s26+$0x40] =	vst v28;
	v28 =	vadd.f32 v29, v18  }
0x14d: {  	[tilespmem:s26+$0x50] =	vst v26;
	v26 =	vadd.f32 v36, v19  }
0x14e: {  	v29 =	vmul.f32 v24, v20;
	[tilespmem:s6+$0x60] =	vst v28;
	v28 =	vadd.f32 v41, v22  }
0x14f: {  	[tilespmem:s6+$0x70] =	vst v26;
	v26 =	vadd.f32 v27, v23  }
0x150: {  	v27 =	vadd.f32 v37, v18;
	[tilespmem:s26+$0x60] =	vst v28;
	v28 =	vadd.f32 v42, v19  }
0x151: {  	[tilespmem:s26+$0x70] =	vst v26;
	v26 =	vadd.f32 v34, v22;
	v34 =	vadd.f32 v35, v23  }
0x152: {  	v32 =	vadd.f32 v32, v19;
	[tilespmem:s6+$0x80] =	vst v27;
	v27 =	vadd.f32 v44, v18  }
0x153: {  	v35 =	vadd.f32 v39, v23;
	[tilespmem:s6+$0x90] =	vst v28;
	v28 =	vadd.f32 v38, v22  }
0x154: {  	v36 =	vadd.f32 v40, v19;
	[tilespmem:s26+$0x80] =	vst v26;
	v26 =	vadd.f32 v45, v18  }
0x155: {  	v33 =	vadd.f32 v33, v22;
	v31 =	vadd.f32 v31, v23;
	v24 =	vmul.f32 v24, v21;
	[tilespmem:s26+$0x90] =	vst v34  }
0x156: {  	v25 =	vadd.f32 v25, v19;
	[tilespmem:s6+$0xA0] =	vst v27;
	v27 =	vadd.f32 v30, v18  }
0x157: {  	s18 =	sshra.s32 s18, $0x2;
	v29 =	vadd.f32 v29, v22;
	v24 =	vadd.f32 v24, v23;
	[tilespmem:s6+$0xB0] =	vst v32  }
0x158: {  	[tilespmem:s26+$0xA0] =	vst v28  }
0x159: {  	[tilespmem:s26+$0xB0] =	vst v35  }
0x15a: {  	[tilespmem:s6+$0xC0] =	vst v26  }
0x15b: {  	[tilespmem:s6+$0xD0] =	vst v36  }
0x15c: {  	[tilespmem:s26+$0xC0] =	vst v33  }
0x15d: {  	[tilespmem:s26+$0xD0] =	vst v31  }
0x15e: {  	[tilespmem:s6+$0xE0] =	vst v27  }
0x15f: {  	[tilespmem:s6+$0xF0] =	vst v25;
	s6 =	smov.u32 s13  }
0x160: {  	[tilespmem:s26+$0xE0] =	vst v29  }
0x161: {  	[tilespmem:s26+$0xF0] =	vst v24;
	s26 =	smov.u32 s17;
	_ =	sdelay $0x2  }
0x162: {  	v25 =	vld [tilespmem:s18+$0x4D0]  }
0x163: {  	v24 =	vld [tilespmem:s18+$0x7F0];
	_ =	sdelay $0x3  }
0x164: {  	v26 =	vperm.xlane v25, v0;
	v27 =	vperm.xlane v25, v4  }
0x165: {  	v29 =	vperm.xlane v25, v1;
	v28 =	vperm.xlane v24, v0  }
0x166: {  	v30 =	vmul.f32 v26, v16;
	v26 =	vmul.f32 v26, v17  }
0x167: {  	v31 =	vmul.f32 v28, v20;
	v28 =	vmul.f32 v28, v21  }
0x168: {  	v32 =	vmul.f32 v27, v16;
	v30 =	vadd.f32 v30, v18;
	v26 =	vadd.f32 v26, v19  }
0x169: {  	v33 =	vmul.f32 v29, v16;
	v31 =	vadd.f32 v31, v22;
	v28 =	vadd.f32 v28, v23  }
0x16a: {  	v29 =	vmul.f32 v29, v17;
	[tilespmem:s13+$0xFFFFFF00] =	vst v30;
	v30 =	vperm.xlane v24, v1  }
0x16b: {  	v34 =	vperm.xlane v24, v2;
	[tilespmem:s13+$0xFFFFFF10] =	vst v26;
	v26 =	vperm.xlane v25, v2  }
0x16c: {  	[tilespmem:s17+$0xFFFFFF00] =	vst v31;
	v31 =	vadd.f32 v33, v18;
	v33 =	vmul.f32 v30, v20;
	v30 =	vmul.f32 v30, v21  }
0x16d: {  	[tilespmem:s17+$0xFFFFFF10] =	vst v28;
	v28 =	vadd.f32 v29, v19;
	v29 =	vmul.f32 v26, v16;
	v26 =	vmul.f32 v26, v17  }
0x16e: {  	[tilespmem:s13+$0xFFFFFF20] =	vst v31;
	v31 =	vadd.f32 v33, v22;
	v33 =	vmul.f32 v34, v20;
	v34 =	vmul.f32 v34, v21  }
0x16f: {  	v35 =	vperm.xlane v24, v3;
	[tilespmem:s13+$0xFFFFFF30] =	vst v28;
	v28 =	vadd.f32 v30, v23;
	v30 =	vperm.xlane v25, v3  }
0x170: {  	v27 =	vmul.f32 v27, v17;
	v29 =	vadd.f32 v29, v18;
	[tilespmem:s17+$0xFFFFFF20] =	vst v31;
	v31 =	vperm.xlane v24, v4  }
0x171: {  	v26 =	vadd.f32 v26, v19;
	[tilespmem:s17+$0xFFFFFF30] =	vst v28;
	v28 =	vmul.f32 v30, v16;
	v30 =	vmul.f32 v30, v17  }
0x172: {  	[tilespmem:s13+$0xFFFFFF40] =	vst v29;
	v29 =	vadd.f32 v33, v22;
	v33 =	vmul.f32 v35, v20;
	v35 =	vmul.f32 v35, v21  }
0x173: {  	v36 =	vmul.f32 v31, v20;
	v37 =	vmul.f32 v31, v21;
	[tilespmem:s13+$0xFFFFFF50] =	vst v26;
	v26 =	vadd.f32 v34, v23  }
0x174: {  	v31 =	vperm.xlane v24, v5;
	v28 =	vadd.f32 v28, v18;
	[tilespmem:s17+$0xFFFFFF40] =	vst v29;
	v29 =	vperm.xlane v25, v5  }
0x175: {  	v38 =	vperm.xlane v25, v6;
	v39 =	vperm.xlane v24, v6;
	[tilespmem:s17+$0xFFFFFF50] =	vst v26;
	v26 =	vadd.f32 v30, v19  }
0x176: {  	[tilespmem:s13+$0xFFFFFF60] =	vst v28;
	v28 =	vadd.f32 v33, v22;
	v33 =	vmul.f32 v29, v16;
	v29 =	vmul.f32 v29, v17  }
0x177: {  	v34 =	vmul.f32 v31, v20;
	v30 =	vmul.f32 v31, v21;
	[tilespmem:s13+$0xFFFFFF70] =	vst v26;
	v26 =	vadd.f32 v35, v23  }
.Ltmp1:
0x178: {  	v40 =	vadd.f32 v32, v18;
	v31 =	vmul.f32 v38, v16;
	[tilespmem:s17+$0xFFFFFF60] =	vst v28;
	v35 =	vadd.f32 v29, v19;
	(pc) =	sbr.rel @p1 .LBB2_5-.Ltmp1, $4  }
0x179: {  	v32 =	vmul.f32 v38, v17;
	v28 =	vmul.f32 v39, v20;
	[tilespmem:s17+$0xFFFFFF70] =	vst v26;
	v26 =	vadd.f32 v27, v19  }
0x17a: {  	v36 =	vadd.f32 v36, v22;
	v29 =	vmul.f32 v39, v21;
	v39 =	vperm.xlane v25, v7;
	[tilespmem:s13+$0xFFFFFF80] =	vst v40  }
0x17b: {  	v37 =	vadd.f32 v37, v23;
	v27 =	vperm.xlane v24, v7;
	[tilespmem:s13+$0xFFFFFF90] =	vst v26;
	v26 =	vperm.xlane v25, v8  }
0x17c: {  	v38 =	vadd.f32 v33, v18;
	v33 =	vmul.f32 v39, v17;
	[tilespmem:s17+$0xFFFFFF80] =	vst v36;
	v36 =	vmul.f32 v39, v16  }
0x17d: {  	[tilespmem:s26+$0xFFFFFF90] =	vst v37  }
0x17e: {  	v34 =	vadd.f32 v34, v22;
	[tilespmem:s6+$0xFFFFFFA0] =	vst v38  }
0x17f: {  	v30 =	vadd.f32 v30, v23;
	[tilespmem:s6+$0xFFFFFFB0] =	vst v35  }
0x180: {  	v31 =	vadd.f32 v31, v18;
	[tilespmem:s26+$0xFFFFFFA0] =	vst v34  }
0x181: {  	v62 =	vadd.f32 v32, v19;
	[tilespmem:s26+$0xFFFFFFB0] =	vst v30  }
0x182: {  	v28 =	vadd.f32 v28, v22;
	[tilespmem:s6+$0xFFFFFFC0] =	vst v31  }
0x183: {  	v29 =	vadd.f32 v29, v23;
	[tilespmem:s6+$0xFFFFFFD0] =	vst v62  }
0x184: {  	v63 =	vadd.f32 v36, v18;
	v34 =	vmul.f32 v27, v20;
	[tilespmem:s26+$0xFFFFFFC0] =	vst v28  }
0x185: {  	v35 =	vadd.f32 v33, v19;
	v36 =	vmul.f32 v27, v21;
	[tilespmem:s26+$0xFFFFFFD0] =	vst v29  }
0x186: {  	v37 =	vperm.xlane v24, v8;
	v39 =	vmul.f32 v26, v16;
	v38 =	vadd.f32 v34, v22;
	[tilespmem:s6+$0xFFFFFFE0] =	vst v63  }
0x187: {  	v40 =	vmul.f32 v26, v17;
	v27 =	vadd.f32 v36, v23;
	[tilespmem:s6+$0xFFFFFFF0] =	vst v35  }
0x188: {  	v41 =	vperm.xlane v25, v9;
	v42 =	vmul.f32 v37, v20;
	v43 =	vadd.f32 v39, v18;
	[tilespmem:s26+$0xFFFFFFE0] =	vst v38  }
0x189: {  	v44 =	vmul.f32 v37, v21;
	v26 =	vadd.f32 v40, v19;
	[tilespmem:s26+$0xFFFFFFF0] =	vst v27  }
0x18a: {  	v45 =	vperm.xlane v24, v9;
	v46 =	vmul.f32 v41, v16;
	v47 =	vadd.f32 v42, v22;
	[tilespmem:s6+$0x0] =	vst v43  }
0x18b: {  	v29 =	vmul.f32 v41, v17;
	v48 =	vadd.f32 v44, v23;
	[tilespmem:s6+$0x10] =	vst v26  }
0x18c: {  	v49 =	vperm.xlane v25, v10;
	v50 =	vmul.f32 v45, v20;
	v51 =	vadd.f32 v46, v18;
	[tilespmem:s26+$0x0] =	vst v47  }
0x18d: {  	v27 =	vmul.f32 v45, v21;
	v52 =	vadd.f32 v29, v19;
	[tilespmem:s26+$0x10] =	vst v48  }
0x18e: {  	v54 =	vperm.xlane v24, v10;
	v53 =	vmul.f32 v49, v16;
	v55 =	vadd.f32 v50, v22;
	[tilespmem:s6+$0x20] =	vst v51  }
0x18f: {  	v30 =	vmul.f32 v49, v17;
	v56 =	vadd.f32 v27, v23;
	[tilespmem:s6+$0x30] =	vst v52  }
0x190: {  	v57 =	vperm.xlane v25, v11;
	v58 =	vmul.f32 v54, v20;
	v59 =	vadd.f32 v53, v18;
	[tilespmem:s26+$0x20] =	vst v55  }
0x191: {  	v60 =	vmul.f32 v54, v21;
	v61 =	vadd.f32 v30, v19;
	[tilespmem:s26+$0x30] =	vst v56  }
0x192: {  	v62 =	vperm.xlane v24, v11;
	v36 =	vadd.f32 v58, v22;
	v63 =	vmul.f32 v57, v16;
	[tilespmem:s6+$0x40] =	vst v59  }
0x193: {  	v37 =	vadd.f32 v60, v23;
	v27 =	vmul.f32 v57, v17;
	[tilespmem:s6+$0x50] =	vst v61  }
0x194: {  	v39 =	vperm.xlane v25, v12;
	v38 =	vmul.f32 v62, v20;
	v40 =	vadd.f32 v63, v18;
	[tilespmem:s26+$0x40] =	vst v36  }
0x195: {  	v30 =	vmul.f32 v62, v21;
	v41 =	vadd.f32 v27, v19;
	[tilespmem:s26+$0x50] =	vst v37  }
0x196: {  	v42 =	vperm.xlane v24, v12;
	v43 =	vmul.f32 v39, v16;
	v44 =	vadd.f32 v38, v22;
	[tilespmem:s6+$0x60] =	vst v40  }
0x197: {  	v45 =	vmul.f32 v39, v17;
	v46 =	vadd.f32 v30, v23;
	[tilespmem:s6+$0x70] =	vst v41  }
0x198: {  	v47 =	vperm.xlane v25, v13;
	v48 =	vmul.f32 v42, v20;
	v49 =	vadd.f32 v43, v18;
	[tilespmem:s26+$0x60] =	vst v44  }
0x199: {  	v29 =	vadd.f32 v45, v19;
	v27 =	vmul.f32 v42, v21;
	[tilespmem:s26+$0x70] =	vst v46  }
0x19a: {  	v50 =	vperm.xlane v24, v13;
	v51 =	vmul.f32 v47, v16;
	v32 =	vadd.f32 v48, v22;
	[tilespmem:s6+$0x80] =	vst v49  }
0x19b: {  	v52 =	vmul.f32 v47, v17;
	v27 =	vadd.f32 v27, v23;
	[tilespmem:s6+$0x90] =	vst v29  }
0x19c: {  	v53 =	vperm.xlane v25, v14;
	v54 =	vmul.f32 v50, v20;
	v31 =	vadd.f32 v51, v18;
	[tilespmem:s26+$0x80] =	vst v32  }
0x19d: {  	v26 =	vmul.f32 v50, v21;
	v28 =	vadd.f32 v52, v19;
	[tilespmem:s26+$0x90] =	vst v27  }
0x19e: {  	v30 =	vadd.f32 v54, v22;
	v55 =	vperm.xlane v24, v14;
	v56 =	vmul.f32 v53, v16;
	[tilespmem:s6+$0xA0] =	vst v31  }
0x19f: {  	v26 =	vadd.f32 v26, v23;
	v29 =	vmul.f32 v53, v17;
	[tilespmem:s6+$0xB0] =	vst v28  }
0x1a0: {  	v57 =	vperm.xlane v25, v15;
	v58 =	vmul.f32 v55, v20;
	v59 =	vadd.f32 v56, v18;
	[tilespmem:s26+$0xA0] =	vst v30  }
0x1a1: {  	v27 =	vmul.f32 v55, v21;
	v29 =	vadd.f32 v29, v19;
	[tilespmem:s26+$0xB0] =	vst v26  }
0x1a2: {  	v60 =	vmul.f32 v57, v16;
	v61 =	vperm.xlane v24, v15;
	v28 =	vadd.f32 v58, v22;
	[tilespmem:s6+$0xC0] =	vst v59  }
0x1a3: {  	v25 =	vmul.f32 v57, v17;
	v27 =	vadd.f32 v27, v23;
	[tilespmem:s6+$0xD0] =	vst v29  }
0x1a4: {  	v62 =	vmul.f32 v61, v20;
	v26 =	vadd.f32 v60, v18;
	[tilespmem:s26+$0xC0] =	vst v28  }
0x1a5: {  	v25 =	vadd.f32 v25, v19;
	v24 =	vmul.f32 v61, v21;
	[tilespmem:s26+$0xD0] =	vst v27  }
0x1a6: {  	v63 =	vadd.f32 v62, v22;
	[tilespmem:s6+$0xE0] =	vst v26  }
0x1a7: {  	v24 =	vadd.f32 v24, v23;
	[tilespmem:s6+$0xF0] =	vst v25  }
0x1a8: {  	[tilespmem:s26+$0xE0] =	vst v63  }
0x1a9: {  	[tilespmem:s26+$0xF0] =	vst v24  }
0x1aa: {  	_ =	swait.ge [sflag:s8], $0xC80  }
0x1ab: {  	[sflag:s8] =	ssyncset.done $0x0  }
0x1ac: {  	[sflag:s8] =	ssyncadd.s32 $0xFFFFF380  }
0x1ad: {  	_ =	swait.ge [sflag:s8], $0xC80  }
0x1ae: {  	[sflag:s8] =	ssyncset.done $0x0  }
0x1af: {  	[sflag:s8] =	ssyncadd.s32 $0xFFFFF380  }
0x1b0: {  	_ =	swait.ge [sflag:s8], $0xC80  }
0x1b1: {  	[sflag:s8] =	ssyncset.done $0x0  }
0x1b2: {  	s6 =	sadd.s32 @!p0 $0x3, s24;
	[sflag:s8] =	ssyncadd.s32 $0xFFFFF380  }
0x1b3: {  	s13 =	smul.u32 @!p0 $0x34, s6;
	_ =	swait.ge [sflag:s8], $0xC80  }
0x1b4: {  	s16 =	simm.s32 @!p0 $0x0;
	s17 =	simm.s32 @!p0 $0x1A0;
	[sflag:s8] =	ssyncset.done $0x0  }
0x1b5: {  	s6 =	smul.u32 @!p0 $0x32, s6;
	s13 =	sadd.s32 @!p0 s11, s13;
	[sflag:s8] =	ssyncadd.s32 $0xFFFFF380  }
0x1b6: {  	[tilespmem:s17], [sflag:$0x2] =	stream.linear.gather @!p0 [hbm4b:s13+s16], $0x1A0, $0x38;
	[tilespmem:$0x13600] =	vst v63  }
0x1b7: {  	s13 =	sadd.s32 @!p0 s0, s6;
	s17 =	simm.s32 @!p0 $0x4D0  }
0x1b8: {  	[tilespmem:s17], [sflag:$0x2] =	stream.linear.gather @!p0 [hbm4b:s13+s16], $0x190, $0x38;
	[tilespmem:$0x13600] =	vst v63  }
0x1b9: {  	s22 =	sadd.s32 $0x1, s22;
	s6 =	sadd.s32 @!p0 s1, s6;
	s13 =	simm.s32 @!p0 $0x7F0  }
0x1ba: {  	[tilespmem:s13], [sflag:$0x2] =	stream.linear.gather @!p0 [hbm4b:s6+s16], $0x190, $0x38;
	[tilespmem:$0x13600] =	vst v63  }
0x1bb: {  	s18 =	sadd.s32 $0x12C0, s25;
	p0 =	sne.s32 s22, $0x8  }
0x1bc: {  	[hbm4b:s18+s29] =	stream.strided.scatter [tilespmem:s5], [sflag:$0x6], $0x3200, s31, s29, $0x38;
	[tilespmem:$0x13600] =	vst v63  }
.Ltmp2:
0x1bd: {  	_ = 	snop;
	(pc) =	sbr.rel @p0 .LBB2_2-.Ltmp2, $4  }
0x1be: {  	s24 =	sadd.s32 $0x12C4, s25  }
0x1bf: {  	[hbm4b:s24+s29] =	stream.strided.scatter [tilespmem:s15], [sflag:$0x6], $0x3200, s31, s29, $0x38;
	[tilespmem:$0x13600] =	vst v63  }
0x1c0: {  	s26 =	sadd.s32 $0x12C8, s25  }
0x1c1: {  	[hbm4b:s26+s29] =	stream.strided.scatter [tilespmem:s7], [sflag:$0x6], $0x3200, s31, s29, $0x38;
	[tilespmem:$0x13600] =	vst v63  }
0x1c2: {  	s6 =	simm.s32 $0x5  }
0x1c3: {  	_ =	swait.ge [sflag:s6], $0x3200  }
0x1c4: {  	[sflag:s6] =	ssyncset.done $0x0  }
0x1c5: {  	[sflag:s6] =	ssyncadd.s32 $0xFFFFCE00  }
0x1c6: {  	_ =	swait.ge [sflag:s6], $0x3200  }
0x1c7: {  	[sflag:s6] =	ssyncset.done $0x0  }
0x1c8: {  	[sflag:s6] =	ssyncadd.s32 $0xFFFFCE00  }
0x1c9: {  	_ =	swait.ge [sflag:s6], $0x3200  }
0x1ca: {  	[sflag:s6] =	ssyncset.done $0x0  }
0x1cb: {  	s13 =	simm.s32 $0x6;
	[sflag:s6] =	ssyncadd.s32 $0xFFFFCE00  }
0x1cc: {  	_ =	swait.ge [sflag:s13], $0x3200  }
0x1cd: {  	[sflag:s13] =	ssyncset.done $0x0  }
0x1ce: {  	[sflag:s13] =	ssyncadd.s32 $0xFFFFCE00  }
0x1cf: {  	_ =	swait.ge [sflag:s13], $0x3200  }
0x1d0: {  	[sflag:s13] =	ssyncset.done $0x0  }
0x1d1: {  	[sflag:s13] =	ssyncadd.s32 $0xFFFFCE00  }
0x1d2: {  	_ =	swait.ge [sflag:s13], $0x3200  }
0x1d3: {  	s16 =	rddreg [dreg:$0x10]  }
0x1d4: {  	s26 =	rddreg [dreg:$0xf];
	s16 =	sadd.s32 $0x1, s16  }
0x1d5: {  	p0 =	sne.s32 s16, s26  }
.Ltmp3:
0x1d6: {  	_ = 	snop;
	(pc) =	sbr.rel @p0 .LBB2_1-.Ltmp3, $3  }
0x1d7: {  	_ =	sdelay $0x1  }
0x1d8: {  	[sflag:s13] =	ssyncset.done $0x0  }
0x1d9: {  	[sflag:s13] =	ssyncadd.s32 $0xFFFFCE00  }
0x1da: {  	_ =	sfence.sel $0x180000  }
0x1db: {  	[bflag:$0x0] =	sbarrier.arrive $0xFFFF  }
0x1dc: {  	_ =	strace $0x90000047  }
0x1dd: {  	s0 =	stileid.u32;
	[bflag:$0x2] =	sbarrier.arrive $0xFFFF  }
0x1de: {  	p0 =	sne.s32 s0, $0x0;
	s0 =	rddreg [dreg:$0x8]  }
0x1df: {  	s0 =	sadd.s32 @!p0 $0x100000, s0  }
0x1e0: {  	[sflag:s0] =	ssyncadd.tile.s32 @!p0 $0x1;
	_ =	shalt  }
.Lfunc_end2:
_tile_overlayer_lowered:
.L_overlay_start_2:
0x1e1: {  	(tag) =	ssettag $0x2  }
0x1e2: {  	s0 =	rddreg [dreg:$0x0];
	s2 =	stileid.u32  }
0x1e3: {  	s1 =	rddreg [dreg:$0x1];
	p0 =	sne.s32 s2, $0x0  }
0x1e4: {  	s3 =	rddreg [dreg:$0x2];
	[bflag:$0x3] =	sbarrier.arrive $0xFFFF;
	s2 =	simm.s32 @!p0 $0x1C07  }
0x1e5: {  	[timem:s3], [sflag:s2] =	dma.local @!p0 [hbm:s0], s1  }
0x1e6: {  	s0 =	simm.s32 @!p0 $0x7  }
0x1e7: {  	_ =	swait.ge @!p0 [sflag:s0], s1  }
0x1e8: {  	s1 =	ssub.s32 @!p0 $0x0, s1;
	[sflag:s0] =	ssyncset.done @!p0 $0x0  }
0x1e9: {  	[sflag:s0] =	ssyncadd.s32 @!p0 s1  }
0x1ea: {  	[bflag:$0x3] =	sbarrier.arrive $0xFFFF  }
0x1eb: {  	_ =	shalt  }

// kernel: sparse-core-data-format-call.cloned.1.call-start
scs
called_computation_lowered:
.L_overlay_start_0:
0x0: {  	s2 =	sld [smem:$0x3FD9]  }
0x1: {  	s3 =	sld [smem:$0x3FFE];
	_ =	sdelay $0x1  }
0x2: {  	s1 =	srdreg.scid  }
0x3: {  	s0 =	sand.u32 $0x1, s1  }
0x4: {  	s18 =	sshll.u32 s0, $0xA;
	s2 =	sadd.s32 s3, s2  }
0x5: {  	s2 =	sadd.s32 s2, s18  }
0x6: {  	[smem:$0x3FC0] =	sst s2  }
0x7: {  	_ = 	snop  }
0x8: {  	s2 =	sld [smem:$0x3FD0];
	(tm) =	ssettm $0x1  }
0x9: {  	s19 =	sld [smem:$0x3FFB];
	_ =	sdelay $0x3  }
0xa: {  	_ =	strace s19  }
0xb: {  	s3 =	sld [smem:$0x3FFC];
	_ =	sdelay $0x3  }
0xc: {  	_ =	strace s3  }
0xd: {  	s3 =	sld [smem:$0x3FFD];
	_ =	sdelay $0x3  }
0xe: {  	_ =	strace s3  }
0xf: {  	_ =	strace $0x8FFFFFFF  }
0x10: {  	s20 =	sld [smem:$0x3FDB];
	_ =	sdelay $0x1  }
0x11: {  	s4 =	simm.s32 $_scs_section_size  }
0x12: {  	s5 =	simm.s32 $_size__tile_overlayer_lowered;
	s6 =	simm.s32 $_tile_overlayer_lowered  }
0x13: {  	s23 =	simm.s32 $0x1BFF;
	s22 =	sshll.u32 s6, $0x1;
	s3 =	sadd.s32 s4, s20  }
0x14: {  	s7 =	simm.s32 $0x0;
	s21 =	sshll.u32 s5, $0x1;
	s5 =	sadd.s32 s22, s3  }
0x15: {  	[timem:s7], [sflag:s23] =	dma.local [hbm:s5], s21  }
0x16: {  	_ =	swait.ge [sflag:s23], s21  }
0x17: {  	s4 =	ssub.s32 $0x0, s21;
	[sflag:s23] =	ssyncset.done $0x0  }
0x18: {  	[sflag:s23] =	ssyncadd.s32 s4;
	_ =	sdelay $0x1  }
0x19: {  	s24 =	simm.s32 $0x1B8B  }
0x1a: {  	_ =	swait.ge [sflag:s24], $0x1  }
0x1b: {  	[sflag:s24] =	ssyncset.done $0x0  }
0x1c: {  	s26 =	simm.s32 $0x1B8E;
	s25 =	sld [smem:$0x3FFE];
	[sflag:s24] =	ssyncadd.s32 $0xFFFFFFFF  }
0x1d: {  	s27 =	simm.s32 $execute0_lowered;
	[smem:$0x3FD2] =	sst s26  }
0x1e: {  	s5 =	sshll.u32 s27, $0x1;
	_ =	strace $0x80000049;
	[dreg:$0x1] =	wrdreg $0xFFFFFFFF  }
0x1f: {  	s28 =	simm.s32 $_size_execute0_lowered;
	s3 =	sadd.s32 s3, s5;
	[dreg:$0x0] =	wrdreg $0x0  }
0x20: {  	s5 =	sshll.u32 s28, $0x1;
	[dreg:$0x2] =	wrdreg s3  }
0x21: {  	[dreg:$0x3] =	wrdreg s5  }
0x22: {  	[dreg:$0x4] =	wrdreg $0xC0  }
0x23: {  	_ =	task [dreg:s7], $0x5FFFF  }
0x24: {  	[dreg:$0x1] =	wrdreg $0xFFFFFFFF  }
0x25: {  	[dreg:$0x0] =	wrdreg $0x60  }
0x26: {  	[dreg:$0x2] =	wrdreg s25  }
0x27: {  	[dreg:$0x3] =	wrdreg s2  }
0x28: {  	[dreg:$0x4] =	wrdreg $0x9  }
0x29: {  	_ =	task.clear_ibuf [dreg:s7], $0x5FFFF;
	_ =	strace $0x90000049  }
0x2a: {  	s29 =	simm.s32 $0x9;
	_ =	strace $0x8000004B  }
0x2b: {  	_ =	swait.ge [sflag:s29], $0x1  }
0x2c: {  	[sflag:s29] =	ssyncadd.s32 $0xFFFFFFFF  }
0x2d: {  	_ =	strace $0x9000004B  }
0x2e: {  	_ =	sfence  }
0x2f: {  	s30 =	sld [smem:$0x0];
	_ =	sdelay $0x2  }
0x30: {  	s31 =	sshll.u32 s1, $0xD;
	s1 =	sshrl.u32 s1, $0x2  }
0x31: {  	s3 =	sand.u32 $0x4000, s31;
	s1 =	sadd.s32 s1, s30  }
0x32: {  	s0 =	sor.u32 s3, s0;
	s1 =	sshll.u32 s1, $0x11  }
0x33: {  	s0 =	sor.u32 s1, s0  }
0x34: {  	s0 =	sadd.s32 $0x8F2B, s0  }
0x35: {  	[sflag:s0] =	ssyncadd.remote.s32 $0x1  }
0x36: {  	_ =	sfence.sel $0xFFFF  }
0x37: {  	[dreg:$0x0] =	wrdreg $0xFFFFFFFF;
	(pc) =	sbr.abs _section_cstart, $3  }
0x38: {  	[dreg:$0x1] =	wrdreg $0xFFFFFFFF  }
0x39: {  	_ =	task.clear_ibuf [dreg:s7], $0x2FFFF;
	_ =	strace $0x9FFFFFFF  }
0x3a: {  	(tm) =	ssettm $0x7FFFFFFF  }
0x3b: {  	_ =	shalt  }
tec
execute0_lowered:
.L_overlay_start_1:
0x0: {  	(tag) =	ssettag $0x1  }
0x1: {  	s0 =	srdreg.scid  }
0x2: {  	s1 =	sshll.u32 s0, $0x4  }
0x3: {  	s0 =	stileid.u32;
	s1 =	sand.u32 $0x10, s1  }
0x4: {  	s1 =	sor.u32 s0, s1  }
0x5: {  	s6 =	rddreg [dreg:$0x0];
	s4 =	simm.s32 $0x1;
	s2 =	sshll.u32 s1, $0x7  }
0x6: {  	s7 =	simm.s32 $0x2;
	s12 =	simm.s32 $0x0;
	s1 =	ssub.s32 $0x32000, s2  }
0x7: {  	s8 =	simm.s32 $0x190000;
	s13 =	simm.s32 $0x0;
	s3 =	sand.u32 $0xF80, s1  }
0x8: {  	s9 =	simm.s32 $0x0;
	s5 =	sshrl.u32 s1, $0xC;
	p0 =	sne.s32 s3, $0x0  }
.Ltmp0:
0x9: {  	s1 =	rddreg [dreg:$0x2];
	s4 =	simm.s32 @!p0 $0x0;
	(pc) =	sbr.rel .LBB1_1-.Ltmp0, $4  }
0xa: {  	s11 =	simm.s32 $0x0;
	s3 =	rddreg [dreg:$0x1];
	s5 =	sadd.s32 s4, s5  }
0xb: {  	_ =	strace $0x8000004A;
	s4 =	simm.s32 $0x1;
	s5 =	smul.u32 $0x3, s5  }
0xc: {  	s6 =	sadd.s32 $0xA00, s6;
	s10 =	smov.u32 s2;
	[sflag:s4] =	ssyncpa.u1 $0x0  }
0xd: {  	p0 =	por $0x0, $0x0;
	[sflag:s7] =	ssyncpa.u1 $0x0;
	s7 =	sadd.s32 $0x1, s5  }
.LBB1_4:
0xe: {  	s16 =	sshll.u32 s13, $0x3  }
0xf: {  	s29 =	sand.u32 $0x7F, s13;
	s17 =	sand.u32 $0xFFFFFC00, s16  }
0x10: {  	s13 =	sor.u32 s29, s17  }
0x11: {  	s17 =	smulhi.u32 $0x51EB851F, s13  }
0x12: {  	s16 =	smulhi.u32 $0x51EB851F, s16  }
0x13: {  	s17 =	sshrl.u32 s17, $0x10  }
0x14: {  	s16 =	sshrl.u32 s16, $0x10;
	s17 =	smul.u32 $0x32000, s17  }
0x15: {  	s12 =	smul.u32 $0xC8000, s12;
	s16 =	sand.u32 $0x1F, s16  }
0x16: {  	s16 =	smul.u32 $0x6400, s16;
	s13 =	ssub.s32 s13, s17  }
0x17: {  	s12 =	sadd.s32 s3, s12;
	s17 =	sand.u32 $0x7, s13  }
0x18: {  	s12 =	sadd.s32 s16, s12;
	s13 =	sshrl.u32 s13, $0x3;
	s30 =	sshll.u32 s17, $0x12  }
0x19: {  	[tilespmem:s15+$0x0 ss:$0x81] =	vst.msk $0xffff, v0;
	s12 =	sadd.s32 s13, s12;
	s31 =	sor.u32 $0x400, s30  }
0x1a: {  	[hbm4b:s12+s31] =	stream.strided.scatter [tilespmem:s14], [sflag:$0x2], $0x1000, s8, s31, $0x20;
	[tilespmem:$0x4040] =	vst v63  }
.LBB1_5:
0x1b: {  	s14 =	sadd.s32 $0x1, s9  }
0x1c: {  	s12 =	sadd.s32 $0x1000, s10;
	s16 =	smov.u32 s10;
	p2 =	sgt.s32 s14, $0x2  }
0x1d: {  	s16 =	smov.u32 @p2 s12  }
0x1e: {  	s14 =	simm.s32 @p2 $0x0;
	p2 =	sgt.s32 s16, $0x31FFF  }
0x1f: {  	s16 =	smov.u32 @p2 s2;
	p2 =	sne.s32 s11, s7  }
.Ltmp1:
0x20: {  	p1 =	slt.u32 s11, $0x2;
	(pc) =	sbr.rel @!p2 .LBB1_6-.Ltmp1, $4  }
0x21: {  	s15 =	simm.s32 @!p1 $0x2  }
0x22: {  	s13 =	smov.u32 s10;
	p0 =	por !p0, !p0;
	_ =	swait.ge @!p1 [sflag:s15], $0x1000  }
0x23: {  	s12 =	smov.u32 s9;
	[sflag:s15] =	ssyncset.done @!p1 $0x0;
	s9 =	smov.u32 s14  }
0x24: {  	s11 =	sadd.s32 $0x1, s11;
	[sflag:s15] =	ssyncadd.s32 @!p1 $0xFFFFF000;
	s10 =	smov.u32 s16  }
.LBB1_1:
0x25: {  	p1 =	sge.u32 s11, s5  }
0x26: {  	s31 =	sadd.s32 $0xFFFFFFFF, s11;
	s14 =	sxor.u32 @!p1 $0xFFFFFFFF, s11  }
0x27: {  	s15 =	sshll.u32 @!p1 s10, $0x6;
	s16 =	sshll.u32 @!p1 s9, $0x4;
	s17 =	simm.s32 @!p1 $0x200  }
0x28: {  	s14 =	sshll.u32 @!p1 s14, $0xC;
	s16 =	sand.u32 @!p1 $0x30, s16;
	s15 =	sadd.s32 @!p1 s6, s15  }
0x29: {  	s14 =	sand.u32 @!p1 $0x1000, s14;
	s15 =	sadd.s32 @!p1 s16, s15;
	s16 =	simm.s32 @!p1 $0x20  }
0x2a: {  	[tilespmem:s14], [sflag:$0x1] =	stream.strided.gather @!p1 [hbm4b:s15+s16], $0x1000, s17, s16, $0x38;
	[tilespmem:$0x4040] =	vst v63  }
0x2b: {  	p1 =	sge.u32 s31, s5  }
.Ltmp2:
0x2c: {  	_ = 	snop;
	(pc) =	sbr.rel @p1 .LBB1_5-.Ltmp2, $1  }
0x2d: {  	_ =	sdelay $0x3  }
0x2e: {  	s14 =	simm.s32 $0x1  }
0x2f: {  	_ =	swait.ge [sflag:s4], $0x1000;
	s14 =	simm.s32 @!p0 $0x0  }
0x30: {  	[sflag:s4] =	ssyncset.done $0x0;
	s15 =	sshll.u32 s14, $0xC  }
0x31: {  	[sflag:s4] =	ssyncadd.s32 $0xFFFFF000;
	s18 =	sor.u32 $0x10, s15  }
0x32: {  	s14 =	smul.u32 $0x4080, s14;
	v1 =	vld [tilespmem:s18+$0x0]  }
0x33: {  	s30 =	sand.u32 $0x1, s11;
	v0 =	vld [tilespmem:s18+$0xFFFFFFF0]  }
0x34: {  	s15 =	smul.u32 $0x4080, s30;
	s14 =	sshrl.u32 s14, $0x2  }
0x35: {  	s16 =	sor.u32 $0x2000, s14  }
0x36: {  	s31 =	sshrl.u32 s15, $0x2;
	s15 =	sadd.s32 $0x0, s16  }
0x37: {  	s17 =	simm.s32 $0x4;
	s18 =	sadd.s32 $0x20, s18;
	s14 =	sor.u32 $0x2000, s31;
	[tilespmem:s15+$0x810 ss:$0x81] =	vst.msk $0xffff, v1  }
.LBB1_3:
0x38: {  	v1 =	vld [tilespmem:s18+$0x0];
	p1 =	sne.s32 s17, $0x1FC;
	[tilespmem:s15+$0x0 ss:$0x81] =	vst.msk $0xffff, v0;
	s15 =	smov.u32 s17;
	s17 =	sadd.s32 $0x4, s17  }
.Ltmp3:
0x39: {  	v0 =	vld [tilespmem:s18+$0xFFFFFFF0];
	(pc) =	sbr.rel @p1 .LBB1_3-.Ltmp3, $4  }
0x3a: {  	_ = 	snop  }
0x3b: {  	s15 =	sshra.s32 s15, $0x2  }
0x3c: {  	s15 =	sadd.s32 s15, s16  }
0x3d: {  	s18 =	sadd.s32 $0x20, s18;
	[tilespmem:s15+$0x810 ss:$0x81] =	vst.msk $0xffff, v1  }
.Ltmp4:
0x3e: {  	_ = 	snop;
	(pc) =	sbr.rel .LBB1_4-.Ltmp4, $1  }
0x3f: {  	_ =	sdelay $0x3  }
.LBB1_6:
0x40: {  	_ =	sfence.sel $0x180000  }
0x41: {  	s2 =	simm.s32 $0x1;
	[bflag:$0x0] =	sbarrier.arrive $0xFFFF  }
0x42: {  	s31 =	simm.s32 $0x2;
	[sflag:s2] =	ssyncpa.u1 $0x1  }
0x43: {  	[sflag:s31] =	ssyncpa.u1 $0x1  }
0x44: {  	p0 =	sne.s32 s0, $0x0;
	_ =	strace $0x9000004A  }
0x45: {  	s0 =	sadd.s32 @!p0 $0x100000, s1;
	[bflag:$0x2] =	sbarrier.arrive $0xFFFF  }
0x46: {  	[sflag:s0] =	ssyncadd.tile.s32 @!p0 $0x1;
	_ =	shalt  }
.Lfunc_end1:
_tile_overlayer_lowered:
.L_overlay_start_2:
0x47: {  	(tag) =	ssettag $0x2  }
0x48: {  	s0 =	rddreg [dreg:$0x0];
	s2 =	stileid.u32  }
0x49: {  	s1 =	rddreg [dreg:$0x1];
	p0 =	sne.s32 s2, $0x0  }
0x4a: {  	s3 =	rddreg [dreg:$0x2];
	[bflag:$0x3] =	sbarrier.arrive $0xFFFF;
	s2 =	simm.s32 @!p0 $0x1C01  }
0x4b: {  	[timem:s3], [sflag:s2] =	dma.local @!p0 [hbm:s0], s1  }
0x4c: {  	s0 =	simm.s32 @!p0 $0x1  }
0x4d: {  	_ =	swait.ge @!p0 [sflag:s0], s1  }
0x4e: {  	s1 =	ssub.s32 @!p0 $0x0, s1;
	[sflag:s0] =	ssyncset.done @!p0 $0x0  }
0x4f: {  	[sflag:s0] =	ssyncadd.s32 @!p0 s1  }
0x50: {  	[bflag:$0x3] =	sbarrier.arrive $0xFFFF  }
0x51: {  	_ =	shalt  }

</sc_bundles>
